<compile_context>
chip_gen: v7x
topology: tpu7x:2x2x1
jax: 0.10.2.dev20260603
libtpu: 0.0.44.dev20260713+nightly
codegen_flags: <defaults>
</compile_context>

<pallas_src>
import functools

import jax
import jax.numpy as jnp
from jax import lax
from jax.experimental import pallas as pl
from jax.experimental.pallas import tpu as pltpu
from jax.experimental.pallas import tpu_sc as plsc

N_NODES = 10000
N_EDGES = 160000
D_IN = 256
D_HALF = 128
D_OUT = 256
D_EDGE = 16
EA_PAD = 128

NC = 2
NS = 16
B = 128
EP = 163840
K_X = EP // NS // B
K_E = EP // (NC * NS) // B
N_JUNK = 240
N_ACC = N_NODES + N_JUNK
ACC_ROWS_PER_TILE = N_ACC // NS

_EPS = 1e-5



def _sc_aggregate_x(x0, x1, src, dst):
    mesh = plsc.VectorSubcoreMesh(core_axis_name="c", subcore_axis_name="s")
    f32 = jnp.float32

    @functools.partial(
        pl.kernel,
        mesh=mesh,
        out_type=[
            jax.ShapeDtypeStruct((N_ACC, D_HALF), f32),
            jax.ShapeDtypeStruct((N_ACC, D_HALF), f32),
        ],
        scratch_types=[
            pltpu.VMEM((K_E, B), jnp.int32),
            pltpu.VMEM((K_E, B), jnp.int32),
            pltpu.VMEM((B, D_HALF), f32),
            pltpu.VMEM((B, D_HALF), f32),
            pltpu.VMEM_SHARED((N_ACC, D_HALF), f32),
            pltpu.SemaphoreType.DMA,
            pltpu.SemaphoreType.DMA,
            pltpu.SemaphoreType.DMA,
            pltpu.SemaphoreType.DMA,
        ],
    )
    def aggx_kernel(x0_hbm, x1_hbm, src_hbm, dst_hbm, outx0_hbm, outx1_hbm,
                    srcv, dstv, gbuf, gbuf1, accx, sem, sem1, sems0, sems1):
        c = lax.axis_index("c")
        s = lax.axis_index("s")

        zeros16 = jnp.zeros((16,), f32)

        @pl.loop(0, B)
        def _(r):
            @pl.loop(0, D_HALF, step=16)
            def _(q):
                gbuf[r, pl.ds(q, 16)] = zeros16

        @pl.loop(0, ACC_ROWS_PER_TILE, step=B)
        def _(r):
            pltpu.sync_copy(gbuf, accx.at[pl.ds(s * ACC_ROWS_PER_TILE + r, B)])

        plsc.subcore_barrier()

        def wait_g(xh_hbm, j, gb, sm):
            pltpu.make_async_copy(xh_hbm.at[srcv.at[j]], gb, sm).wait()

        def scat(j, gb, sm):
            pltpu.async_copy(gb, accx.at[dstv.at[j]], sm, add=True)

        def wait_s(j, gb, sm):
            pltpu.make_async_copy(gb, accx.at[dstv.at[j]], sm).wait()

        def x_loop(xh_hbm):
            for p in range(2):
                pltpu.sync_copy(src_hbm.at[2 * s + p], srcv)
                pltpu.sync_copy(dst_hbm.at[2 * s + p], dstv)
                pltpu.async_copy(xh_hbm.at[srcv.at[0]], gbuf, sem)
                pltpu.async_copy(xh_hbm.at[srcv.at[1]], gbuf1, sem1)

                @pl.loop(0, K_E - 2, step=2)
                def _(j):
                    wait_g(xh_hbm, j, gbuf, sem)
                    scat(j, gbuf, sems0)
                    wait_g(xh_hbm, j + 1, gbuf1, sem1)
                    scat(j + 1, gbuf1, sems1)
                    wait_s(j, gbuf, sems0)
                    pltpu.async_copy(xh_hbm.at[srcv.at[j + 2]], gbuf, sem)
                    wait_s(j + 1, gbuf1, sems1)
                    pltpu.async_copy(xh_hbm.at[srcv.at[j + 3]], gbuf1, sem1)

                jt = K_E - 2
                wait_g(xh_hbm, jt, gbuf, sem)
                scat(jt, gbuf, sems0)
                wait_g(xh_hbm, jt + 1, gbuf1, sem1)
                scat(jt + 1, gbuf1, sems1)
                wait_s(jt, gbuf, sems0)
                wait_s(jt + 1, gbuf1, sems1)

        @pl.when(c == 0)
        def _():
            x_loop(x0_hbm)

        @pl.when(c == 1)
        def _():
            x_loop(x1_hbm)

        plsc.subcore_barrier()

        rbase = s * ACC_ROWS_PER_TILE

        @pl.when(c == 0)
        def _():
            pltpu.sync_copy(accx.at[pl.ds(rbase, ACC_ROWS_PER_TILE)],
                            outx0_hbm.at[pl.ds(rbase, ACC_ROWS_PER_TILE)])

        @pl.when(c == 1)
        def _():
            pltpu.sync_copy(accx.at[pl.ds(rbase, ACC_ROWS_PER_TILE)],
                            outx1_hbm.at[pl.ds(rbase, ACC_ROWS_PER_TILE)])

    return aggx_kernel(x0, x1, src, dst)


def _sc_aggregate_e(dst, ea):
    mesh = plsc.VectorSubcoreMesh(core_axis_name="c", subcore_axis_name="s")
    f32 = jnp.float32

    @functools.partial(
        pl.kernel,
        mesh=mesh,
        out_type=jax.ShapeDtypeStruct((NC, N_ACC, EA_PAD), f32),
        scratch_types=[
            pltpu.VMEM((K_E, B), jnp.int32),
            pltpu.VMEM((D_EDGE, B), f32),
            pltpu.VMEM((D_EDGE, B), f32),
            pltpu.VMEM((B, EA_PAD), f32),
            pltpu.VMEM_SHARED((N_ACC, EA_PAD), f32),
            pltpu.SemaphoreType.DMA,
            pltpu.SemaphoreType.DMA,
        ],
    )
    def agge_kernel(dst_hbm, ea_hbm, oute_hbm,
                    dstev, rbuf0, rbuf1, ebuf0, acce, semr0, semr1):
        c = lax.axis_index("c")
        s = lax.axis_index("s")
        w = s * NC + c

        zeros16 = jnp.zeros((16,), f32)
        onehot = jnp.where(lax.iota(jnp.int32, 16) == 0,
                           jnp.float32(1), jnp.float32(0))

        @pl.loop(0, B)
        def _(r):
            @pl.loop(0, EA_PAD, step=16)
            def _(q):
                ebuf0[r, pl.ds(q, 16)] = zeros16

        @pl.loop(0, ACC_ROWS_PER_TILE, step=B)
        def _(r):
            pltpu.sync_copy(ebuf0, acce.at[pl.ds(s * ACC_ROWS_PER_TILE + r, B)])

        plsc.subcore_barrier()

        @pl.loop(0, B)
        def _(r):
            ebuf0[r, pl.ds(D_EDGE, 16)] = onehot

        pltpu.sync_copy(dst_hbm.at[w], dstev)

        def read(j, rb, semr):
            pltpu.async_copy(ea_hbm.at[w * K_E + j], rb, semr)

        def wait_read(j, rb, semr):
            pltpu.make_async_copy(ea_hbm.at[w * K_E + j], rb, semr).wait()

        def expand(rb):
            @pl.loop(0, D_EDGE)
            def _(rr):
                for k in range(8):
                    ebuf0[rr * 8 + k, pl.ds(0, D_EDGE)] = (
                        rb[rr, pl.ds(k * D_EDGE, D_EDGE)])

        def scat(j):
            pltpu.sync_copy(ebuf0, acce.at[dstev.at[j]], add=True)

        read(0, rbuf0, semr0)
        read(1, rbuf1, semr1)

        @pl.loop(0, K_E - 2, step=2)
        def _(j):
            wait_read(j, rbuf0, semr0)
            expand(rbuf0)
            read(j + 2, rbuf0, semr0)
            scat(j)
            wait_read(j + 1, rbuf1, semr1)
            expand(rbuf1)
            read(j + 3, rbuf1, semr1)
            scat(j + 1)

        jt = K_E - 2
        wait_read(jt, rbuf0, semr0)
        expand(rbuf0)
        scat(jt)
        wait_read(jt + 1, rbuf1, semr1)
        expand(rbuf1)
        scat(jt + 1)

        plsc.subcore_barrier()

        rbase = s * ACC_ROWS_PER_TILE
        pltpu.sync_copy(acce.at[pl.ds(rbase, ACC_ROWS_PER_TILE)],
                        oute_hbm.at[c, pl.ds(rbase, ACC_ROWS_PER_TILE)])

    return agge_kernel(dst, ea)



NB = 10
BLK = N_NODES // NB


def _dot(a, bm):
    return lax.dot_general(a, bm, (((1,), (0,)), ((), ())),
                           precision=lax.Precision.HIGHEST,
                           preferred_element_type=jnp.float32)


def _tc_a1_body(x_ref, ws_ref, b_ref, wr_ref,
                xw_ref, respre_ref, stats_ref):
    i = pl.program_id(0)
    xb = x_ref[...]
    r = _dot(xb, wr_ref[...])
    xw_ref[...] = _dot(xb, ws_ref[...]) + b_ref[...]
    respre_ref[...] = r

    st = jnp.concatenate(
        [jnp.sum(r, axis=0, keepdims=True),
         jnp.sum(r * r, axis=0, keepdims=True),
         jnp.zeros((6, D_OUT), jnp.float32)], axis=0)

    @pl.when(i == 0)
    def _():
        stats_ref[...] = st

    @pl.when(i > 0)
    def _():
        stats_ref[...] += st


def _tc_a1(x, ws, b2d, wr):
    blk = lambda cols: pl.BlockSpec((BLK, cols), lambda i: (i, 0))
    full = lambda a, c: pl.BlockSpec((a, c), lambda i: (0, 0))
    return pl.pallas_call(
        _tc_a1_body,
        grid=(NB,),
        in_specs=[blk(D_IN), full(D_IN, D_OUT), full(1, D_OUT),
                  full(D_IN, D_OUT)],
        out_specs=[blk(D_OUT), blk(D_OUT),
                   pl.BlockSpec((8, D_OUT), lambda i: (0, 0))],
        out_shape=[
            jax.ShapeDtypeStruct((N_NODES, D_OUT), jnp.float32),
            jax.ShapeDtypeStruct((N_NODES, D_OUT), jnp.float32),
            jax.ShapeDtypeStruct((8, D_OUT), jnp.float32),
        ],
    )(x, ws, b2d, wr)


def _tc_a2_body(xw_ref, ax0_ref, ax1_ref, ae_ref, wm_ref, we_ref,
                hpre_ref, stats_ref):
    i = pl.program_id(0)
    ae = ae_ref[0] + ae_ref[1]
    deg = jnp.maximum(ae[:, D_EDGE:D_EDGE + 1], 1.0)
    ssum = (_dot(ax0_ref[...], wm_ref[0:D_HALF, :])
            + _dot(ax1_ref[...], wm_ref[D_HALF:D_IN, :])
            + _dot(ae[:, 0:D_EDGE], we_ref[...]))
    h = ssum / deg + xw_ref[...]
    hpre_ref[...] = h

    st = jnp.concatenate(
        [jnp.sum(h, axis=0, keepdims=True),
         jnp.sum(h * h, axis=0, keepdims=True),
         jnp.zeros((6, D_OUT), jnp.float32)], axis=0)

    @pl.when(i == 0)
    def _():
        stats_ref[...] = st

    @pl.when(i > 0)
    def _():
        stats_ref[...] += st


def _tc_a2(xw, ax0, ax1, ae, wm, we):
    blk = lambda cols: pl.BlockSpec((BLK, cols), lambda i: (i, 0))
    full = lambda a, c: pl.BlockSpec((a, c), lambda i: (0, 0))
    return pl.pallas_call(
        _tc_a2_body,
        grid=(NB,),
        in_specs=[
            blk(D_OUT), blk(D_HALF), blk(D_HALF),
            pl.BlockSpec((NC, BLK, EA_PAD), lambda i: (0, i, 0)),
            full(D_IN, D_OUT), full(D_EDGE, D_OUT),
        ],
        out_specs=[blk(D_OUT),
                   pl.BlockSpec((8, D_OUT), lambda i: (0, 0))],
        out_shape=[
            jax.ShapeDtypeStruct((N_NODES, D_OUT), jnp.float32),
            jax.ShapeDtypeStruct((8, D_OUT), jnp.float32),
        ],
    )(xw, ax0, ax1, ae, wm, we)



def _tc_b_body(hpre_ref, respre_ref, stats_h_ref, stats_r_ref, g1_ref, b1_ref,
               g2_ref, b2_ref, a_ref, out_ref):
    sth = stats_h_ref[...]
    str_ = stats_r_ref[...]
    inv_n = 1.0 / N_NODES
    mu_h = sth[0:1, :] * inv_n
    var_h = sth[1:2, :] * inv_n - mu_h * mu_h
    mu_r = str_[0:1, :] * inv_n
    var_r = str_[1:2, :] * inv_n - mu_r * mu_r

    h = hpre_ref[...]
    hn = (h - mu_h) * lax.rsqrt(var_h + _EPS) * g1_ref[...] + b1_ref[...]
    a = a_ref[0, 0]
    hn = jnp.where(hn > 0, hn, a * hn)

    r = respre_ref[...]
    rn = (r - mu_r) * lax.rsqrt(var_r + _EPS) * g2_ref[...] + b2_ref[...]
    out_ref[...] = hn + rn


def _tc_b(hpre, respre, stats_h, stats_r, g1, b1, g2, b2, a2d):
    blk = pl.BlockSpec((BLK, D_OUT), lambda i: (i, 0))
    full = lambda r, c: pl.BlockSpec((r, c), lambda i: (0, 0))
    return pl.pallas_call(
        _tc_b_body,
        grid=(NB,),
        in_specs=[blk, blk, full(8, D_OUT), full(8, D_OUT), full(1, D_OUT),
                  full(1, D_OUT), full(1, D_OUT), full(1, D_OUT), full(1, 1)],
        out_specs=blk,
        out_shape=jax.ShapeDtypeStruct((N_NODES, D_OUT), jnp.float32),
    )(hpre, respre, stats_h, stats_r, g1, b1, g2, b2, a2d)



def kernel(x, edge_index, edge_attr, W_msg, W_edge, W_self, b,
           bn_gamma, bn_beta, prelu_a, W_res, rbn_gamma, rbn_beta):
    i32 = jnp.int32
    src = edge_index[0].astype(i32)
    dst = edge_index[1].astype(i32)

    npad = EP - N_EDGES
    pad_ar = jnp.arange(npad, dtype=i32)
    src_p = jnp.concatenate([src, pad_ar % N_NODES])
    dst_p = jnp.concatenate([dst, N_NODES + pad_ar % N_JUNK])

    src3 = src_p.reshape(NC * NS, K_E, B)
    dst3 = dst_p.reshape(NC * NS, K_E, B)

    ea = jnp.concatenate(
        [edge_attr, jnp.zeros((npad, D_EDGE), jnp.float32)], axis=0)
    ea = ea.reshape(NC * NS * K_E, D_EDGE, B)

    x0 = x[:, :D_HALF]
    x1 = x[:, D_HALF:]

    ax0, ax1 = _sc_aggregate_x(x0, x1, src3, dst3)
    ae = _sc_aggregate_e(dst3, ea)

    b2d = b.reshape(1, D_OUT)
    xw, respre, stats_r = _tc_a1(x, W_self, b2d, W_res)

    hpre, stats_h = _tc_a2(xw, ax0, ax1, ae, W_msg, W_edge)

    out = _tc_b(hpre, respre, stats_h, stats_r,
                bn_gamma.reshape(1, D_OUT), bn_beta.reshape(1, D_OUT),
                rbn_gamma.reshape(1, D_OUT), rbn_beta.reshape(1, D_OUT),
                jnp.asarray(prelu_a, jnp.float32).reshape(1, 1))
    return out

# --- scband reference (transcript-rebuilt; emitter-appended) ---
"""Pipeline reference for scband-geo-conv-layer-49237505081488 (READ-ONLY COPY).

The authoritative reference and input builder live on the scoring server;
editing this copy changes nothing except your own understanding.
"""

import jax, jax.numpy as jnp
import numpy as np

N_NODES = 10000
N_EDGES = 160000
D_IN = 256
D_OUT = 256
D_EDGE = 16

def setup_inputs(seed: int = 0) -> dict:
    key = jax.random.key(seed)
    ks = jax.random.split(key, 12)
    x = jax.random.normal(ks[0], (N_NODES, D_IN), dtype=jnp.float32)
    edge_index = jax.random.randint(ks[1], (2, N_EDGES), 0, N_NODES, dtype=jnp.int64)
    edge_attr = jax.random.normal(ks[2], (N_EDGES, D_EDGE), dtype=jnp.float32)
    s = 1.0 / np.sqrt(D_IN)
    W_msg = jax.random.uniform(ks[3], (D_IN, D_OUT), jnp.float32, -s, s)
    W_edge = jax.random.uniform(ks[4], (D_EDGE, D_OUT), jnp.float32, -1.0/np.sqrt(D_EDGE), 1.0/np.sqrt(D_EDGE))
    W_self = jax.random.uniform(ks[5], (D_IN, D_OUT), jnp.float32, -s, s)
    b = jnp.zeros((D_OUT,), jnp.float32)
    bn_gamma = jnp.ones((D_OUT,), jnp.float32)
    bn_beta = jnp.zeros((D_OUT,), jnp.float32)
    prelu_a = jnp.asarray(0.25, jnp.float32)
    W_res = jax.random.uniform(ks[6], (D_IN, D_OUT), jnp.float32, -s, s)
    rbn_gamma = jnp.ones((D_OUT,), jnp.float32)
    rbn_beta = jnp.zeros((D_OUT,), jnp.float32)
    return {"x": x, "edge_index": edge_index, "edge_attr": edge_attr,
            "W_msg": W_msg, "W_edge": W_edge, "W_self": W_self, "b": b,
            "bn_gamma": bn_gamma, "bn_beta": bn_beta, "prelu_a": prelu_a,
            "W_res": W_res, "rbn_gamma": rbn_gamma, "rbn_beta": rbn_beta}

def _batchnorm(h, gamma, beta, eps=1e-5):
    mu = jnp.mean(h, axis=0)
    var = jnp.var(h, axis=0)
    return (h - mu) / jnp.sqrt(var + eps) * gamma + beta

def reference(x, edge_index, edge_attr, W_msg, W_edge, W_self, b,
              bn_gamma, bn_beta, prelu_a, W_res, rbn_gamma, rbn_beta):
    n = x.shape[0]
    src = edge_index[0]
    dst = edge_index[1]
    # residual branch: Linear(bias=False) + BatchNorm1d
    res = _batchnorm(x @ W_res, rbn_gamma, rbn_beta)
    # conv: edge-conditioned GCN-style message passing (mean aggregation)
    m = jnp.take(x, src, axis=0) @ W_msg + edge_attr @ W_edge
    agg = jax.ops.segment_sum(m, dst, num_segments=n)
    deg = jax.ops.segment_sum(jnp.ones((m.shape[0],), jnp.float32), dst, num_segments=n)
    agg = agg / jnp.clip(deg, 1.0)[:, None]
    h = agg + x @ W_self + b
    # BatchNorm1d (training-mode batch stats)
    h = _batchnorm(h, bn_gamma, bn_beta)
    # PReLU
    h = jnp.where(h > 0, h, prelu_a * h)
    # residual add
    out = h + res
    return out

if __name__ == "__main__":
    import jax
    _d = setup_inputs()
    print(jax.jit(kernel)(*tuple(_d.values())))

</pallas_src>

<mosaic_0001>
#map = affine_map<(d0, d1) -> (0, 0)>
#map1 = affine_map<(d0, d1) -> (0, 0, 0)>
module attributes {stable_mosaic.version = 14 : i64} {
  func.func @aggx_kernel(%arg0: i32, %arg1: i32, %arg2: memref<10000x128xf32, #tpu.memory_space<hbm>>, %arg3: memref<10000x128xf32, #tpu.memory_space<hbm>>, %arg4: memref<32x40x128xi32, #tpu.memory_space<hbm>>, %arg5: memref<32x40x128xi32, #tpu.memory_space<hbm>>, %arg6: memref<10240x128xf32, #tpu.memory_space<hbm>>, %arg7: memref<10240x128xf32, #tpu.memory_space<hbm>>, %arg8: memref<40x128xi32, #tpu.memory_space<vmem>>, %arg9: memref<40x128xi32, #tpu.memory_space<vmem>>, %arg10: memref<128x128xf32, #tpu.memory_space<vmem>>, %arg11: memref<128x128xf32, #tpu.memory_space<vmem>>, %arg12: memref<10240x128xf32, #tpu.memory_space<vmem_shared>>, %arg13: memref<!tpu.dma_semaphore, #tpu.memory_space<semaphore_mem>>, %arg14: memref<!tpu.dma_semaphore, #tpu.memory_space<semaphore_mem>>, %arg15: memref<!tpu.dma_semaphore, #tpu.memory_space<semaphore_mem>>, %arg16: memref<!tpu.dma_semaphore, #tpu.memory_space<semaphore_mem>>) attributes {dimension_semantics = [#tpu.dimension_semantics<core_parallel>, #tpu.dimension_semantics<subcore_parallel>], iteration_bounds = array<i64: 2, 16>, scalar_prefetch = 0 : i64, scratch_operands = 9 : i64, tpu.core_type = #tpu.core_type<sc_vector_subcore>, window_params = [{transform_indices = #map}, {transform_indices = #map}, {transform_indices = #map1}, {transform_indices = #map1}, {transform_indices = #map}, {transform_indices = #map}]} {
    %broadcast_in_dim3A = arith.constant 0.000000e+00 : f32
    %broadcast_in_dim3A_0 = vector.broadcast %broadcast_in_dim3A : f32 to vector<16xf32>
    %scan3A = arith.constant 0 : i32
    %scan3A_1 = arith.constant 128 : i32
    %scan3A_2 = arith.addi %scan3A, %scan3A_1 : i32
    %scan3A_3 = arith.constant 1 : i32
    scf.for %scan3A_29 = %scan3A to %scan3A_2 step %scan3A_3  : i32 {
      %mul3A_30 = arith.constant 1 : i32
      %mul3A_31 = arith.muli %scan3A_29, %mul3A_30 : i32
      %add3A = arith.constant 0 : i32
      %add3A_32 = arith.addi %add3A, %mul3A_31 : i32
      %scan3A_33 = arith.constant 0 : i32
      %scan3A_34 = arith.constant 8 : i32
      %scan3A_35 = arith.addi %scan3A_33, %scan3A_34 : i32
      %scan3A_36 = arith.constant 1 : i32
      scf.for %scan3A_38 = %scan3A_33 to %scan3A_35 step %scan3A_36  : i32 {
        %mul3A_39 = arith.constant 16 : i32
        %mul3A_40 = arith.muli %scan3A_38, %mul3A_39 : i32
        %add3A_41 = arith.constant 0 : i32
        %add3A_42 = arith.addi %add3A_41, %mul3A_40 : i32
        %swap3A = arith.index_cast %add3A_32 : i32 to index
        %swap3A_43 = arith.index_cast %add3A_42 : i32 to index
        %swap3A_44 = tpu.vector_load %arg10[%swap3A, %swap3A_43] {strides = array<i32>} : memref<128x128xf32, #tpu.memory_space<vmem>>, vector<1x16xf32>,
        %swap3A_45 = vector.shape_cast %swap3A_44 : vector<1x16xf32> to vector<16xf32>
        %swap3A_46 = vector.shape_cast %broadcast_in_dim3A_0 : vector<16xf32> to vector<1x16xf32>
        tpu.vector_store %arg10[%swap3A, %swap3A_43], %swap3A_46 {strides = array<i32>} : memref<128x128xf32, #tpu.memory_space<vmem>>, vector<1x16xf32>,
      }
      %scan3A_37 = arith.constant 8 : i32
    }
    %scan3A_4 = arith.constant 128 : i32
    %scan3A_5 = arith.constant 0 : i32
    %scan3A_6 = arith.constant 5 : i32
    %scan3A_7 = arith.addi %scan3A_5, %scan3A_6 : i32
    %scan3A_8 = arith.constant 1 : i32
    scf.for %scan3A_29 = %scan3A_5 to %scan3A_7 step %scan3A_8  : i32 {
      %mul3A_30 = arith.constant 128 : i32
      %mul3A_31 = arith.muli %scan3A_29, %mul3A_30 : i32
      %add3A = arith.constant 0 : i32
      %add3A_32 = arith.addi %add3A, %mul3A_31 : i32
      %mul3A_33 = arith.constant 640 : i32
      %mul3A_34 = arith.muli %arg1, %mul3A_33 : i32
      %add3A_35 = arith.addi %mul3A_34, %add3A_32 : i32
      "tpu.region"() ({
        %run_scoped3A = tpu.sem_alloc : memref<!tpu.dma_semaphore, #tpu.memory_space<semaphore_mem>>
        %dma_start3A = arith.constant 0 : i32
        %dma_start3A_36 = tpu.memref_slice %arg12[%add3A_35, %dma_start3A] : memref<10240x128xf32, #tpu.memory_space<vmem_shared>> -> memref<128x128xf32, #tpu.memory_space<vmem_shared>>
        %dma_start3A_37 = arith.constant 0 : i32
        %dma_start3A_38 = tpu.memref_slice %arg12[%add3A_35, %dma_start3A_37] : memref<10240x128xf32, #tpu.memory_space<vmem_shared>> -> memref<128x128xf32, #tpu.memory_space<vmem_shared>>
        tpu.enqueue_dma source(%arg10 : memref<128x128xf32, #tpu.memory_space<vmem>>) target(%dma_start3A_38 : memref<128x128xf32, #tpu.memory_space<vmem_shared>>) target_semaphore(%run_scoped3A : memref<!tpu.dma_semaphore, #tpu.memory_space<semaphore_mem>>)
        %dma_wait3A = arith.constant 0 : i32
        %dma_wait3A_39 = tpu.memref_slice %arg12[%add3A_35, %dma_wait3A] : memref<10240x128xf32, #tpu.memory_space<vmem_shared>> -> memref<128x128xf32, #tpu.memory_space<vmem_shared>>
        %dma_wait3A_40 = arith.constant 0 : i32
        %dma_wait3A_41 = tpu.memref_slice %arg12[%add3A_35, %dma_wait3A_40] : memref<10240x128xf32, #tpu.memory_space<vmem_shared>> -> memref<128x128xf32, #tpu.memory_space<vmem_shared>>
        tpu.wait_dma2 semaphore(%run_scoped3A : memref<!tpu.dma_semaphore, #tpu.memory_space<semaphore_mem>>) src(%arg10 : memref<128x128xf32, #tpu.memory_space<vmem>>) dst(%dma_wait3A_41 : memref<128x128xf32, #tpu.memory_space<vmem_shared>>)
        tpu.yield
      }) : () -> ()
    }
    %scan3A_9 = arith.constant 5 : i32
    %barrier3A = arith.constant 0 : index
    tpu.barrier barrier_id(%barrier3A)
    %eq3A = arith.constant 0 : i32
    %eq3A_10 = arith.cmpi eq, %arg0, %eq3A : i32
    %convert_element_type3A = arith.extui %eq3A_10 : i1 to i32
    %cond3A = arith.constant 0 : i32
    %cond3A_11 = arith.cmpi ne, %convert_element_type3A, %cond3A : i32
    scf.if %cond3A_11 {
      %mul3A_29 = arith.constant 2 : i32
      %mul3A_30 = arith.muli %mul3A_29, %arg1 : i32
      %add3A = arith.constant 0 : i32
      %add3A_31 = arith.addi %mul3A_30, %add3A : i32
      "tpu.region"() ({
        %run_scoped3A = tpu.sem_alloc : memref<!tpu.dma_semaphore, #tpu.memory_space<semaphore_mem>>
        %dma_start3A_164 = arith.constant 0 : i32
        %dma_start3A_165 = arith.constant 0 : i32
        %dma_start3A_166 = tpu.memref_slice %arg4[%add3A_31, %dma_start3A_164, %dma_start3A_165] : memref<32x40x128xi32, #tpu.memory_space<hbm>> -> memref<1x40x128xi32, #tpu.memory_space<hbm>>
        %dma_start3A_167 = tpu.memref_squeeze %dma_start3A_166 : memref<1x40x128xi32, #tpu.memory_space<hbm>> -> memref<40x128xi32, #tpu.memory_space<hbm>>
        %dma_start3A_168 = arith.constant 0 : i32
        %dma_start3A_169 = arith.constant 0 : i32
        %dma_start3A_170 = tpu.memref_slice %arg4[%add3A_31, %dma_start3A_168, %dma_start3A_169] : memref<32x40x128xi32, #tpu.memory_space<hbm>> -> memref<1x40x128xi32, #tpu.memory_space<hbm>>
        %dma_start3A_171 = tpu.memref_squeeze %dma_start3A_170 : memref<1x40x128xi32, #tpu.memory_space<hbm>> -> memref<40x128xi32, #tpu.memory_space<hbm>>
        tpu.enqueue_dma source(%dma_start3A_171 : memref<40x128xi32, #tpu.memory_space<hbm>>) target(%arg8 : memref<40x128xi32, #tpu.memory_space<vmem>>) target_semaphore(%run_scoped3A : memref<!tpu.dma_semaphore, #tpu.memory_space<semaphore_mem>>)
        %dma_wait3A_172 = arith.constant 0 : i32
        %dma_wait3A_173 = arith.constant 0 : i32
        %dma_wait3A_174 = tpu.memref_slice %arg4[%add3A_31, %dma_wait3A_172, %dma_wait3A_173] : memref<32x40x128xi32, #tpu.memory_space<hbm>> -> memref<1x40x128xi32, #tpu.memory_space<hbm>>
        %dma_wait3A_175 = tpu.memref_squeeze %dma_wait3A_174 : memref<1x40x128xi32, #tpu.memory_space<hbm>> -> memref<40x128xi32, #tpu.memory_space<hbm>>
        %dma_wait3A_176 = arith.constant 0 : i32
        %dma_wait3A_177 = arith.constant 0 : i32
        %dma_wait3A_178 = tpu.memref_slice %arg4[%add3A_31, %dma_wait3A_176, %dma_wait3A_177] : memref<32x40x128xi32, #tpu.memory_space<hbm>> -> memref<1x40x128xi32, #tpu.memory_space<hbm>>
        %dma_wait3A_179 = tpu.memref_squeeze %dma_wait3A_178 : memref<1x40x128xi32, #tpu.memory_space<hbm>> -> memref<40x128xi32, #tpu.memory_space<hbm>>
        tpu.wait_dma2 semaphore(%run_scoped3A : memref<!tpu.dma_semaphore, #tpu.memory_space<semaphore_mem>>) src(%dma_wait3A_179 : memref<40x128xi32, #tpu.memory_space<hbm>>) dst(%arg8 : memref<40x128xi32, #tpu.memory_space<vmem>>)
        tpu.yield
      }) : () -> ()
      %mul3A_32 = arith.constant 2 : i32
      %mul3A_33 = arith.muli %mul3A_32, %arg1 : i32
      %add3A_34 = arith.constant 0 : i32
      %add3A_35 = arith.addi %mul3A_33, %add3A_34 : i32
      "tpu.region"() ({
        %run_scoped3A = tpu.sem_alloc : memref<!tpu.dma_semaphore, #tpu.memory_space<semaphore_mem>>
        %dma_start3A_164 = arith.constant 0 : i32
        %dma_start3A_165 = arith.constant 0 : i32
        %dma_start3A_166 = tpu.memref_slice %arg5[%add3A_35, %dma_start3A_164, %dma_start3A_165] : memref<32x40x128xi32, #tpu.memory_space<hbm>> -> memref<1x40x128xi32, #tpu.memory_space<hbm>>
        %dma_start3A_167 = tpu.memref_squeeze %dma_start3A_166 : memref<1x40x128xi32, #tpu.memory_space<hbm>> -> memref<40x128xi32, #tpu.memory_space<hbm>>
        %dma_start3A_168 = arith.constant 0 : i32
        %dma_start3A_169 = arith.constant 0 : i32
        %dma_start3A_170 = tpu.memref_slice %arg5[%add3A_35, %dma_start3A_168, %dma_start3A_169] : memref<32x40x128xi32, #tpu.memory_space<hbm>> -> memref<1x40x128xi32, #tpu.memory_space<hbm>>
        %dma_start3A_171 = tpu.memref_squeeze %dma_start3A_170 : memref<1x40x128xi32, #tpu.memory_space<hbm>> -> memref<40x128xi32, #tpu.memory_space<hbm>>
        tpu.enqueue_dma source(%dma_start3A_171 : memref<40x128xi32, #tpu.memory_space<hbm>>) target(%arg9 : memref<40x128xi32, #tpu.memory_space<vmem>>) target_semaphore(%run_scoped3A : memref<!tpu.dma_semaphore, #tpu.memory_space<semaphore_mem>>)
        %dma_wait3A_172 = arith.constant 0 : i32
        %dma_wait3A_173 = arith.constant 0 : i32
        %dma_wait3A_174 = tpu.memref_slice %arg5[%add3A_35, %dma_wait3A_172, %dma_wait3A_173] : memref<32x40x128xi32, #tpu.memory_space<hbm>> -> memref<1x40x128xi32, #tpu.memory_space<hbm>>
        %dma_wait3A_175 = tpu.memref_squeeze %dma_wait3A_174 : memref<1x40x128xi32, #tpu.memory_space<hbm>> -> memref<40x128xi32, #tpu.memory_space<hbm>>
        %dma_wait3A_176 = arith.constant 0 : i32
        %dma_wait3A_177 = arith.constant 0 : i32
        %dma_wait3A_178 = tpu.memref_slice %arg5[%add3A_35, %dma_wait3A_176, %dma_wait3A_177] : memref<32x40x128xi32, #tpu.memory_space<hbm>> -> memref<1x40x128xi32, #tpu.memory_space<hbm>>
        %dma_wait3A_179 = tpu.memref_squeeze %dma_wait3A_178 : memref<1x40x128xi32, #tpu.memory_space<hbm>> -> memref<40x128xi32, #tpu.memory_space<hbm>>
        tpu.wait_dma2 semaphore(%run_scoped3A : memref<!tpu.dma_semaphore, #tpu.memory_space<semaphore_mem>>) src(%dma_wait3A_179 : memref<40x128xi32, #tpu.memory_space<hbm>>) dst(%arg9 : memref<40x128xi32, #tpu.memory_space<vmem>>)
        tpu.yield
      }) : () -> ()
      %dma_start3A = arith.constant 0 : i32
      %dma_start3A_36 = arith.constant 0 : i32
      %dma_start3A_37 = tpu.memref_slice %arg8[%dma_start3A, %dma_start3A_36] : memref<40x128xi32, #tpu.memory_space<vmem>> -> memref<1x128xi32, #tpu.memory_space<vmem>>
      %dma_start3A_38 = tpu.memref_squeeze %dma_start3A_37 : memref<1x128xi32, #tpu.memory_space<vmem>> -> memref<128xi32, #tpu.memory_space<vmem>>
      %dma_start3A_39 = arith.constant 0 : i32
      %dma_start3A_40 = arith.constant 0 : i32
      %dma_start3A_41 = tpu.memref_slice %arg2[%dma_start3A_39, %dma_start3A_40] : memref<10000x128xf32, #tpu.memory_space<hbm>> -> memref<10000x128xf32, #tpu.memory_space<hbm>>
      tpu.enqueue_indirect_dma source(%dma_start3A_41 : memref<10000x128xf32, #tpu.memory_space<hbm>>) target(%arg10 : memref<128x128xf32, #tpu.memory_space<vmem>>) offsets(%dma_start3A_38 : memref<128xi32, #tpu.memory_space<vmem>>) semaphore(%arg13 : memref<!tpu.dma_semaphore, #tpu.memory_space<semaphore_mem>>)
      %dma_start3A_42 = arith.constant 1 : i32
      %dma_start3A_43 = arith.constant 0 : i32
      %dma_start3A_44 = tpu.memref_slice %arg8[%dma_start3A_42, %dma_start3A_43] : memref<40x128xi32, #tpu.memory_space<vmem>> -> memref<1x128xi32, #tpu.memory_space<vmem>>
      %dma_start3A_45 = tpu.memref_squeeze %dma_start3A_44 : memref<1x128xi32, #tpu.memory_space<vmem>> -> memref<128xi32, #tpu.memory_space<vmem>>
      %dma_start3A_46 = arith.constant 0 : i32
      %dma_start3A_47 = arith.constant 0 : i32
      %dma_start3A_48 = tpu.memref_slice %arg2[%dma_start3A_46, %dma_start3A_47] : memref<10000x128xf32, #tpu.memory_space<hbm>> -> memref<10000x128xf32, #tpu.memory_space<hbm>>
      tpu.enqueue_indirect_dma source(%dma_start3A_48 : memref<10000x128xf32, #tpu.memory_space<hbm>>) target(%arg11 : memref<128x128xf32, #tpu.memory_space<vmem>>) offsets(%dma_start3A_45 : memref<128xi32, #tpu.memory_space<vmem>>) semaphore(%arg14 : memref<!tpu.dma_semaphore, #tpu.memory_space<semaphore_mem>>)
      %scan3A_49 = arith.constant 0 : i32
      %scan3A_50 = arith.constant 19 : i32
      %scan3A_51 = arith.addi %scan3A_49, %scan3A_50 : i32
      %scan3A_52 = arith.constant 1 : i32
      scf.for %scan3A_164 = %scan3A_49 to %scan3A_51 step %scan3A_52  : i32 {
        %mul3A_165 = arith.constant 2 : i32
        %mul3A_166 = arith.muli %scan3A_164, %mul3A_165 : i32
        %add3A_167 = arith.constant 0 : i32
        %add3A_168 = arith.addi %add3A_167, %mul3A_166 : i32
        %dma_wait3A_169 = arith.constant 0 : i32
        %dma_wait3A_170 = tpu.memref_slice %arg8[%add3A_168, %dma_wait3A_169] : memref<40x128xi32, #tpu.memory_space<vmem>> -> memref<1x128xi32, #tpu.memory_space<vmem>>
        %dma_wait3A_171 = tpu.memref_squeeze %dma_wait3A_170 : memref<1x128xi32, #tpu.memory_space<vmem>> -> memref<128xi32, #tpu.memory_space<vmem>>
        %dma_wait3A_172 = arith.constant 0 : i32
        %dma_wait3A_173 = arith.constant 0 : i32
        %dma_wait3A_174 = tpu.memref_slice %arg2[%dma_wait3A_172, %dma_wait3A_173] : memref<10000x128xf32, #tpu.memory_space<hbm>> -> memref<10000x128xf32, #tpu.memory_space<hbm>>
        tpu.wait_indirect_dma semaphore(%arg13 : memref<!tpu.dma_semaphore, #tpu.memory_space<semaphore_mem>>) src(%dma_wait3A_174 : memref<10000x128xf32, #tpu.memory_space<hbm>>) dst(%arg10 : memref<128x128xf32, #tpu.memory_space<vmem>>)
        %dma_start3A_175 = arith.constant 0 : i32
        %dma_start3A_176 = tpu.memref_slice %arg9[%add3A_168, %dma_start3A_175] : memref<40x128xi32, #tpu.memory_space<vmem>> -> memref<1x128xi32, #tpu.memory_space<vmem>>
        %dma_start3A_177 = tpu.memref_squeeze %dma_start3A_176 : memref<1x128xi32, #tpu.memory_space<vmem>> -> memref<128xi32, #tpu.memory_space<vmem>>
        %dma_start3A_178 = arith.constant 0 : i32
        %dma_start3A_179 = arith.constant 0 : i32
        %dma_start3A_180 = tpu.memref_slice %arg12[%dma_start3A_178, %dma_start3A_179] : memref<10240x128xf32, #tpu.memory_space<vmem_shared>> -> memref<10240x128xf32, #tpu.memory_space<vmem_shared>>
        tpu.enqueue_indirect_dma source(%arg10 : memref<128x128xf32, #tpu.memory_space<vmem>>) target(%dma_start3A_180 : memref<10240x128xf32, #tpu.memory_space<vmem_shared>>) offsets(%dma_start3A_177 : memref<128xi32, #tpu.memory_space<vmem>>) semaphore(%arg15 : memref<!tpu.dma_semaphore, #tpu.memory_space<semaphore_mem>>) {add = true}
        %add3A_181 = arith.constant 1 : i32
        %add3A_182 = arith.addi %add3A_168, %add3A_181 : i32
        %dma_wait3A_183 = arith.constant 0 : i32
        %dma_wait3A_184 = tpu.memref_slice %arg8[%add3A_182, %dma_wait3A_183] : memref<40x128xi32, #tpu.memory_space<vmem>> -> memref<1x128xi32, #tpu.memory_space<vmem>>
        %dma_wait3A_185 = tpu.memref_squeeze %dma_wait3A_184 : memref<1x128xi32, #tpu.memory_space<vmem>> -> memref<128xi32, #tpu.memory_space<vmem>>
        %dma_wait3A_186 = arith.constant 0 : i32
        %dma_wait3A_187 = arith.constant 0 : i32
        %dma_wait3A_188 = tpu.memref_slice %arg2[%dma_wait3A_186, %dma_wait3A_187] : memref<10000x128xf32, #tpu.memory_space<hbm>> -> memref<10000x128xf32, #tpu.memory_space<hbm>>
        tpu.wait_indirect_dma semaphore(%arg14 : memref<!tpu.dma_semaphore, #tpu.memory_space<semaphore_mem>>) src(%dma_wait3A_188 : memref<10000x128xf32, #tpu.memory_space<hbm>>) dst(%arg11 : memref<128x128xf32, #tpu.memory_space<vmem>>)
        %add3A_189 = arith.constant 1 : i32
        %add3A_190 = arith.addi %add3A_168, %add3A_189 : i32
        %dma_start3A_191 = arith.constant 0 : i32
        %dma_start3A_192 = tpu.memref_slice %arg9[%add3A_190, %dma_start3A_191] : memref<40x128xi32, #tpu.memory_space<vmem>> -> memref<1x128xi32, #tpu.memory_space<vmem>>
        %dma_start3A_193 = tpu.memref_squeeze %dma_start3A_192 : memref<1x128xi32, #tpu.memory_space<vmem>> -> memref<128xi32, #tpu.memory_space<vmem>>
        %dma_start3A_194 = arith.constant 0 : i32
        %dma_start3A_195 = arith.constant 0 : i32
        %dma_start3A_196 = tpu.memref_slice %arg12[%dma_start3A_194, %dma_start3A_195] : memref<10240x128xf32, #tpu.memory_space<vmem_shared>> -> memref<10240x128xf32, #tpu.memory_space<vmem_shared>>
        tpu.enqueue_indirect_dma source(%arg11 : memref<128x128xf32, #tpu.memory_space<vmem>>) target(%dma_start3A_196 : memref<10240x128xf32, #tpu.memory_space<vmem_shared>>) offsets(%dma_start3A_193 : memref<128xi32, #tpu.memory_space<vmem>>) semaphore(%arg16 : memref<!tpu.dma_semaphore, #tpu.memory_space<semaphore_mem>>) {add = true}
        %dma_wait3A_197 = arith.constant 0 : i32
        %dma_wait3A_198 = tpu.memref_slice %arg9[%add3A_168, %dma_wait3A_197] : memref<40x128xi32, #tpu.memory_space<vmem>> -> memref<1x128xi32, #tpu.memory_space<vmem>>
        %dma_wait3A_199 = tpu.memref_squeeze %dma_wait3A_198 : memref<1x128xi32, #tpu.memory_space<vmem>> -> memref<128xi32, #tpu.memory_space<vmem>>
        %dma_wait3A_200 = arith.constant 0 : i32
        %dma_wait3A_201 = arith.constant 0 : i32
        %dma_wait3A_202 = tpu.memref_slice %arg12[%dma_wait3A_200, %dma_wait3A_201] : memref<10240x128xf32, #tpu.memory_space<vmem_shared>> -> memref<10240x128xf32, #tpu.memory_space<vmem_shared>>
        tpu.wait_indirect_dma semaphore(%arg15 : memref<!tpu.dma_semaphore, #tpu.memory_space<semaphore_mem>>) src(%arg10 : memref<128x128xf32, #tpu.memory_space<vmem>>) dst(%dma_wait3A_202 : memref<10240x128xf32, #tpu.memory_space<vmem_shared>>)
        %add3A_203 = arith.constant 2 : i32
        %add3A_204 = arith.addi %add3A_168, %add3A_203 : i32
        %dma_start3A_205 = arith.constant 0 : i32
        %dma_start3A_206 = tpu.memref_slice %arg8[%add3A_204, %dma_start3A_205] : memref<40x128xi32, #tpu.memory_space<vmem>> -> memref<1x128xi32, #tpu.memory_space<vmem>>
        %dma_start3A_207 = tpu.memref_squeeze %dma_start3A_206 : memref<1x128xi32, #tpu.memory_space<vmem>> -> memref<128xi32, #tpu.memory_space<vmem>>
        %dma_start3A_208 = arith.constant 0 : i32
        %dma_start3A_209 = arith.constant 0 : i32
        %dma_start3A_210 = tpu.memref_slice %arg2[%dma_start3A_208, %dma_start3A_209] : memref<10000x128xf32, #tpu.memory_space<hbm>> -> memref<10000x128xf32, #tpu.memory_space<hbm>>
        tpu.enqueue_indirect_dma source(%dma_start3A_210 : memref<10000x128xf32, #tpu.memory_space<hbm>>) target(%arg10 : memref<128x128xf32, #tpu.memory_space<vmem>>) offsets(%dma_start3A_207 : memref<128xi32, #tpu.memory_space<vmem>>) semaphore(%arg13 : memref<!tpu.dma_semaphore, #tpu.memory_space<semaphore_mem>>)
        %add3A_211 = arith.constant 1 : i32
        %add3A_212 = arith.addi %add3A_168, %add3A_211 : i32
        %dma_wait3A_213 = arith.constant 0 : i32
        %dma_wait3A_214 = tpu.memref_slice %arg9[%add3A_212, %dma_wait3A_213] : memref<40x128xi32, #tpu.memory_space<vmem>> -> memref<1x128xi32, #tpu.memory_space<vmem>>
        %dma_wait3A_215 = tpu.memref_squeeze %dma_wait3A_214 : memref<1x128xi32, #tpu.memory_space<vmem>> -> memref<128xi32, #tpu.memory_space<vmem>>
        %dma_wait3A_216 = arith.constant 0 : i32
        %dma_wait3A_217 = arith.constant 0 : i32
        %dma_wait3A_218 = tpu.memref_slice %arg12[%dma_wait3A_216, %dma_wait3A_217] : memref<10240x128xf32, #tpu.memory_space<vmem_shared>> -> memref<10240x128xf32, #tpu.memory_space<vmem_shared>>
        tpu.wait_indirect_dma semaphore(%arg16 : memref<!tpu.dma_semaphore, #tpu.memory_space<semaphore_mem>>) src(%arg11 : memref<128x128xf32, #tpu.memory_space<vmem>>) dst(%dma_wait3A_218 : memref<10240x128xf32, #tpu.memory_space<vmem_shared>>)
        %add3A_219 = arith.constant 3 : i32
        %add3A_220 = arith.addi %add3A_168, %add3A_219 : i32
        %dma_start3A_221 = arith.constant 0 : i32
        %dma_start3A_222 = tpu.memref_slice %arg8[%add3A_220, %dma_start3A_221] : memref<40x128xi32, #tpu.memory_space<vmem>> -> memref<1x128xi32, #tpu.memory_space<vmem>>
        %dma_start3A_223 = tpu.memref_squeeze %dma_start3A_222 : memref<1x128xi32, #tpu.memory_space<vmem>> -> memref<128xi32, #tpu.memory_space<vmem>>
        %dma_start3A_224 = arith.constant 0 : i32
        %dma_start3A_225 = arith.constant 0 : i32
        %dma_start3A_226 = tpu.memref_slice %arg2[%dma_start3A_224, %dma_start3A_225] : memref<10000x128xf32, #tpu.memory_space<hbm>> -> memref<10000x128xf32, #tpu.memory_space<hbm>>
        tpu.enqueue_indirect_dma source(%dma_start3A_226 : memref<10000x128xf32, #tpu.memory_space<hbm>>) target(%arg11 : memref<128x128xf32, #tpu.memory_space<vmem>>) offsets(%dma_start3A_223 : memref<128xi32, #tpu.memory_space<vmem>>) semaphore(%arg14 : memref<!tpu.dma_semaphore, #tpu.memory_space<semaphore_mem>>)
      }
      %scan3A_53 = arith.constant 19 : i32
      %dma_wait3A = arith.constant 38 : i32
      %dma_wait3A_54 = arith.constant 0 : i32
      %dma_wait3A_55 = tpu.memref_slice %arg8[%dma_wait3A, %dma_wait3A_54] : memref<40x128xi32, #tpu.memory_space<vmem>> -> memref<1x128xi32, #tpu.memory_space<vmem>>
      %dma_wait3A_56 = tpu.memref_squeeze %dma_wait3A_55 : memref<1x128xi32, #tpu.memory_space<vmem>> -> memref<128xi32, #tpu.memory_space<vmem>>
      %dma_wait3A_57 = arith.constant 0 : i32
      %dma_wait3A_58 = arith.constant 0 : i32
      %dma_wait3A_59 = tpu.memref_slice %arg2[%dma_wait3A_57, %dma_wait3A_58] : memref<10000x128xf32, #tpu.memory_space<hbm>> -> memref<10000x128xf32, #tpu.memory_space<hbm>>
      tpu.wait_indirect_dma semaphore(%arg13 : memref<!tpu.dma_semaphore, #tpu.memory_space<semaphore_mem>>) src(%dma_wait3A_59 : memref<10000x128xf32, #tpu.memory_space<hbm>>) dst(%arg10 : memref<128x128xf32, #tpu.memory_space<vmem>>)
      %dma_start3A_60 = arith.constant 38 : i32
      %dma_start3A_61 = arith.constant 0 : i32
      %dma_start3A_62 = tpu.memref_slice %arg9[%dma_start3A_60, %dma_start3A_61] : memref<40x128xi32, #tpu.memory_space<vmem>> -> memref<1x128xi32, #tpu.memory_space<vmem>>
      %dma_start3A_63 = tpu.memref_squeeze %dma_start3A_62 : memref<1x128xi32, #tpu.memory_space<vmem>> -> memref<128xi32, #tpu.memory_space<vmem>>
      %dma_start3A_64 = arith.constant 0 : i32
      %dma_start3A_65 = arith.constant 0 : i32
      %dma_start3A_66 = tpu.memref_slice %arg12[%dma_start3A_64, %dma_start3A_65] : memref<10240x128xf32, #tpu.memory_space<vmem_shared>> -> memref<10240x128xf32, #tpu.memory_space<vmem_shared>>
      tpu.enqueue_indirect_dma source(%arg10 : memref<128x128xf32, #tpu.memory_space<vmem>>) target(%dma_start3A_66 : memref<10240x128xf32, #tpu.memory_space<vmem_shared>>) offsets(%dma_start3A_63 : memref<128xi32, #tpu.memory_space<vmem>>) semaphore(%arg15 : memref<!tpu.dma_semaphore, #tpu.memory_space<semaphore_mem>>) {add = true}
      %dma_wait3A_67 = arith.constant 39 : i32
      %dma_wait3A_68 = arith.constant 0 : i32
      %dma_wait3A_69 = tpu.memref_slice %arg8[%dma_wait3A_67, %dma_wait3A_68] : memref<40x128xi32, #tpu.memory_space<vmem>> -> memref<1x128xi32, #tpu.memory_space<vmem>>
      %dma_wait3A_70 = tpu.memref_squeeze %dma_wait3A_69 : memref<1x128xi32, #tpu.memory_space<vmem>> -> memref<128xi32, #tpu.memory_space<vmem>>
      %dma_wait3A_71 = arith.constant 0 : i32
      %dma_wait3A_72 = arith.constant 0 : i32
      %dma_wait3A_73 = tpu.memref_slice %arg2[%dma_wait3A_71, %dma_wait3A_72] : memref<10000x128xf32, #tpu.memory_space<hbm>> -> memref<10000x128xf32, #tpu.memory_space<hbm>>
      tpu.wait_indirect_dma semaphore(%arg14 : memref<!tpu.dma_semaphore, #tpu.memory_space<semaphore_mem>>) src(%dma_wait3A_73 : memref<10000x128xf32, #tpu.memory_space<hbm>>) dst(%arg11 : memref<128x128xf32, #tpu.memory_space<vmem>>)
      %dma_start3A_74 = arith.constant 39 : i32
      %dma_start3A_75 = arith.constant 0 : i32
      %dma_start3A_76 = tpu.memref_slice %arg9[%dma_start3A_74, %dma_start3A_75] : memref<40x128xi32, #tpu.memory_space<vmem>> -> memref<1x128xi32, #tpu.memory_space<vmem>>
      %dma_start3A_77 = tpu.memref_squeeze %dma_start3A_76 : memref<1x128xi32, #tpu.memory_space<vmem>> -> memref<128xi32, #tpu.memory_space<vmem>>
      %dma_start3A_78 = arith.constant 0 : i32
      %dma_start3A_79 = arith.constant 0 : i32
      %dma_start3A_80 = tpu.memref_slice %arg12[%dma_start3A_78, %dma_start3A_79] : memref<10240x128xf32, #tpu.memory_space<vmem_shared>> -> memref<10240x128xf32, #tpu.memory_space<vmem_shared>>
      tpu.enqueue_indirect_dma source(%arg11 : memref<128x128xf32, #tpu.memory_space<vmem>>) target(%dma_start3A_80 : memref<10240x128xf32, #tpu.memory_space<vmem_shared>>) offsets(%dma_start3A_77 : memref<128xi32, #tpu.memory_space<vmem>>) semaphore(%arg16 : memref<!tpu.dma_semaphore, #tpu.memory_space<semaphore_mem>>) {add = true}
      %dma_wait3A_81 = arith.constant 38 : i32
      %dma_wait3A_82 = arith.constant 0 : i32
      %dma_wait3A_83 = tpu.memref_slice %arg9[%dma_wait3A_81, %dma_wait3A_82] : memref<40x128xi32, #tpu.memory_space<vmem>> -> memref<1x128xi32, #tpu.memory_space<vmem>>
      %dma_wait3A_84 = tpu.memref_squeeze %dma_wait3A_83 : memref<1x128xi32, #tpu.memory_space<vmem>> -> memref<128xi32, #tpu.memory_space<vmem>>
      %dma_wait3A_85 = arith.constant 0 : i32
      %dma_wait3A_86 = arith.constant 0 : i32
      %dma_wait3A_87 = tpu.memref_slice %arg12[%dma_wait3A_85, %dma_wait3A_86] : memref<10240x128xf32, #tpu.memory_space<vmem_shared>> -> memref<10240x128xf32, #tpu.memory_space<vmem_shared>>
      tpu.wait_indirect_dma semaphore(%arg15 : memref<!tpu.dma_semaphore, #tpu.memory_space<semaphore_mem>>) src(%arg10 : memref<128x128xf32, #tpu.memory_space<vmem>>) dst(%dma_wait3A_87 : memref<10240x128xf32, #tpu.memory_space<vmem_shared>>)
      %dma_wait3A_88 = arith.constant 39 : i32
      %dma_wait3A_89 = arith.constant 0 : i32
      %dma_wait3A_90 = tpu.memref_slice %arg9[%dma_wait3A_88, %dma_wait3A_89] : memref<40x128xi32, #tpu.memory_space<vmem>> -> memref<1x128xi32, #tpu.memory_space<vmem>>
      %dma_wait3A_91 = tpu.memref_squeeze %dma_wait3A_90 : memref<1x128xi32, #tpu.memory_space<vmem>> -> memref<128xi32, #tpu.memory_space<vmem>>
      %dma_wait3A_92 = arith.constant 0 : i32
      %dma_wait3A_93 = arith.constant 0 : i32
      %dma_wait3A_94 = tpu.memref_slice %arg12[%dma_wait3A_92, %dma_wait3A_93] : memref<10240x128xf32, #tpu.memory_space<vmem_shared>> -> memref<10240x128xf32, #tpu.memory_space<vmem_shared>>
      tpu.wait_indirect_dma semaphore(%arg16 : memref<!tpu.dma_semaphore, #tpu.memory_space<semaphore_mem>>) src(%arg11 : memref<128x128xf32, #tpu.memory_space<vmem>>) dst(%dma_wait3A_94 : memref<10240x128xf32, #tpu.memory_space<vmem_shared>>)
      %mul3A_95 = arith.constant 2 : i32
      %mul3A_96 = arith.muli %mul3A_95, %arg1 : i32
      %add3A_97 = arith.constant 1 : i32
      %add3A_98 = arith.addi %mul3A_96, %add3A_97 : i32
      "tpu.region"() ({
        %run_scoped3A = tpu.sem_alloc : memref<!tpu.dma_semaphore, #tpu.memory_space<semaphore_mem>>
        %dma_start3A_164 = arith.constant 0 : i32
        %dma_start3A_165 = arith.constant 0 : i32
        %dma_start3A_166 = tpu.memref_slice %arg4[%add3A_98, %dma_start3A_164, %dma_start3A_165] : memref<32x40x128xi32, #tpu.memory_space<hbm>> -> memref<1x40x128xi32, #tpu.memory_space<hbm>>
        %dma_start3A_167 = tpu.memref_squeeze %dma_start3A_166 : memref<1x40x128xi32, #tpu.memory_space<hbm>> -> memref<40x128xi32, #tpu.memory_space<hbm>>
        %dma_start3A_168 = arith.constant 0 : i32
        %dma_start3A_169 = arith.constant 0 : i32
        %dma_start3A_170 = tpu.memref_slice %arg4[%add3A_98, %dma_start3A_168, %dma_start3A_169] : memref<32x40x128xi32, #tpu.memory_space<hbm>> -> memref<1x40x128xi32, #tpu.memory_space<hbm>>
        %dma_start3A_171 = tpu.memref_squeeze %dma_start3A_170 : memref<1x40x128xi32, #tpu.memory_space<hbm>> -> memref<40x128xi32, #tpu.memory_space<hbm>>
        tpu.enqueue_dma source(%dma_start3A_171 : memref<40x128xi32, #tpu.memory_space<hbm>>) target(%arg8 : memref<40x128xi32, #tpu.memory_space<vmem>>) target_semaphore(%run_scoped3A : memref<!tpu.dma_semaphore, #tpu.memory_space<semaphore_mem>>)
        %dma_wait3A_172 = arith.constant 0 : i32
        %dma_wait3A_173 = arith.constant 0 : i32
        %dma_wait3A_174 = tpu.memref_slice %arg4[%add3A_98, %dma_wait3A_172, %dma_wait3A_173] : memref<32x40x128xi32, #tpu.memory_space<hbm>> -> memref<1x40x128xi32, #tpu.memory_space<hbm>>
        %dma_wait3A_175 = tpu.memref_squeeze %dma_wait3A_174 : memref<1x40x128xi32, #tpu.memory_space<hbm>> -> memref<40x128xi32, #tpu.memory_space<hbm>>
        %dma_wait3A_176 = arith.constant 0 : i32
        %dma_wait3A_177 = arith.constant 0 : i32
        %dma_wait3A_178 = tpu.memref_slice %arg4[%add3A_98, %dma_wait3A_176, %dma_wait3A_177] : memref<32x40x128xi32, #tpu.memory_space<hbm>> -> memref<1x40x128xi32, #tpu.memory_space<hbm>>
        %dma_wait3A_179 = tpu.memref_squeeze %dma_wait3A_178 : memref<1x40x128xi32, #tpu.memory_space<hbm>> -> memref<40x128xi32, #tpu.memory_space<hbm>>
        tpu.wait_dma2 semaphore(%run_scoped3A : memref<!tpu.dma_semaphore, #tpu.memory_space<semaphore_mem>>) src(%dma_wait3A_179 : memref<40x128xi32, #tpu.memory_space<hbm>>) dst(%arg8 : memref<40x128xi32, #tpu.memory_space<vmem>>)
        tpu.yield
      }) : () -> ()
      %mul3A_99 = arith.constant 2 : i32
      %mul3A_100 = arith.muli %mul3A_99, %arg1 : i32
      %add3A_101 = arith.constant 1 : i32
      %add3A_102 = arith.addi %mul3A_100, %add3A_101 : i32
      "tpu.region"() ({
        %run_scoped3A = tpu.sem_alloc : memref<!tpu.dma_semaphore, #tpu.memory_space<semaphore_mem>>
        %dma_start3A_164 = arith.constant 0 : i32
        %dma_start3A_165 = arith.constant 0 : i32
        %dma_start3A_166 = tpu.memref_slice %arg5[%add3A_102, %dma_start3A_164, %dma_start3A_165] : memref<32x40x128xi32, #tpu.memory_space<hbm>> -> memref<1x40x128xi32, #tpu.memory_space<hbm>>
        %dma_start3A_167 = tpu.memref_squeeze %dma_start3A_166 : memref<1x40x128xi32, #tpu.memory_space<hbm>> -> memref<40x128xi32, #tpu.memory_space<hbm>>
        %dma_start3A_168 = arith.constant 0 : i32
        %dma_start3A_169 = arith.constant 0 : i32
        %dma_start3A_170 = tpu.memref_slice %arg5[%add3A_102, %dma_start3A_168, %dma_start3A_169] : memref<32x40x128xi32, #tpu.memory_space<hbm>> -> memref<1x40x128xi32, #tpu.memory_space<hbm>>
        %dma_start3A_171 = tpu.memref_squeeze %dma_start3A_170 : memref<1x40x128xi32, #tpu.memory_space<hbm>> -> memref<40x128xi32, #tpu.memory_space<hbm>>
        tpu.enqueue_dma source(%dma_start3A_171 : memref<40x128xi32, #tpu.memory_space<hbm>>) target(%arg9 : memref<40x128xi32, #tpu.memory_space<vmem>>) target_semaphore(%run_scoped3A : memref<!tpu.dma_semaphore, #tpu.memory_space<semaphore_mem>>)
        %dma_wait3A_172 = arith.constant 0 : i32
        %dma_wait3A_173 = arith.constant 0 : i32
        %dma_wait3A_174 = tpu.memref_slice %arg5[%add3A_102, %dma_wait3A_172, %dma_wait3A_173] : memref<32x40x128xi32, #tpu.memory_space<hbm>> -> memref<1x40x128xi32, #tpu.memory_space<hbm>>
        %dma_wait3A_175 = tpu.memref_squeeze %dma_wait3A_174 : memref<1x40x128xi32, #tpu.memory_space<hbm>> -> memref<40x128xi32, #tpu.memory_space<hbm>>
        %dma_wait3A_176 = arith.constant 0 : i32
        %dma_wait3A_177 = arith.constant 0 : i32
        %dma_wait3A_178 = tpu.memref_slice %arg5[%add3A_102, %dma_wait3A_176, %dma_wait3A_177] : memref<32x40x128xi32, #tpu.memory_space<hbm>> -> memref<1x40x128xi32, #tpu.memory_space<hbm>>
        %dma_wait3A_179 = tpu.memref_squeeze %dma_wait3A_178 : memref<1x40x128xi32, #tpu.memory_space<hbm>> -> memref<40x128xi32, #tpu.memory_space<hbm>>
        tpu.wait_dma2 semaphore(%run_scoped3A : memref<!tpu.dma_semaphore, #tpu.memory_space<semaphore_mem>>) src(%dma_wait3A_179 : memref<40x128xi32, #tpu.memory_space<hbm>>) dst(%arg9 : memref<40x128xi32, #tpu.memory_space<vmem>>)
        tpu.yield
      }) : () -> ()
      %dma_start3A_103 = arith.constant 0 : i32
      %dma_start3A_104 = arith.constant 0 : i32
      %dma_start3A_105 = tpu.memref_slice %arg8[%dma_start3A_103, %dma_start3A_104] : memref<40x128xi32, #tpu.memory_space<vmem>> -> memref<1x128xi32, #tpu.memory_space<vmem>>
      %dma_start3A_106 = tpu.memref_squeeze %dma_start3A_105 : memref<1x128xi32, #tpu.memory_space<vmem>> -> memref<128xi32, #tpu.memory_space<vmem>>
      %dma_start3A_107 = arith.constant 0 : i32
      %dma_start3A_108 = arith.constant 0 : i32
      %dma_start3A_109 = tpu.memref_slice %arg2[%dma_start3A_107, %dma_start3A_108] : memref<10000x128xf32, #tpu.memory_space<hbm>> -> memref<10000x128xf32, #tpu.memory_space<hbm>>
      tpu.enqueue_indirect_dma source(%dma_start3A_109 : memref<10000x128xf32, #tpu.memory_space<hbm>>) target(%arg10 : memref<128x128xf32, #tpu.memory_space<vmem>>) offsets(%dma_start3A_106 : memref<128xi32, #tpu.memory_space<vmem>>) semaphore(%arg13 : memref<!tpu.dma_semaphore, #tpu.memory_space<semaphore_mem>>)
      %dma_start3A_110 = arith.constant 1 : i32
      %dma_start3A_111 = arith.constant 0 : i32
      %dma_start3A_112 = tpu.memref_slice %arg8[%dma_start3A_110, %dma_start3A_111] : memref<40x128xi32, #tpu.memory_space<vmem>> -> memref<1x128xi32, #tpu.memory_space<vmem>>
      %dma_start3A_113 = tpu.memref_squeeze %dma_start3A_112 : memref<1x128xi32, #tpu.memory_space<vmem>> -> memref<128xi32, #tpu.memory_space<vmem>>
      %dma_start3A_114 = arith.constant 0 : i32
      %dma_start3A_115 = arith.constant 0 : i32
      %dma_start3A_116 = tpu.memref_slice %arg2[%dma_start3A_114, %dma_start3A_115] : memref<10000x128xf32, #tpu.memory_space<hbm>> -> memref<10000x128xf32, #tpu.memory_space<hbm>>
      tpu.enqueue_indirect_dma source(%dma_start3A_116 : memref<10000x128xf32, #tpu.memory_space<hbm>>) target(%arg11 : memref<128x128xf32, #tpu.memory_space<vmem>>) offsets(%dma_start3A_113 : memref<128xi32, #tpu.memory_space<vmem>>) semaphore(%arg14 : memref<!tpu.dma_semaphore, #tpu.memory_space<semaphore_mem>>)
      %scan3A_117 = arith.constant 0 : i32
      %scan3A_118 = arith.constant 19 : i32
      %scan3A_119 = arith.addi %scan3A_117, %scan3A_118 : i32
      %scan3A_120 = arith.constant 1 : i32
      scf.for %scan3A_164 = %scan3A_117 to %scan3A_119 step %scan3A_120  : i32 {
        %mul3A_165 = arith.constant 2 : i32
        %mul3A_166 = arith.muli %scan3A_164, %mul3A_165 : i32
        %add3A_167 = arith.constant 0 : i32
        %add3A_168 = arith.addi %add3A_167, %mul3A_166 : i32
        %dma_wait3A_169 = arith.constant 0 : i32
        %dma_wait3A_170 = tpu.memref_slice %arg8[%add3A_168, %dma_wait3A_169] : memref<40x128xi32, #tpu.memory_space<vmem>> -> memref<1x128xi32, #tpu.memory_space<vmem>>
        %dma_wait3A_171 = tpu.memref_squeeze %dma_wait3A_170 : memref<1x128xi32, #tpu.memory_space<vmem>> -> memref<128xi32, #tpu.memory_space<vmem>>
        %dma_wait3A_172 = arith.constant 0 : i32
        %dma_wait3A_173 = arith.constant 0 : i32
        %dma_wait3A_174 = tpu.memref_slice %arg2[%dma_wait3A_172, %dma_wait3A_173] : memref<10000x128xf32, #tpu.memory_space<hbm>> -> memref<10000x128xf32, #tpu.memory_space<hbm>>
        tpu.wait_indirect_dma semaphore(%arg13 : memref<!tpu.dma_semaphore, #tpu.memory_space<semaphore_mem>>) src(%dma_wait3A_174 : memref<10000x128xf32, #tpu.memory_space<hbm>>) dst(%arg10 : memref<128x128xf32, #tpu.memory_space<vmem>>)
        %dma_start3A_175 = arith.constant 0 : i32
        %dma_start3A_176 = tpu.memref_slice %arg9[%add3A_168, %dma_start3A_175] : memref<40x128xi32, #tpu.memory_space<vmem>> -> memref<1x128xi32, #tpu.memory_space<vmem>>
        %dma_start3A_177 = tpu.memref_squeeze %dma_start3A_176 : memref<1x128xi32, #tpu.memory_space<vmem>> -> memref<128xi32, #tpu.memory_space<vmem>>
        %dma_start3A_178 = arith.constant 0 : i32
        %dma_start3A_179 = arith.constant 0 : i32
        %dma_start3A_180 = tpu.memref_slice %arg12[%dma_start3A_178, %dma_start3A_179] : memref<10240x128xf32, #tpu.memory_space<vmem_shared>> -> memref<10240x128xf32, #tpu.memory_space<vmem_shared>>
        tpu.enqueue_indirect_dma source(%arg10 : memref<128x128xf32, #tpu.memory_space<vmem>>) target(%dma_start3A_180 : memref<10240x128xf32, #tpu.memory_space<vmem_shared>>) offsets(%dma_start3A_177 : memref<128xi32, #tpu.memory_space<vmem>>) semaphore(%arg15 : memref<!tpu.dma_semaphore, #tpu.memory_space<semaphore_mem>>) {add = true}
        %add3A_181 = arith.constant 1 : i32
        %add3A_182 = arith.addi %add3A_168, %add3A_181 : i32
        %dma_wait3A_183 = arith.constant 0 : i32
        %dma_wait3A_184 = tpu.memref_slice %arg8[%add3A_182, %dma_wait3A_183] : memref<40x128xi32, #tpu.memory_space<vmem>> -> memref<1x128xi32, #tpu.memory_space<vmem>>
        %dma_wait3A_185 = tpu.memref_squeeze %dma_wait3A_184 : memref<1x128xi32, #tpu.memory_space<vmem>> -> memref<128xi32, #tpu.memory_space<vmem>>
        %dma_wait3A_186 = arith.constant 0 : i32
        %dma_wait3A_187 = arith.constant 0 : i32
        %dma_wait3A_188 = tpu.memref_slice %arg2[%dma_wait3A_186, %dma_wait3A_187] : memref<10000x128xf32, #tpu.memory_space<hbm>> -> memref<10000x128xf32, #tpu.memory_space<hbm>>
        tpu.wait_indirect_dma semaphore(%arg14 : memref<!tpu.dma_semaphore, #tpu.memory_space<semaphore_mem>>) src(%dma_wait3A_188 : memref<10000x128xf32, #tpu.memory_space<hbm>>) dst(%arg11 : memref<128x128xf32, #tpu.memory_space<vmem>>)
        %add3A_189 = arith.constant 1 : i32
        %add3A_190 = arith.addi %add3A_168, %add3A_189 : i32
        %dma_start3A_191 = arith.constant 0 : i32
        %dma_start3A_192 = tpu.memref_slice %arg9[%add3A_190, %dma_start3A_191] : memref<40x128xi32, #tpu.memory_space<vmem>> -> memref<1x128xi32, #tpu.memory_space<vmem>>
        %dma_start3A_193 = tpu.memref_squeeze %dma_start3A_192 : memref<1x128xi32, #tpu.memory_space<vmem>> -> memref<128xi32, #tpu.memory_space<vmem>>
        %dma_start3A_194 = arith.constant 0 : i32
        %dma_start3A_195 = arith.constant 0 : i32
        %dma_start3A_196 = tpu.memref_slice %arg12[%dma_start3A_194, %dma_start3A_195] : memref<10240x128xf32, #tpu.memory_space<vmem_shared>> -> memref<10240x128xf32, #tpu.memory_space<vmem_shared>>
        tpu.enqueue_indirect_dma source(%arg11 : memref<128x128xf32, #tpu.memory_space<vmem>>) target(%dma_start3A_196 : memref<10240x128xf32, #tpu.memory_space<vmem_shared>>) offsets(%dma_start3A_193 : memref<128xi32, #tpu.memory_space<vmem>>) semaphore(%arg16 : memref<!tpu.dma_semaphore, #tpu.memory_space<semaphore_mem>>) {add = true}
        %dma_wait3A_197 = arith.constant 0 : i32
        %dma_wait3A_198 = tpu.memref_slice %arg9[%add3A_168, %dma_wait3A_197] : memref<40x128xi32, #tpu.memory_space<vmem>> -> memref<1x128xi32, #tpu.memory_space<vmem>>
        %dma_wait3A_199 = tpu.memref_squeeze %dma_wait3A_198 : memref<1x128xi32, #tpu.memory_space<vmem>> -> memref<128xi32, #tpu.memory_space<vmem>>
        %dma_wait3A_200 = arith.constant 0 : i32
        %dma_wait3A_201 = arith.constant 0 : i32
        %dma_wait3A_202 = tpu.memref_slice %arg12[%dma_wait3A_200, %dma_wait3A_201] : memref<10240x128xf32, #tpu.memory_space<vmem_shared>> -> memref<10240x128xf32, #tpu.memory_space<vmem_shared>>
        tpu.wait_indirect_dma semaphore(%arg15 : memref<!tpu.dma_semaphore, #tpu.memory_space<semaphore_mem>>) src(%arg10 : memref<128x128xf32, #tpu.memory_space<vmem>>) dst(%dma_wait3A_202 : memref<10240x128xf32, #tpu.memory_space<vmem_shared>>)
        %add3A_203 = arith.constant 2 : i32
        %add3A_204 = arith.addi %add3A_168, %add3A_203 : i32
        %dma_start3A_205 = arith.constant 0 : i32
        %dma_start3A_206 = tpu.memref_slice %arg8[%add3A_204, %dma_start3A_205] : memref<40x128xi32, #tpu.memory_space<vmem>> -> memref<1x128xi32, #tpu.memory_space<vmem>>
        %dma_start3A_207 = tpu.memref_squeeze %dma_start3A_206 : memref<1x128xi32, #tpu.memory_space<vmem>> -> memref<128xi32, #tpu.memory_space<vmem>>
        %dma_start3A_208 = arith.constant 0 : i32
        %dma_start3A_209 = arith.constant 0 : i32
        %dma_start3A_210 = tpu.memref_slice %arg2[%dma_start3A_208, %dma_start3A_209] : memref<10000x128xf32, #tpu.memory_space<hbm>> -> memref<10000x128xf32, #tpu.memory_space<hbm>>
        tpu.enqueue_indirect_dma source(%dma_start3A_210 : memref<10000x128xf32, #tpu.memory_space<hbm>>) target(%arg10 : memref<128x128xf32, #tpu.memory_space<vmem>>) offsets(%dma_start3A_207 : memref<128xi32, #tpu.memory_space<vmem>>) semaphore(%arg13 : memref<!tpu.dma_semaphore, #tpu.memory_space<semaphore_mem>>)
        %add3A_211 = arith.constant 1 : i32
        %add3A_212 = arith.addi %add3A_168, %add3A_211 : i32
        %dma_wait3A_213 = arith.constant 0 : i32
        %dma_wait3A_214 = tpu.memref_slice %arg9[%add3A_212, %dma_wait3A_213] : memref<40x128xi32, #tpu.memory_space<vmem>> -> memref<1x128xi32, #tpu.memory_space<vmem>>
        %dma_wait3A_215 = tpu.memref_squeeze %dma_wait3A_214 : memref<1x128xi32, #tpu.memory_space<vmem>> -> memref<128xi32, #tpu.memory_space<vmem>>
        %dma_wait3A_216 = arith.constant 0 : i32
        %dma_wait3A_217 = arith.constant 0 : i32
        %dma_wait3A_218 = tpu.memref_slice %arg12[%dma_wait3A_216, %dma_wait3A_217] : memref<10240x128xf32, #tpu.memory_space<vmem_shared>> -> memref<10240x128xf32, #tpu.memory_space<vmem_shared>>
        tpu.wait_indirect_dma semaphore(%arg16 : memref<!tpu.dma_semaphore, #tpu.memory_space<semaphore_mem>>) src(%arg11 : memref<128x128xf32, #tpu.memory_space<vmem>>) dst(%dma_wait3A_218 : memref<10240x128xf32, #tpu.memory_space<vmem_shared>>)
        %add3A_219 = arith.constant 3 : i32
        %add3A_220 = arith.addi %add3A_168, %add3A_219 : i32
        %dma_start3A_221 = arith.constant 0 : i32
        %dma_start3A_222 = tpu.memref_slice %arg8[%add3A_220, %dma_start3A_221] : memref<40x128xi32, #tpu.memory_space<vmem>> -> memref<1x128xi32, #tpu.memory_space<vmem>>
        %dma_start3A_223 = tpu.memref_squeeze %dma_start3A_222 : memref<1x128xi32, #tpu.memory_space<vmem>> -> memref<128xi32, #tpu.memory_space<vmem>>
        %dma_start3A_224 = arith.constant 0 : i32
        %dma_start3A_225 = arith.constant 0 : i32
        %dma_start3A_226 = tpu.memref_slice %arg2[%dma_start3A_224, %dma_start3A_225] : memref<10000x128xf32, #tpu.memory_space<hbm>> -> memref<10000x128xf32, #tpu.memory_space<hbm>>
        tpu.enqueue_indirect_dma source(%dma_start3A_226 : memref<10000x128xf32, #tpu.memory_space<hbm>>) target(%arg11 : memref<128x128xf32, #tpu.memory_space<vmem>>) offsets(%dma_start3A_223 : memref<128xi32, #tpu.memory_space<vmem>>) semaphore(%arg14 : memref<!tpu.dma_semaphore, #tpu.memory_space<semaphore_mem>>)
      }
      %scan3A_121 = arith.constant 19 : i32
      %dma_wait3A_122 = arith.constant 38 : i32
      %dma_wait3A_123 = arith.constant 0 : i32
      %dma_wait3A_124 = tpu.memref_slice %arg8[%dma_wait3A_122, %dma_wait3A_123] : memref<40x128xi32, #tpu.memory_space<vmem>> -> memref<1x128xi32, #tpu.memory_space<vmem>>
      %dma_wait3A_125 = tpu.memref_squeeze %dma_wait3A_124 : memref<1x128xi32, #tpu.memory_space<vmem>> -> memref<128xi32, #tpu.memory_space<vmem>>
      %dma_wait3A_126 = arith.constant 0 : i32
      %dma_wait3A_127 = arith.constant 0 : i32
      %dma_wait3A_128 = tpu.memref_slice %arg2[%dma_wait3A_126, %dma_wait3A_127] : memref<10000x128xf32, #tpu.memory_space<hbm>> -> memref<10000x128xf32, #tpu.memory_space<hbm>>
      tpu.wait_indirect_dma semaphore(%arg13 : memref<!tpu.dma_semaphore, #tpu.memory_space<semaphore_mem>>) src(%dma_wait3A_128 : memref<10000x128xf32, #tpu.memory_space<hbm>>) dst(%arg10 : memref<128x128xf32, #tpu.memory_space<vmem>>)
      %dma_start3A_129 = arith.constant 38 : i32
      %dma_start3A_130 = arith.constant 0 : i32
      %dma_start3A_131 = tpu.memref_slice %arg9[%dma_start3A_129, %dma_start3A_130] : memref<40x128xi32, #tpu.memory_space<vmem>> -> memref<1x128xi32, #tpu.memory_space<vmem>>
      %dma_start3A_132 = tpu.memref_squeeze %dma_start3A_131 : memref<1x128xi32, #tpu.memory_space<vmem>> -> memref<128xi32, #tpu.memory_space<vmem>>
      %dma_start3A_133 = arith.constant 0 : i32
      %dma_start3A_134 = arith.constant 0 : i32
      %dma_start3A_135 = tpu.memref_slice %arg12[%dma_start3A_133, %dma_start3A_134] : memref<10240x128xf32, #tpu.memory_space<vmem_shared>> -> memref<10240x128xf32, #tpu.memory_space<vmem_shared>>
      tpu.enqueue_indirect_dma source(%arg10 : memref<128x128xf32, #tpu.memory_space<vmem>>) target(%dma_start3A_135 : memref<10240x128xf32, #tpu.memory_space<vmem_shared>>) offsets(%dma_start3A_132 : memref<128xi32, #tpu.memory_space<vmem>>) semaphore(%arg15 : memref<!tpu.dma_semaphore, #tpu.memory_space<semaphore_mem>>) {add = true}
      %dma_wait3A_136 = arith.constant 39 : i32
      %dma_wait3A_137 = arith.constant 0 : i32
      %dma_wait3A_138 = tpu.memref_slice %arg8[%dma_wait3A_136, %dma_wait3A_137] : memref<40x128xi32, #tpu.memory_space<vmem>> -> memref<1x128xi32, #tpu.memory_space<vmem>>
      %dma_wait3A_139 = tpu.memref_squeeze %dma_wait3A_138 : memref<1x128xi32, #tpu.memory_space<vmem>> -> memref<128xi32, #tpu.memory_space<vmem>>
      %dma_wait3A_140 = arith.constant 0 : i32
      %dma_wait3A_141 = arith.constant 0 : i32
      %dma_wait3A_142 = tpu.memref_slice %arg2[%dma_wait3A_140, %dma_wait3A_141] : memref<10000x128xf32, #tpu.memory_space<hbm>> -> memref<10000x128xf32, #tpu.memory_space<hbm>>
      tpu.wait_indirect_dma semaphore(%arg14 : memref<!tpu.dma_semaphore, #tpu.memory_space<semaphore_mem>>) src(%dma_wait3A_142 : memref<10000x128xf32, #tpu.memory_space<hbm>>) dst(%arg11 : memref<128x128xf32, #tpu.memory_space<vmem>>)
      %dma_start3A_143 = arith.constant 39 : i32
      %dma_start3A_144 = arith.constant 0 : i32
      %dma_start3A_145 = tpu.memref_slice %arg9[%dma_start3A_143, %dma_start3A_144] : memref<40x128xi32, #tpu.memory_space<vmem>> -> memref<1x128xi32, #tpu.memory_space<vmem>>
      %dma_start3A_146 = tpu.memref_squeeze %dma_start3A_145 : memref<1x128xi32, #tpu.memory_space<vmem>> -> memref<128xi32, #tpu.memory_space<vmem>>
      %dma_start3A_147 = arith.constant 0 : i32
      %dma_start3A_148 = arith.constant 0 : i32
      %dma_start3A_149 = tpu.memref_slice %arg12[%dma_start3A_147, %dma_start3A_148] : memref<10240x128xf32, #tpu.memory_space<vmem_shared>> -> memref<10240x128xf32, #tpu.memory_space<vmem_shared>>
      tpu.enqueue_indirect_dma source(%arg11 : memref<128x128xf32, #tpu.memory_space<vmem>>) target(%dma_start3A_149 : memref<10240x128xf32, #tpu.memory_space<vmem_shared>>) offsets(%dma_start3A_146 : memref<128xi32, #tpu.memory_space<vmem>>) semaphore(%arg16 : memref<!tpu.dma_semaphore, #tpu.memory_space<semaphore_mem>>) {add = true}
      %dma_wait3A_150 = arith.constant 38 : i32
      %dma_wait3A_151 = arith.constant 0 : i32
      %dma_wait3A_152 = tpu.memref_slice %arg9[%dma_wait3A_150, %dma_wait3A_151] : memref<40x128xi32, #tpu.memory_space<vmem>> -> memref<1x128xi32, #tpu.memory_space<vmem>>
      %dma_wait3A_153 = tpu.memref_squeeze %dma_wait3A_152 : memref<1x128xi32, #tpu.memory_space<vmem>> -> memref<128xi32, #tpu.memory_space<vmem>>
      %dma_wait3A_154 = arith.constant 0 : i32
      %dma_wait3A_155 = arith.constant 0 : i32
      %dma_wait3A_156 = tpu.memref_slice %arg12[%dma_wait3A_154, %dma_wait3A_155] : memref<10240x128xf32, #tpu.memory_space<vmem_shared>> -> memref<10240x128xf32, #tpu.memory_space<vmem_shared>>
      tpu.wait_indirect_dma semaphore(%arg15 : memref<!tpu.dma_semaphore, #tpu.memory_space<semaphore_mem>>) src(%arg10 : memref<128x128xf32, #tpu.memory_space<vmem>>) dst(%dma_wait3A_156 : memref<10240x128xf32, #tpu.memory_space<vmem_shared>>)
      %dma_wait3A_157 = arith.constant 39 : i32
      %dma_wait3A_158 = arith.constant 0 : i32
      %dma_wait3A_159 = tpu.memref_slice %arg9[%dma_wait3A_157, %dma_wait3A_158] : memref<40x128xi32, #tpu.memory_space<vmem>> -> memref<1x128xi32, #tpu.memory_space<vmem>>
      %dma_wait3A_160 = tpu.memref_squeeze %dma_wait3A_159 : memref<1x128xi32, #tpu.memory_space<vmem>> -> memref<128xi32, #tpu.memory_space<vmem>>
      %dma_wait3A_161 = arith.constant 0 : i32
      %dma_wait3A_162 = arith.constant 0 : i32
      %dma_wait3A_163 = tpu.memref_slice %arg12[%dma_wait3A_161, %dma_wait3A_162] : memref<10240x128xf32, #tpu.memory_space<vmem_shared>> -> memref<10240x128xf32, #tpu.memory_space<vmem_shared>>
      tpu.wait_indirect_dma semaphore(%arg16 : memref<!tpu.dma_semaphore, #tpu.memory_space<semaphore_mem>>) src(%arg11 : memref<128x128xf32, #tpu.memory_space<vmem>>) dst(%dma_wait3A_163 : memref<10240x128xf32, #tpu.memory_space<vmem_shared>>)
    } else {
    }
    %eq3A_12 = arith.constant 1 : i32
    %eq3A_13 = arith.cmpi eq, %arg0, %eq3A_12 : i32
    %convert_element_type3A_14 = arith.extui %eq3A_13 : i1 to i32
    %cond3A_15 = arith.constant 0 : i32
    %cond3A_16 = arith.cmpi ne, %convert_element_type3A_14, %cond3A_15 : i32
    scf.if %cond3A_16 {
      %mul3A_29 = arith.constant 2 : i32
      %mul3A_30 = arith.muli %mul3A_29, %arg1 : i32
      %add3A = arith.constant 0 : i32
      %add3A_31 = arith.addi %mul3A_30, %add3A : i32
      "tpu.region"() ({
        %run_scoped3A = tpu.sem_alloc : memref<!tpu.dma_semaphore, #tpu.memory_space<semaphore_mem>>
        %dma_start3A_164 = arith.constant 0 : i32
        %dma_start3A_165 = arith.constant 0 : i32
        %dma_start3A_166 = tpu.memref_slice %arg4[%add3A_31, %dma_start3A_164, %dma_start3A_165] : memref<32x40x128xi32, #tpu.memory_space<hbm>> -> memref<1x40x128xi32, #tpu.memory_space<hbm>>
        %dma_start3A_167 = tpu.memref_squeeze %dma_start3A_166 : memref<1x40x128xi32, #tpu.memory_space<hbm>> -> memref<40x128xi32, #tpu.memory_space<hbm>>
        %dma_start3A_168 = arith.constant 0 : i32
        %dma_start3A_169 = arith.constant 0 : i32
        %dma_start3A_170 = tpu.memref_slice %arg4[%add3A_31, %dma_start3A_168, %dma_start3A_169] : memref<32x40x128xi32, #tpu.memory_space<hbm>> -> memref<1x40x128xi32, #tpu.memory_space<hbm>>
        %dma_start3A_171 = tpu.memref_squeeze %dma_start3A_170 : memref<1x40x128xi32, #tpu.memory_space<hbm>> -> memref<40x128xi32, #tpu.memory_space<hbm>>
        tpu.enqueue_dma source(%dma_start3A_171 : memref<40x128xi32, #tpu.memory_space<hbm>>) target(%arg8 : memref<40x128xi32, #tpu.memory_space<vmem>>) target_semaphore(%run_scoped3A : memref<!tpu.dma_semaphore, #tpu.memory_space<semaphore_mem>>)
        %dma_wait3A_172 = arith.constant 0 : i32
        %dma_wait3A_173 = arith.constant 0 : i32
        %dma_wait3A_174 = tpu.memref_slice %arg4[%add3A_31, %dma_wait3A_172, %dma_wait3A_173] : memref<32x40x128xi32, #tpu.memory_space<hbm>> -> memref<1x40x128xi32, #tpu.memory_space<hbm>>
        %dma_wait3A_175 = tpu.memref_squeeze %dma_wait3A_174 : memref<1x40x128xi32, #tpu.memory_space<hbm>> -> memref<40x128xi32, #tpu.memory_space<hbm>>
        %dma_wait3A_176 = arith.constant 0 : i32
        %dma_wait3A_177 = arith.constant 0 : i32
        %dma_wait3A_178 = tpu.memref_slice %arg4[%add3A_31, %dma_wait3A_176, %dma_wait3A_177] : memref<32x40x128xi32, #tpu.memory_space<hbm>> -> memref<1x40x128xi32, #tpu.memory_space<hbm>>
        %dma_wait3A_179 = tpu.memref_squeeze %dma_wait3A_178 : memref<1x40x128xi32, #tpu.memory_space<hbm>> -> memref<40x128xi32, #tpu.memory_space<hbm>>
        tpu.wait_dma2 semaphore(%run_scoped3A : memref<!tpu.dma_semaphore, #tpu.memory_space<semaphore_mem>>) src(%dma_wait3A_179 : memref<40x128xi32, #tpu.memory_space<hbm>>) dst(%arg8 : memref<40x128xi32, #tpu.memory_space<vmem>>)
        tpu.yield
      }) : () -> ()
      %mul3A_32 = arith.constant 2 : i32
      %mul3A_33 = arith.muli %mul3A_32, %arg1 : i32
      %add3A_34 = arith.constant 0 : i32
      %add3A_35 = arith.addi %mul3A_33, %add3A_34 : i32
      "tpu.region"() ({
        %run_scoped3A = tpu.sem_alloc : memref<!tpu.dma_semaphore, #tpu.memory_space<semaphore_mem>>
        %dma_start3A_164 = arith.constant 0 : i32
        %dma_start3A_165 = arith.constant 0 : i32
        %dma_start3A_166 = tpu.memref_slice %arg5[%add3A_35, %dma_start3A_164, %dma_start3A_165] : memref<32x40x128xi32, #tpu.memory_space<hbm>> -> memref<1x40x128xi32, #tpu.memory_space<hbm>>
        %dma_start3A_167 = tpu.memref_squeeze %dma_start3A_166 : memref<1x40x128xi32, #tpu.memory_space<hbm>> -> memref<40x128xi32, #tpu.memory_space<hbm>>
        %dma_start3A_168 = arith.constant 0 : i32
        %dma_start3A_169 = arith.constant 0 : i32
        %dma_start3A_170 = tpu.memref_slice %arg5[%add3A_35, %dma_start3A_168, %dma_start3A_169] : memref<32x40x128xi32, #tpu.memory_space<hbm>> -> memref<1x40x128xi32, #tpu.memory_space<hbm>>
        %dma_start3A_171 = tpu.memref_squeeze %dma_start3A_170 : memref<1x40x128xi32, #tpu.memory_space<hbm>> -> memref<40x128xi32, #tpu.memory_space<hbm>>
        tpu.enqueue_dma source(%dma_start3A_171 : memref<40x128xi32, #tpu.memory_space<hbm>>) target(%arg9 : memref<40x128xi32, #tpu.memory_space<vmem>>) target_semaphore(%run_scoped3A : memref<!tpu.dma_semaphore, #tpu.memory_space<semaphore_mem>>)
        %dma_wait3A_172 = arith.constant 0 : i32
        %dma_wait3A_173 = arith.constant 0 : i32
        %dma_wait3A_174 = tpu.memref_slice %arg5[%add3A_35, %dma_wait3A_172, %dma_wait3A_173] : memref<32x40x128xi32, #tpu.memory_space<hbm>> -> memref<1x40x128xi32, #tpu.memory_space<hbm>>
        %dma_wait3A_175 = tpu.memref_squeeze %dma_wait3A_174 : memref<1x40x128xi32, #tpu.memory_space<hbm>> -> memref<40x128xi32, #tpu.memory_space<hbm>>
        %dma_wait3A_176 = arith.constant 0 : i32
        %dma_wait3A_177 = arith.constant 0 : i32
        %dma_wait3A_178 = tpu.memref_slice %arg5[%add3A_35, %dma_wait3A_176, %dma_wait3A_177] : memref<32x40x128xi32, #tpu.memory_space<hbm>> -> memref<1x40x128xi32, #tpu.memory_space<hbm>>
        %dma_wait3A_179 = tpu.memref_squeeze %dma_wait3A_178 : memref<1x40x128xi32, #tpu.memory_space<hbm>> -> memref<40x128xi32, #tpu.memory_space<hbm>>
        tpu.wait_dma2 semaphore(%run_scoped3A : memref<!tpu.dma_semaphore, #tpu.memory_space<semaphore_mem>>) src(%dma_wait3A_179 : memref<40x128xi32, #tpu.memory_space<hbm>>) dst(%arg9 : memref<40x128xi32, #tpu.memory_space<vmem>>)
        tpu.yield
      }) : () -> ()
      %dma_start3A = arith.constant 0 : i32
      %dma_start3A_36 = arith.constant 0 : i32
      %dma_start3A_37 = tpu.memref_slice %arg8[%dma_start3A, %dma_start3A_36] : memref<40x128xi32, #tpu.memory_space<vmem>> -> memref<1x128xi32, #tpu.memory_space<vmem>>
      %dma_start3A_38 = tpu.memref_squeeze %dma_start3A_37 : memref<1x128xi32, #tpu.memory_space<vmem>> -> memref<128xi32, #tpu.memory_space<vmem>>
      %dma_start3A_39 = arith.constant 0 : i32
      %dma_start3A_40 = arith.constant 0 : i32
      %dma_start3A_41 = tpu.memref_slice %arg3[%dma_start3A_39, %dma_start3A_40] : memref<10000x128xf32, #tpu.memory_space<hbm>> -> memref<10000x128xf32, #tpu.memory_space<hbm>>
      tpu.enqueue_indirect_dma source(%dma_start3A_41 : memref<10000x128xf32, #tpu.memory_space<hbm>>) target(%arg10 : memref<128x128xf32, #tpu.memory_space<vmem>>) offsets(%dma_start3A_38 : memref<128xi32, #tpu.memory_space<vmem>>) semaphore(%arg13 : memref<!tpu.dma_semaphore, #tpu.memory_space<semaphore_mem>>)
      %dma_start3A_42 = arith.constant 1 : i32
      %dma_start3A_43 = arith.constant 0 : i32
      %dma_start3A_44 = tpu.memref_slice %arg8[%dma_start3A_42, %dma_start3A_43] : memref<40x128xi32, #tpu.memory_space<vmem>> -> memref<1x128xi32, #tpu.memory_space<vmem>>
      %dma_start3A_45 = tpu.memref_squeeze %dma_start3A_44 : memref<1x128xi32, #tpu.memory_space<vmem>> -> memref<128xi32, #tpu.memory_space<vmem>>
      %dma_start3A_46 = arith.constant 0 : i32
      %dma_start3A_47 = arith.constant 0 : i32
      %dma_start3A_48 = tpu.memref_slice %arg3[%dma_start3A_46, %dma_start3A_47] : memref<10000x128xf32, #tpu.memory_space<hbm>> -> memref<10000x128xf32, #tpu.memory_space<hbm>>
      tpu.enqueue_indirect_dma source(%dma_start3A_48 : memref<10000x128xf32, #tpu.memory_space<hbm>>) target(%arg11 : memref<128x128xf32, #tpu.memory_space<vmem>>) offsets(%dma_start3A_45 : memref<128xi32, #tpu.memory_space<vmem>>) semaphore(%arg14 : memref<!tpu.dma_semaphore, #tpu.memory_space<semaphore_mem>>)
      %scan3A_49 = arith.constant 0 : i32
      %scan3A_50 = arith.constant 19 : i32
      %scan3A_51 = arith.addi %scan3A_49, %scan3A_50 : i32
      %scan3A_52 = arith.constant 1 : i32
      scf.for %scan3A_164 = %scan3A_49 to %scan3A_51 step %scan3A_52  : i32 {
        %mul3A_165 = arith.constant 2 : i32
        %mul3A_166 = arith.muli %scan3A_164, %mul3A_165 : i32
        %add3A_167 = arith.constant 0 : i32
        %add3A_168 = arith.addi %add3A_167, %mul3A_166 : i32
        %dma_wait3A_169 = arith.constant 0 : i32
        %dma_wait3A_170 = tpu.memref_slice %arg8[%add3A_168, %dma_wait3A_169] : memref<40x128xi32, #tpu.memory_space<vmem>> -> memref<1x128xi32, #tpu.memory_space<vmem>>
        %dma_wait3A_171 = tpu.memref_squeeze %dma_wait3A_170 : memref<1x128xi32, #tpu.memory_space<vmem>> -> memref<128xi32, #tpu.memory_space<vmem>>
        %dma_wait3A_172 = arith.constant 0 : i32
        %dma_wait3A_173 = arith.constant 0 : i32
        %dma_wait3A_174 = tpu.memref_slice %arg3[%dma_wait3A_172, %dma_wait3A_173] : memref<10000x128xf32, #tpu.memory_space<hbm>> -> memref<10000x128xf32, #tpu.memory_space<hbm>>
        tpu.wait_indirect_dma semaphore(%arg13 : memref<!tpu.dma_semaphore, #tpu.memory_space<semaphore_mem>>) src(%dma_wait3A_174 : memref<10000x128xf32, #tpu.memory_space<hbm>>) dst(%arg10 : memref<128x128xf32, #tpu.memory_space<vmem>>)
        %dma_start3A_175 = arith.constant 0 : i32
        %dma_start3A_176 = tpu.memref_slice %arg9[%add3A_168, %dma_start3A_175] : memref<40x128xi32, #tpu.memory_space<vmem>> -> memref<1x128xi32, #tpu.memory_space<vmem>>
        %dma_start3A_177 = tpu.memref_squeeze %dma_start3A_176 : memref<1x128xi32, #tpu.memory_space<vmem>> -> memref<128xi32, #tpu.memory_space<vmem>>
        %dma_start3A_178 = arith.constant 0 : i32
        %dma_start3A_179 = arith.constant 0 : i32
        %dma_start3A_180 = tpu.memref_slice %arg12[%dma_start3A_178, %dma_start3A_179] : memref<10240x128xf32, #tpu.memory_space<vmem_shared>> -> memref<10240x128xf32, #tpu.memory_space<vmem_shared>>
        tpu.enqueue_indirect_dma source(%arg10 : memref<128x128xf32, #tpu.memory_space<vmem>>) target(%dma_start3A_180 : memref<10240x128xf32, #tpu.memory_space<vmem_shared>>) offsets(%dma_start3A_177 : memref<128xi32, #tpu.memory_space<vmem>>) semaphore(%arg15 : memref<!tpu.dma_semaphore, #tpu.memory_space<semaphore_mem>>) {add = true}
        %add3A_181 = arith.constant 1 : i32
        %add3A_182 = arith.addi %add3A_168, %add3A_181 : i32
        %dma_wait3A_183 = arith.constant 0 : i32
        %dma_wait3A_184 = tpu.memref_slice %arg8[%add3A_182, %dma_wait3A_183] : memref<40x128xi32, #tpu.memory_space<vmem>> -> memref<1x128xi32, #tpu.memory_space<vmem>>
        %dma_wait3A_185 = tpu.memref_squeeze %dma_wait3A_184 : memref<1x128xi32, #tpu.memory_space<vmem>> -> memref<128xi32, #tpu.memory_space<vmem>>
        %dma_wait3A_186 = arith.constant 0 : i32
        %dma_wait3A_187 = arith.constant 0 : i32
        %dma_wait3A_188 = tpu.memref_slice %arg3[%dma_wait3A_186, %dma_wait3A_187] : memref<10000x128xf32, #tpu.memory_space<hbm>> -> memref<10000x128xf32, #tpu.memory_space<hbm>>
        tpu.wait_indirect_dma semaphore(%arg14 : memref<!tpu.dma_semaphore, #tpu.memory_space<semaphore_mem>>) src(%dma_wait3A_188 : memref<10000x128xf32, #tpu.memory_space<hbm>>) dst(%arg11 : memref<128x128xf32, #tpu.memory_space<vmem>>)
        %add3A_189 = arith.constant 1 : i32
        %add3A_190 = arith.addi %add3A_168, %add3A_189 : i32
        %dma_start3A_191 = arith.constant 0 : i32
        %dma_start3A_192 = tpu.memref_slice %arg9[%add3A_190, %dma_start3A_191] : memref<40x128xi32, #tpu.memory_space<vmem>> -> memref<1x128xi32, #tpu.memory_space<vmem>>
        %dma_start3A_193 = tpu.memref_squeeze %dma_start3A_192 : memref<1x128xi32, #tpu.memory_space<vmem>> -> memref<128xi32, #tpu.memory_space<vmem>>
        %dma_start3A_194 = arith.constant 0 : i32
        %dma_start3A_195 = arith.constant 0 : i32
        %dma_start3A_196 = tpu.memref_slice %arg12[%dma_start3A_194, %dma_start3A_195] : memref<10240x128xf32, #tpu.memory_space<vmem_shared>> -> memref<10240x128xf32, #tpu.memory_space<vmem_shared>>
        tpu.enqueue_indirect_dma source(%arg11 : memref<128x128xf32, #tpu.memory_space<vmem>>) target(%dma_start3A_196 : memref<10240x128xf32, #tpu.memory_space<vmem_shared>>) offsets(%dma_start3A_193 : memref<128xi32, #tpu.memory_space<vmem>>) semaphore(%arg16 : memref<!tpu.dma_semaphore, #tpu.memory_space<semaphore_mem>>) {add = true}
        %dma_wait3A_197 = arith.constant 0 : i32
        %dma_wait3A_198 = tpu.memref_slice %arg9[%add3A_168, %dma_wait3A_197] : memref<40x128xi32, #tpu.memory_space<vmem>> -> memref<1x128xi32, #tpu.memory_space<vmem>>
        %dma_wait3A_199 = tpu.memref_squeeze %dma_wait3A_198 : memref<1x128xi32, #tpu.memory_space<vmem>> -> memref<128xi32, #tpu.memory_space<vmem>>
        %dma_wait3A_200 = arith.constant 0 : i32
        %dma_wait3A_201 = arith.constant 0 : i32
        %dma_wait3A_202 = tpu.memref_slice %arg12[%dma_wait3A_200, %dma_wait3A_201] : memref<10240x128xf32, #tpu.memory_space<vmem_shared>> -> memref<10240x128xf32, #tpu.memory_space<vmem_shared>>
        tpu.wait_indirect_dma semaphore(%arg15 : memref<!tpu.dma_semaphore, #tpu.memory_space<semaphore_mem>>) src(%arg10 : memref<128x128xf32, #tpu.memory_space<vmem>>) dst(%dma_wait3A_202 : memref<10240x128xf32, #tpu.memory_space<vmem_shared>>)
        %add3A_203 = arith.constant 2 : i32
        %add3A_204 = arith.addi %add3A_168, %add3A_203 : i32
        %dma_start3A_205 = arith.constant 0 : i32
        %dma_start3A_206 = tpu.memref_slice %arg8[%add3A_204, %dma_start3A_205] : memref<40x128xi32, #tpu.memory_space<vmem>> -> memref<1x128xi32, #tpu.memory_space<vmem>>
        %dma_start3A_207 = tpu.memref_squeeze %dma_start3A_206 : memref<1x128xi32, #tpu.memory_space<vmem>> -> memref<128xi32, #tpu.memory_space<vmem>>
        %dma_start3A_208 = arith.constant 0 : i32
        %dma_start3A_209 = arith.constant 0 : i32
        %dma_start3A_210 = tpu.memref_slice %arg3[%dma_start3A_208, %dma_start3A_209] : memref<10000x128xf32, #tpu.memory_space<hbm>> -> memref<10000x128xf32, #tpu.memory_space<hbm>>
        tpu.enqueue_indirect_dma source(%dma_start3A_210 : memref<10000x128xf32, #tpu.memory_space<hbm>>) target(%arg10 : memref<128x128xf32, #tpu.memory_space<vmem>>) offsets(%dma_start3A_207 : memref<128xi32, #tpu.memory_space<vmem>>) semaphore(%arg13 : memref<!tpu.dma_semaphore, #tpu.memory_space<semaphore_mem>>)
        %add3A_211 = arith.constant 1 : i32
        %add3A_212 = arith.addi %add3A_168, %add3A_211 : i32
        %dma_wait3A_213 = arith.constant 0 : i32
        %dma_wait3A_214 = tpu.memref_slice %arg9[%add3A_212, %dma_wait3A_213] : memref<40x128xi32, #tpu.memory_space<vmem>> -> memref<1x128xi32, #tpu.memory_space<vmem>>
        %dma_wait3A_215 = tpu.memref_squeeze %dma_wait3A_214 : memref<1x128xi32, #tpu.memory_space<vmem>> -> memref<128xi32, #tpu.memory_space<vmem>>
        %dma_wait3A_216 = arith.constant 0 : i32
        %dma_wait3A_217 = arith.constant 0 : i32
        %dma_wait3A_218 = tpu.memref_slice %arg12[%dma_wait3A_216, %dma_wait3A_217] : memref<10240x128xf32, #tpu.memory_space<vmem_shared>> -> memref<10240x128xf32, #tpu.memory_space<vmem_shared>>
        tpu.wait_indirect_dma semaphore(%arg16 : memref<!tpu.dma_semaphore, #tpu.memory_space<semaphore_mem>>) src(%arg11 : memref<128x128xf32, #tpu.memory_space<vmem>>) dst(%dma_wait3A_218 : memref<10240x128xf32, #tpu.memory_space<vmem_shared>>)
        %add3A_219 = arith.constant 3 : i32
        %add3A_220 = arith.addi %add3A_168, %add3A_219 : i32
        %dma_start3A_221 = arith.constant 0 : i32
        %dma_start3A_222 = tpu.memref_slice %arg8[%add3A_220, %dma_start3A_221] : memref<40x128xi32, #tpu.memory_space<vmem>> -> memref<1x128xi32, #tpu.memory_space<vmem>>
        %dma_start3A_223 = tpu.memref_squeeze %dma_start3A_222 : memref<1x128xi32, #tpu.memory_space<vmem>> -> memref<128xi32, #tpu.memory_space<vmem>>
        %dma_start3A_224 = arith.constant 0 : i32
        %dma_start3A_225 = arith.constant 0 : i32
        %dma_start3A_226 = tpu.memref_slice %arg3[%dma_start3A_224, %dma_start3A_225] : memref<10000x128xf32, #tpu.memory_space<hbm>> -> memref<10000x128xf32, #tpu.memory_space<hbm>>
        tpu.enqueue_indirect_dma source(%dma_start3A_226 : memref<10000x128xf32, #tpu.memory_space<hbm>>) target(%arg11 : memref<128x128xf32, #tpu.memory_space<vmem>>) offsets(%dma_start3A_223 : memref<128xi32, #tpu.memory_space<vmem>>) semaphore(%arg14 : memref<!tpu.dma_semaphore, #tpu.memory_space<semaphore_mem>>)
      }
      %scan3A_53 = arith.constant 19 : i32
      %dma_wait3A = arith.constant 38 : i32
      %dma_wait3A_54 = arith.constant 0 : i32
      %dma_wait3A_55 = tpu.memref_slice %arg8[%dma_wait3A, %dma_wait3A_54] : memref<40x128xi32, #tpu.memory_space<vmem>> -> memref<1x128xi32, #tpu.memory_space<vmem>>
      %dma_wait3A_56 = tpu.memref_squeeze %dma_wait3A_55 : memref<1x128xi32, #tpu.memory_space<vmem>> -> memref<128xi32, #tpu.memory_space<vmem>>
      %dma_wait3A_57 = arith.constant 0 : i32
      %dma_wait3A_58 = arith.constant 0 : i32
      %dma_wait3A_59 = tpu.memref_slice %arg3[%dma_wait3A_57, %dma_wait3A_58] : memref<10000x128xf32, #tpu.memory_space<hbm>> -> memref<10000x128xf32, #tpu.memory_space<hbm>>
      tpu.wait_indirect_dma semaphore(%arg13 : memref<!tpu.dma_semaphore, #tpu.memory_space<semaphore_mem>>) src(%dma_wait3A_59 : memref<10000x128xf32, #tpu.memory_space<hbm>>) dst(%arg10 : memref<128x128xf32, #tpu.memory_space<vmem>>)
      %dma_start3A_60 = arith.constant 38 : i32
      %dma_start3A_61 = arith.constant 0 : i32
      %dma_start3A_62 = tpu.memref_slice %arg9[%dma_start3A_60, %dma_start3A_61] : memref<40x128xi32, #tpu.memory_space<vmem>> -> memref<1x128xi32, #tpu.memory_space<vmem>>
      %dma_start3A_63 = tpu.memref_squeeze %dma_start3A_62 : memref<1x128xi32, #tpu.memory_space<vmem>> -> memref<128xi32, #tpu.memory_space<vmem>>
      %dma_start3A_64 = arith.constant 0 : i32
      %dma_start3A_65 = arith.constant 0 : i32
      %dma_start3A_66 = tpu.memref_slice %arg12[%dma_start3A_64, %dma_start3A_65] : memref<10240x128xf32, #tpu.memory_space<vmem_shared>> -> memref<10240x128xf32, #tpu.memory_space<vmem_shared>>
      tpu.enqueue_indirect_dma source(%arg10 : memref<128x128xf32, #tpu.memory_space<vmem>>) target(%dma_start3A_66 : memref<10240x128xf32, #tpu.memory_space<vmem_shared>>) offsets(%dma_start3A_63 : memref<128xi32, #tpu.memory_space<vmem>>) semaphore(%arg15 : memref<!tpu.dma_semaphore, #tpu.memory_space<semaphore_mem>>) {add = true}
      %dma_wait3A_67 = arith.constant 39 : i32
      %dma_wait3A_68 = arith.constant 0 : i32
      %dma_wait3A_69 = tpu.memref_slice %arg8[%dma_wait3A_67, %dma_wait3A_68] : memref<40x128xi32, #tpu.memory_space<vmem>> -> memref<1x128xi32, #tpu.memory_space<vmem>>
      %dma_wait3A_70 = tpu.memref_squeeze %dma_wait3A_69 : memref<1x128xi32, #tpu.memory_space<vmem>> -> memref<128xi32, #tpu.memory_space<vmem>>
      %dma_wait3A_71 = arith.constant 0 : i32
      %dma_wait3A_72 = arith.constant 0 : i32
      %dma_wait3A_73 = tpu.memref_slice %arg3[%dma_wait3A_71, %dma_wait3A_72] : memref<10000x128xf32, #tpu.memory_space<hbm>> -> memref<10000x128xf32, #tpu.memory_space<hbm>>
      tpu.wait_indirect_dma semaphore(%arg14 : memref<!tpu.dma_semaphore, #tpu.memory_space<semaphore_mem>>) src(%dma_wait3A_73 : memref<10000x128xf32, #tpu.memory_space<hbm>>) dst(%arg11 : memref<128x128xf32, #tpu.memory_space<vmem>>)
      %dma_start3A_74 = arith.constant 39 : i32
      %dma_start3A_75 = arith.constant 0 : i32
      %dma_start3A_76 = tpu.memref_slice %arg9[%dma_start3A_74, %dma_start3A_75] : memref<40x128xi32, #tpu.memory_space<vmem>> -> memref<1x128xi32, #tpu.memory_space<vmem>>
      %dma_start3A_77 = tpu.memref_squeeze %dma_start3A_76 : memref<1x128xi32, #tpu.memory_space<vmem>> -> memref<128xi32, #tpu.memory_space<vmem>>
      %dma_start3A_78 = arith.constant 0 : i32
      %dma_start3A_79 = arith.constant 0 : i32
      %dma_start3A_80 = tpu.memref_slice %arg12[%dma_start3A_78, %dma_start3A_79] : memref<10240x128xf32, #tpu.memory_space<vmem_shared>> -> memref<10240x128xf32, #tpu.memory_space<vmem_shared>>
      tpu.enqueue_indirect_dma source(%arg11 : memref<128x128xf32, #tpu.memory_space<vmem>>) target(%dma_start3A_80 : memref<10240x128xf32, #tpu.memory_space<vmem_shared>>) offsets(%dma_start3A_77 : memref<128xi32, #tpu.memory_space<vmem>>) semaphore(%arg16 : memref<!tpu.dma_semaphore, #tpu.memory_space<semaphore_mem>>) {add = true}
      %dma_wait3A_81 = arith.constant 38 : i32
      %dma_wait3A_82 = arith.constant 0 : i32
      %dma_wait3A_83 = tpu.memref_slice %arg9[%dma_wait3A_81, %dma_wait3A_82] : memref<40x128xi32, #tpu.memory_space<vmem>> -> memref<1x128xi32, #tpu.memory_space<vmem>>
      %dma_wait3A_84 = tpu.memref_squeeze %dma_wait3A_83 : memref<1x128xi32, #tpu.memory_space<vmem>> -> memref<128xi32, #tpu.memory_space<vmem>>
      %dma_wait3A_85 = arith.constant 0 : i32
      %dma_wait3A_86 = arith.constant 0 : i32
      %dma_wait3A_87 = tpu.memref_slice %arg12[%dma_wait3A_85, %dma_wait3A_86] : memref<10240x128xf32, #tpu.memory_space<vmem_shared>> -> memref<10240x128xf32, #tpu.memory_space<vmem_shared>>
      tpu.wait_indirect_dma semaphore(%arg15 : memref<!tpu.dma_semaphore, #tpu.memory_space<semaphore_mem>>) src(%arg10 : memref<128x128xf32, #tpu.memory_space<vmem>>) dst(%dma_wait3A_87 : memref<10240x128xf32, #tpu.memory_space<vmem_shared>>)
      %dma_wait3A_88 = arith.constant 39 : i32
      %dma_wait3A_89 = arith.constant 0 : i32
      %dma_wait3A_90 = tpu.memref_slice %arg9[%dma_wait3A_88, %dma_wait3A_89] : memref<40x128xi32, #tpu.memory_space<vmem>> -> memref<1x128xi32, #tpu.memory_space<vmem>>
      %dma_wait3A_91 = tpu.memref_squeeze %dma_wait3A_90 : memref<1x128xi32, #tpu.memory_space<vmem>> -> memref<128xi32, #tpu.memory_space<vmem>>
      %dma_wait3A_92 = arith.constant 0 : i32
      %dma_wait3A_93 = arith.constant 0 : i32
      %dma_wait3A_94 = tpu.memref_slice %arg12[%dma_wait3A_92, %dma_wait3A_93] : memref<10240x128xf32, #tpu.memory_space<vmem_shared>> -> memref<10240x128xf32, #tpu.memory_space<vmem_shared>>
      tpu.wait_indirect_dma semaphore(%arg16 : memref<!tpu.dma_semaphore, #tpu.memory_space<semaphore_mem>>) src(%arg11 : memref<128x128xf32, #tpu.memory_space<vmem>>) dst(%dma_wait3A_94 : memref<10240x128xf32, #tpu.memory_space<vmem_shared>>)
      %mul3A_95 = arith.constant 2 : i32
      %mul3A_96 = arith.muli %mul3A_95, %arg1 : i32
      %add3A_97 = arith.constant 1 : i32
      %add3A_98 = arith.addi %mul3A_96, %add3A_97 : i32
      "tpu.region"() ({
        %run_scoped3A = tpu.sem_alloc : memref<!tpu.dma_semaphore, #tpu.memory_space<semaphore_mem>>
        %dma_start3A_164 = arith.constant 0 : i32
        %dma_start3A_165 = arith.constant 0 : i32
        %dma_start3A_166 = tpu.memref_slice %arg4[%add3A_98, %dma_start3A_164, %dma_start3A_165] : memref<32x40x128xi32, #tpu.memory_space<hbm>> -> memref<1x40x128xi32, #tpu.memory_space<hbm>>
        %dma_start3A_167 = tpu.memref_squeeze %dma_start3A_166 : memref<1x40x128xi32, #tpu.memory_space<hbm>> -> memref<40x128xi32, #tpu.memory_space<hbm>>
        %dma_start3A_168 = arith.constant 0 : i32
        %dma_start3A_169 = arith.constant 0 : i32
        %dma_start3A_170 = tpu.memref_slice %arg4[%add3A_98, %dma_start3A_168, %dma_start3A_169] : memref<32x40x128xi32, #tpu.memory_space<hbm>> -> memref<1x40x128xi32, #tpu.memory_space<hbm>>
        %dma_start3A_171 = tpu.memref_squeeze %dma_start3A_170 : memref<1x40x128xi32, #tpu.memory_space<hbm>> -> memref<40x128xi32, #tpu.memory_space<hbm>>
        tpu.enqueue_dma source(%dma_start3A_171 : memref<40x128xi32, #tpu.memory_space<hbm>>) target(%arg8 : memref<40x128xi32, #tpu.memory_space<vmem>>) target_semaphore(%run_scoped3A : memref<!tpu.dma_semaphore, #tpu.memory_space<semaphore_mem>>)
        %dma_wait3A_172 = arith.constant 0 : i32
        %dma_wait3A_173 = arith.constant 0 : i32
        %dma_wait3A_174 = tpu.memref_slice %arg4[%add3A_98, %dma_wait3A_172, %dma_wait3A_173] : memref<32x40x128xi32, #tpu.memory_space<hbm>> -> memref<1x40x128xi32, #tpu.memory_space<hbm>>
        %dma_wait3A_175 = tpu.memref_squeeze %dma_wait3A_174 : memref<1x40x128xi32, #tpu.memory_space<hbm>> -> memref<40x128xi32, #tpu.memory_space<hbm>>
        %dma_wait3A_176 = arith.constant 0 : i32
        %dma_wait3A_177 = arith.constant 0 : i32
        %dma_wait3A_178 = tpu.memref_slice %arg4[%add3A_98, %dma_wait3A_176, %dma_wait3A_177] : memref<32x40x128xi32, #tpu.memory_space<hbm>> -> memref<1x40x128xi32, #tpu.memory_space<hbm>>
        %dma_wait3A_179 = tpu.memref_squeeze %dma_wait3A_178 : memref<1x40x128xi32, #tpu.memory_space<hbm>> -> memref<40x128xi32, #tpu.memory_space<hbm>>
        tpu.wait_dma2 semaphore(%run_scoped3A : memref<!tpu.dma_semaphore, #tpu.memory_space<semaphore_mem>>) src(%dma_wait3A_179 : memref<40x128xi32, #tpu.memory_space<hbm>>) dst(%arg8 : memref<40x128xi32, #tpu.memory_space<vmem>>)
        tpu.yield
      }) : () -> ()
      %mul3A_99 = arith.constant 2 : i32
      %mul3A_100 = arith.muli %mul3A_99, %arg1 : i32
      %add3A_101 = arith.constant 1 : i32
      %add3A_102 = arith.addi %mul3A_100, %add3A_101 : i32
      "tpu.region"() ({
        %run_scoped3A = tpu.sem_alloc : memref<!tpu.dma_semaphore, #tpu.memory_space<semaphore_mem>>
        %dma_start3A_164 = arith.constant 0 : i32
        %dma_start3A_165 = arith.constant 0 : i32
        %dma_start3A_166 = tpu.memref_slice %arg5[%add3A_102, %dma_start3A_164, %dma_start3A_165] : memref<32x40x128xi32, #tpu.memory_space<hbm>> -> memref<1x40x128xi32, #tpu.memory_space<hbm>>
        %dma_start3A_167 = tpu.memref_squeeze %dma_start3A_166 : memref<1x40x128xi32, #tpu.memory_space<hbm>> -> memref<40x128xi32, #tpu.memory_space<hbm>>
        %dma_start3A_168 = arith.constant 0 : i32
        %dma_start3A_169 = arith.constant 0 : i32
        %dma_start3A_170 = tpu.memref_slice %arg5[%add3A_102, %dma_start3A_168, %dma_start3A_169] : memref<32x40x128xi32, #tpu.memory_space<hbm>> -> memref<1x40x128xi32, #tpu.memory_space<hbm>>
        %dma_start3A_171 = tpu.memref_squeeze %dma_start3A_170 : memref<1x40x128xi32, #tpu.memory_space<hbm>> -> memref<40x128xi32, #tpu.memory_space<hbm>>
        tpu.enqueue_dma source(%dma_start3A_171 : memref<40x128xi32, #tpu.memory_space<hbm>>) target(%arg9 : memref<40x128xi32, #tpu.memory_space<vmem>>) target_semaphore(%run_scoped3A : memref<!tpu.dma_semaphore, #tpu.memory_space<semaphore_mem>>)
        %dma_wait3A_172 = arith.constant 0 : i32
        %dma_wait3A_173 = arith.constant 0 : i32
        %dma_wait3A_174 = tpu.memref_slice %arg5[%add3A_102, %dma_wait3A_172, %dma_wait3A_173] : memref<32x40x128xi32, #tpu.memory_space<hbm>> -> memref<1x40x128xi32, #tpu.memory_space<hbm>>
        %dma_wait3A_175 = tpu.memref_squeeze %dma_wait3A_174 : memref<1x40x128xi32, #tpu.memory_space<hbm>> -> memref<40x128xi32, #tpu.memory_space<hbm>>
        %dma_wait3A_176 = arith.constant 0 : i32
        %dma_wait3A_177 = arith.constant 0 : i32
        %dma_wait3A_178 = tpu.memref_slice %arg5[%add3A_102, %dma_wait3A_176, %dma_wait3A_177] : memref<32x40x128xi32, #tpu.memory_space<hbm>> -> memref<1x40x128xi32, #tpu.memory_space<hbm>>
        %dma_wait3A_179 = tpu.memref_squeeze %dma_wait3A_178 : memref<1x40x128xi32, #tpu.memory_space<hbm>> -> memref<40x128xi32, #tpu.memory_space<hbm>>
        tpu.wait_dma2 semaphore(%run_scoped3A : memref<!tpu.dma_semaphore, #tpu.memory_space<semaphore_mem>>) src(%dma_wait3A_179 : memref<40x128xi32, #tpu.memory_space<hbm>>) dst(%arg9 : memref<40x128xi32, #tpu.memory_space<vmem>>)
        tpu.yield
      }) : () -> ()
      %dma_start3A_103 = arith.constant 0 : i32
      %dma_start3A_104 = arith.constant 0 : i32
      %dma_start3A_105 = tpu.memref_slice %arg8[%dma_start3A_103, %dma_start3A_104] : memref<40x128xi32, #tpu.memory_space<vmem>> -> memref<1x128xi32, #tpu.memory_space<vmem>>
      %dma_start3A_106 = tpu.memref_squeeze %dma_start3A_105 : memref<1x128xi32, #tpu.memory_space<vmem>> -> memref<128xi32, #tpu.memory_space<vmem>>
      %dma_start3A_107 = arith.constant 0 : i32
      %dma_start3A_108 = arith.constant 0 : i32
      %dma_start3A_109 = tpu.memref_slice %arg3[%dma_start3A_107, %dma_start3A_108] : memref<10000x128xf32, #tpu.memory_space<hbm>> -> memref<10000x128xf32, #tpu.memory_space<hbm>>
      tpu.enqueue_indirect_dma source(%dma_start3A_109 : memref<10000x128xf32, #tpu.memory_space<hbm>>) target(%arg10 : memref<128x128xf32, #tpu.memory_space<vmem>>) offsets(%dma_start3A_106 : memref<128xi32, #tpu.memory_space<vmem>>) semaphore(%arg13 : memref<!tpu.dma_semaphore, #tpu.memory_space<semaphore_mem>>)
      %dma_start3A_110 = arith.constant 1 : i32
      %dma_start3A_111 = arith.constant 0 : i32
      %dma_start3A_112 = tpu.memref_slice %arg8[%dma_start3A_110, %dma_start3A_111] : memref<40x128xi32, #tpu.memory_space<vmem>> -> memref<1x128xi32, #tpu.memory_space<vmem>>
      %dma_start3A_113 = tpu.memref_squeeze %dma_start3A_112 : memref<1x128xi32, #tpu.memory_space<vmem>> -> memref<128xi32, #tpu.memory_space<vmem>>
      %dma_start3A_114 = arith.constant 0 : i32
      %dma_start3A_115 = arith.constant 0 : i32
      %dma_start3A_116 = tpu.memref_slice %arg3[%dma_start3A_114, %dma_start3A_115] : memref<10000x128xf32, #tpu.memory_space<hbm>> -> memref<10000x128xf32, #tpu.memory_space<hbm>>
      tpu.enqueue_indirect_dma source(%dma_start3A_116 : memref<10000x128xf32, #tpu.memory_space<hbm>>) target(%arg11 : memref<128x128xf32, #tpu.memory_space<vmem>>) offsets(%dma_start3A_113 : memref<128xi32, #tpu.memory_space<vmem>>) semaphore(%arg14 : memref<!tpu.dma_semaphore, #tpu.memory_space<semaphore_mem>>)
      %scan3A_117 = arith.constant 0 : i32
      %scan3A_118 = arith.constant 19 : i32
      %scan3A_119 = arith.addi %scan3A_117, %scan3A_118 : i32
      %scan3A_120 = arith.constant 1 : i32
      scf.for %scan3A_164 = %scan3A_117 to %scan3A_119 step %scan3A_120  : i32 {
        %mul3A_165 = arith.constant 2 : i32
        %mul3A_166 = arith.muli %scan3A_164, %mul3A_165 : i32
        %add3A_167 = arith.constant 0 : i32
        %add3A_168 = arith.addi %add3A_167, %mul3A_166 : i32
        %dma_wait3A_169 = arith.constant 0 : i32
        %dma_wait3A_170 = tpu.memref_slice %arg8[%add3A_168, %dma_wait3A_169] : memref<40x128xi32, #tpu.memory_space<vmem>> -> memref<1x128xi32, #tpu.memory_space<vmem>>
        %dma_wait3A_171 = tpu.memref_squeeze %dma_wait3A_170 : memref<1x128xi32, #tpu.memory_space<vmem>> -> memref<128xi32, #tpu.memory_space<vmem>>
        %dma_wait3A_172 = arith.constant 0 : i32
        %dma_wait3A_173 = arith.constant 0 : i32
        %dma_wait3A_174 = tpu.memref_slice %arg3[%dma_wait3A_172, %dma_wait3A_173] : memref<10000x128xf32, #tpu.memory_space<hbm>> -> memref<10000x128xf32, #tpu.memory_space<hbm>>
        tpu.wait_indirect_dma semaphore(%arg13 : memref<!tpu.dma_semaphore, #tpu.memory_space<semaphore_mem>>) src(%dma_wait3A_174 : memref<10000x128xf32, #tpu.memory_space<hbm>>) dst(%arg10 : memref<128x128xf32, #tpu.memory_space<vmem>>)
        %dma_start3A_175 = arith.constant 0 : i32
        %dma_start3A_176 = tpu.memref_slice %arg9[%add3A_168, %dma_start3A_175] : memref<40x128xi32, #tpu.memory_space<vmem>> -> memref<1x128xi32, #tpu.memory_space<vmem>>
        %dma_start3A_177 = tpu.memref_squeeze %dma_start3A_176 : memref<1x128xi32, #tpu.memory_space<vmem>> -> memref<128xi32, #tpu.memory_space<vmem>>
        %dma_start3A_178 = arith.constant 0 : i32
        %dma_start3A_179 = arith.constant 0 : i32
        %dma_start3A_180 = tpu.memref_slice %arg12[%dma_start3A_178, %dma_start3A_179] : memref<10240x128xf32, #tpu.memory_space<vmem_shared>> -> memref<10240x128xf32, #tpu.memory_space<vmem_shared>>
        tpu.enqueue_indirect_dma source(%arg10 : memref<128x128xf32, #tpu.memory_space<vmem>>) target(%dma_start3A_180 : memref<10240x128xf32, #tpu.memory_space<vmem_shared>>) offsets(%dma_start3A_177 : memref<128xi32, #tpu.memory_space<vmem>>) semaphore(%arg15 : memref<!tpu.dma_semaphore, #tpu.memory_space<semaphore_mem>>) {add = true}
        %add3A_181 = arith.constant 1 : i32
        %add3A_182 = arith.addi %add3A_168, %add3A_181 : i32
        %dma_wait3A_183 = arith.constant 0 : i32
        %dma_wait3A_184 = tpu.memref_slice %arg8[%add3A_182, %dma_wait3A_183] : memref<40x128xi32, #tpu.memory_space<vmem>> -> memref<1x128xi32, #tpu.memory_space<vmem>>
        %dma_wait3A_185 = tpu.memref_squeeze %dma_wait3A_184 : memref<1x128xi32, #tpu.memory_space<vmem>> -> memref<128xi32, #tpu.memory_space<vmem>>
        %dma_wait3A_186 = arith.constant 0 : i32
        %dma_wait3A_187 = arith.constant 0 : i32
        %dma_wait3A_188 = tpu.memref_slice %arg3[%dma_wait3A_186, %dma_wait3A_187] : memref<10000x128xf32, #tpu.memory_space<hbm>> -> memref<10000x128xf32, #tpu.memory_space<hbm>>
        tpu.wait_indirect_dma semaphore(%arg14 : memref<!tpu.dma_semaphore, #tpu.memory_space<semaphore_mem>>) src(%dma_wait3A_188 : memref<10000x128xf32, #tpu.memory_space<hbm>>) dst(%arg11 : memref<128x128xf32, #tpu.memory_space<vmem>>)
        %add3A_189 = arith.constant 1 : i32
        %add3A_190 = arith.addi %add3A_168, %add3A_189 : i32
        %dma_start3A_191 = arith.constant 0 : i32
        %dma_start3A_192 = tpu.memref_slice %arg9[%add3A_190, %dma_start3A_191] : memref<40x128xi32, #tpu.memory_space<vmem>> -> memref<1x128xi32, #tpu.memory_space<vmem>>
        %dma_start3A_193 = tpu.memref_squeeze %dma_start3A_192 : memref<1x128xi32, #tpu.memory_space<vmem>> -> memref<128xi32, #tpu.memory_space<vmem>>
        %dma_start3A_194 = arith.constant 0 : i32
        %dma_start3A_195 = arith.constant 0 : i32
        %dma_start3A_196 = tpu.memref_slice %arg12[%dma_start3A_194, %dma_start3A_195] : memref<10240x128xf32, #tpu.memory_space<vmem_shared>> -> memref<10240x128xf32, #tpu.memory_space<vmem_shared>>
        tpu.enqueue_indirect_dma source(%arg11 : memref<128x128xf32, #tpu.memory_space<vmem>>) target(%dma_start3A_196 : memref<10240x128xf32, #tpu.memory_space<vmem_shared>>) offsets(%dma_start3A_193 : memref<128xi32, #tpu.memory_space<vmem>>) semaphore(%arg16 : memref<!tpu.dma_semaphore, #tpu.memory_space<semaphore_mem>>) {add = true}
        %dma_wait3A_197 = arith.constant 0 : i32
        %dma_wait3A_198 = tpu.memref_slice %arg9[%add3A_168, %dma_wait3A_197] : memref<40x128xi32, #tpu.memory_space<vmem>> -> memref<1x128xi32, #tpu.memory_space<vmem>>
        %dma_wait3A_199 = tpu.memref_squeeze %dma_wait3A_198 : memref<1x128xi32, #tpu.memory_space<vmem>> -> memref<128xi32, #tpu.memory_space<vmem>>
        %dma_wait3A_200 = arith.constant 0 : i32
        %dma_wait3A_201 = arith.constant 0 : i32
        %dma_wait3A_202 = tpu.memref_slice %arg12[%dma_wait3A_200, %dma_wait3A_201] : memref<10240x128xf32, #tpu.memory_space<vmem_shared>> -> memref<10240x128xf32, #tpu.memory_space<vmem_shared>>
        tpu.wait_indirect_dma semaphore(%arg15 : memref<!tpu.dma_semaphore, #tpu.memory_space<semaphore_mem>>) src(%arg10 : memref<128x128xf32, #tpu.memory_space<vmem>>) dst(%dma_wait3A_202 : memref<10240x128xf32, #tpu.memory_space<vmem_shared>>)
        %add3A_203 = arith.constant 2 : i32
        %add3A_204 = arith.addi %add3A_168, %add3A_203 : i32
        %dma_start3A_205 = arith.constant 0 : i32
        %dma_start3A_206 = tpu.memref_slice %arg8[%add3A_204, %dma_start3A_205] : memref<40x128xi32, #tpu.memory_space<vmem>> -> memref<1x128xi32, #tpu.memory_space<vmem>>
        %dma_start3A_207 = tpu.memref_squeeze %dma_start3A_206 : memref<1x128xi32, #tpu.memory_space<vmem>> -> memref<128xi32, #tpu.memory_space<vmem>>
        %dma_start3A_208 = arith.constant 0 : i32
        %dma_start3A_209 = arith.constant 0 : i32
        %dma_start3A_210 = tpu.memref_slice %arg3[%dma_start3A_208, %dma_start3A_209] : memref<10000x128xf32, #tpu.memory_space<hbm>> -> memref<10000x128xf32, #tpu.memory_space<hbm>>
        tpu.enqueue_indirect_dma source(%dma_start3A_210 : memref<10000x128xf32, #tpu.memory_space<hbm>>) target(%arg10 : memref<128x128xf32, #tpu.memory_space<vmem>>) offsets(%dma_start3A_207 : memref<128xi32, #tpu.memory_space<vmem>>) semaphore(%arg13 : memref<!tpu.dma_semaphore, #tpu.memory_space<semaphore_mem>>)
        %add3A_211 = arith.constant 1 : i32
        %add3A_212 = arith.addi %add3A_168, %add3A_211 : i32
        %dma_wait3A_213 = arith.constant 0 : i32
        %dma_wait3A_214 = tpu.memref_slice %arg9[%add3A_212, %dma_wait3A_213] : memref<40x128xi32, #tpu.memory_space<vmem>> -> memref<1x128xi32, #tpu.memory_space<vmem>>
        %dma_wait3A_215 = tpu.memref_squeeze %dma_wait3A_214 : memref<1x128xi32, #tpu.memory_space<vmem>> -> memref<128xi32, #tpu.memory_space<vmem>>
        %dma_wait3A_216 = arith.constant 0 : i32
        %dma_wait3A_217 = arith.constant 0 : i32
        %dma_wait3A_218 = tpu.memref_slice %arg12[%dma_wait3A_216, %dma_wait3A_217] : memref<10240x128xf32, #tpu.memory_space<vmem_shared>> -> memref<10240x128xf32, #tpu.memory_space<vmem_shared>>
        tpu.wait_indirect_dma semaphore(%arg16 : memref<!tpu.dma_semaphore, #tpu.memory_space<semaphore_mem>>) src(%arg11 : memref<128x128xf32, #tpu.memory_space<vmem>>) dst(%dma_wait3A_218 : memref<10240x128xf32, #tpu.memory_space<vmem_shared>>)
        %add3A_219 = arith.constant 3 : i32
        %add3A_220 = arith.addi %add3A_168, %add3A_219 : i32
        %dma_start3A_221 = arith.constant 0 : i32
        %dma_start3A_222 = tpu.memref_slice %arg8[%add3A_220, %dma_start3A_221] : memref<40x128xi32, #tpu.memory_space<vmem>> -> memref<1x128xi32, #tpu.memory_space<vmem>>
        %dma_start3A_223 = tpu.memref_squeeze %dma_start3A_222 : memref<1x128xi32, #tpu.memory_space<vmem>> -> memref<128xi32, #tpu.memory_space<vmem>>
        %dma_start3A_224 = arith.constant 0 : i32
        %dma_start3A_225 = arith.constant 0 : i32
        %dma_start3A_226 = tpu.memref_slice %arg3[%dma_start3A_224, %dma_start3A_225] : memref<10000x128xf32, #tpu.memory_space<hbm>> -> memref<10000x128xf32, #tpu.memory_space<hbm>>
        tpu.enqueue_indirect_dma source(%dma_start3A_226 : memref<10000x128xf32, #tpu.memory_space<hbm>>) target(%arg11 : memref<128x128xf32, #tpu.memory_space<vmem>>) offsets(%dma_start3A_223 : memref<128xi32, #tpu.memory_space<vmem>>) semaphore(%arg14 : memref<!tpu.dma_semaphore, #tpu.memory_space<semaphore_mem>>)
      }
      %scan3A_121 = arith.constant 19 : i32
      %dma_wait3A_122 = arith.constant 38 : i32
      %dma_wait3A_123 = arith.constant 0 : i32
      %dma_wait3A_124 = tpu.memref_slice %arg8[%dma_wait3A_122, %dma_wait3A_123] : memref<40x128xi32, #tpu.memory_space<vmem>> -> memref<1x128xi32, #tpu.memory_space<vmem>>
      %dma_wait3A_125 = tpu.memref_squeeze %dma_wait3A_124 : memref<1x128xi32, #tpu.memory_space<vmem>> -> memref<128xi32, #tpu.memory_space<vmem>>
      %dma_wait3A_126 = arith.constant 0 : i32
      %dma_wait3A_127 = arith.constant 0 : i32
      %dma_wait3A_128 = tpu.memref_slice %arg3[%dma_wait3A_126, %dma_wait3A_127] : memref<10000x128xf32, #tpu.memory_space<hbm>> -> memref<10000x128xf32, #tpu.memory_space<hbm>>
      tpu.wait_indirect_dma semaphore(%arg13 : memref<!tpu.dma_semaphore, #tpu.memory_space<semaphore_mem>>) src(%dma_wait3A_128 : memref<10000x128xf32, #tpu.memory_space<hbm>>) dst(%arg10 : memref<128x128xf32, #tpu.memory_space<vmem>>)
      %dma_start3A_129 = arith.constant 38 : i32
      %dma_start3A_130 = arith.constant 0 : i32
      %dma_start3A_131 = tpu.memref_slice %arg9[%dma_start3A_129, %dma_start3A_130] : memref<40x128xi32, #tpu.memory_space<vmem>> -> memref<1x128xi32, #tpu.memory_space<vmem>>
      %dma_start3A_132 = tpu.memref_squeeze %dma_start3A_131 : memref<1x128xi32, #tpu.memory_space<vmem>> -> memref<128xi32, #tpu.memory_space<vmem>>
      %dma_start3A_133 = arith.constant 0 : i32
      %dma_start3A_134 = arith.constant 0 : i32
      %dma_start3A_135 = tpu.memref_slice %arg12[%dma_start3A_133, %dma_start3A_134] : memref<10240x128xf32, #tpu.memory_space<vmem_shared>> -> memref<10240x128xf32, #tpu.memory_space<vmem_shared>>
      tpu.enqueue_indirect_dma source(%arg10 : memref<128x128xf32, #tpu.memory_space<vmem>>) target(%dma_start3A_135 : memref<10240x128xf32, #tpu.memory_space<vmem_shared>>) offsets(%dma_start3A_132 : memref<128xi32, #tpu.memory_space<vmem>>) semaphore(%arg15 : memref<!tpu.dma_semaphore, #tpu.memory_space<semaphore_mem>>) {add = true}
      %dma_wait3A_136 = arith.constant 39 : i32
      %dma_wait3A_137 = arith.constant 0 : i32
      %dma_wait3A_138 = tpu.memref_slice %arg8[%dma_wait3A_136, %dma_wait3A_137] : memref<40x128xi32, #tpu.memory_space<vmem>> -> memref<1x128xi32, #tpu.memory_space<vmem>>
      %dma_wait3A_139 = tpu.memref_squeeze %dma_wait3A_138 : memref<1x128xi32, #tpu.memory_space<vmem>> -> memref<128xi32, #tpu.memory_space<vmem>>
      %dma_wait3A_140 = arith.constant 0 : i32
      %dma_wait3A_141 = arith.constant 0 : i32
      %dma_wait3A_142 = tpu.memref_slice %arg3[%dma_wait3A_140, %dma_wait3A_141] : memref<10000x128xf32, #tpu.memory_space<hbm>> -> memref<10000x128xf32, #tpu.memory_space<hbm>>
      tpu.wait_indirect_dma semaphore(%arg14 : memref<!tpu.dma_semaphore, #tpu.memory_space<semaphore_mem>>) src(%dma_wait3A_142 : memref<10000x128xf32, #tpu.memory_space<hbm>>) dst(%arg11 : memref<128x128xf32, #tpu.memory_space<vmem>>)
      %dma_start3A_143 = arith.constant 39 : i32
      %dma_start3A_144 = arith.constant 0 : i32
      %dma_start3A_145 = tpu.memref_slice %arg9[%dma_start3A_143, %dma_start3A_144] : memref<40x128xi32, #tpu.memory_space<vmem>> -> memref<1x128xi32, #tpu.memory_space<vmem>>
      %dma_start3A_146 = tpu.memref_squeeze %dma_start3A_145 : memref<1x128xi32, #tpu.memory_space<vmem>> -> memref<128xi32, #tpu.memory_space<vmem>>
      %dma_start3A_147 = arith.constant 0 : i32
      %dma_start3A_148 = arith.constant 0 : i32
      %dma_start3A_149 = tpu.memref_slice %arg12[%dma_start3A_147, %dma_start3A_148] : memref<10240x128xf32, #tpu.memory_space<vmem_shared>> -> memref<10240x128xf32, #tpu.memory_space<vmem_shared>>
      tpu.enqueue_indirect_dma source(%arg11 : memref<128x128xf32, #tpu.memory_space<vmem>>) target(%dma_start3A_149 : memref<10240x128xf32, #tpu.memory_space<vmem_shared>>) offsets(%dma_start3A_146 : memref<128xi32, #tpu.memory_space<vmem>>) semaphore(%arg16 : memref<!tpu.dma_semaphore, #tpu.memory_space<semaphore_mem>>) {add = true}
      %dma_wait3A_150 = arith.constant 38 : i32
      %dma_wait3A_151 = arith.constant 0 : i32
      %dma_wait3A_152 = tpu.memref_slice %arg9[%dma_wait3A_150, %dma_wait3A_151] : memref<40x128xi32, #tpu.memory_space<vmem>> -> memref<1x128xi32, #tpu.memory_space<vmem>>
      %dma_wait3A_153 = tpu.memref_squeeze %dma_wait3A_152 : memref<1x128xi32, #tpu.memory_space<vmem>> -> memref<128xi32, #tpu.memory_space<vmem>>
      %dma_wait3A_154 = arith.constant 0 : i32
      %dma_wait3A_155 = arith.constant 0 : i32
      %dma_wait3A_156 = tpu.memref_slice %arg12[%dma_wait3A_154, %dma_wait3A_155] : memref<10240x128xf32, #tpu.memory_space<vmem_shared>> -> memref<10240x128xf32, #tpu.memory_space<vmem_shared>>
      tpu.wait_indirect_dma semaphore(%arg15 : memref<!tpu.dma_semaphore, #tpu.memory_space<semaphore_mem>>) src(%arg10 : memref<128x128xf32, #tpu.memory_space<vmem>>) dst(%dma_wait3A_156 : memref<10240x128xf32, #tpu.memory_space<vmem_shared>>)
      %dma_wait3A_157 = arith.constant 39 : i32
      %dma_wait3A_158 = arith.constant 0 : i32
      %dma_wait3A_159 = tpu.memref_slice %arg9[%dma_wait3A_157, %dma_wait3A_158] : memref<40x128xi32, #tpu.memory_space<vmem>> -> memref<1x128xi32, #tpu.memory_space<vmem>>
      %dma_wait3A_160 = tpu.memref_squeeze %dma_wait3A_159 : memref<1x128xi32, #tpu.memory_space<vmem>> -> memref<128xi32, #tpu.memory_space<vmem>>
      %dma_wait3A_161 = arith.constant 0 : i32
      %dma_wait3A_162 = arith.constant 0 : i32
      %dma_wait3A_163 = tpu.memref_slice %arg12[%dma_wait3A_161, %dma_wait3A_162] : memref<10240x128xf32, #tpu.memory_space<vmem_shared>> -> memref<10240x128xf32, #tpu.memory_space<vmem_shared>>
      tpu.wait_indirect_dma semaphore(%arg16 : memref<!tpu.dma_semaphore, #tpu.memory_space<semaphore_mem>>) src(%arg11 : memref<128x128xf32, #tpu.memory_space<vmem>>) dst(%dma_wait3A_163 : memref<10240x128xf32, #tpu.memory_space<vmem_shared>>)
    } else {
    }
    %barrier3A_17 = arith.constant 0 : index
    tpu.barrier barrier_id(%barrier3A_17)
    %mul3A = arith.constant 640 : i32
    %mul3A_18 = arith.muli %arg1, %mul3A : i32
    %eq3A_19 = arith.constant 0 : i32
    %eq3A_20 = arith.cmpi eq, %arg0, %eq3A_19 : i32
    %convert_element_type3A_21 = arith.extui %eq3A_20 : i1 to i32
    %cond3A_22 = arith.constant 0 : i32
    %cond3A_23 = arith.cmpi ne, %convert_element_type3A_21, %cond3A_22 : i32
    scf.if %cond3A_23 {
      "tpu.region"() ({
        %run_scoped3A = tpu.sem_alloc : memref<!tpu.dma_semaphore, #tpu.memory_space<semaphore_mem>>
        %dma_start3A = arith.constant 0 : i32
        %dma_start3A_29 = tpu.memref_slice %arg6[%mul3A_18, %dma_start3A] : memref<10240x128xf32, #tpu.memory_space<hbm>> -> memref<640x128xf32, #tpu.memory_space<hbm>>
        %dma_start3A_30 = arith.constant 0 : i32
        %dma_start3A_31 = tpu.memref_slice %arg12[%mul3A_18, %dma_start3A_30] : memref<10240x128xf32, #tpu.memory_space<vmem_shared>> -> memref<640x128xf32, #tpu.memory_space<vmem_shared>>
        tpu.enqueue_dma source(%dma_start3A_31 : memref<640x128xf32, #tpu.memory_space<vmem_shared>>) target(%dma_start3A_29 : memref<640x128xf32, #tpu.memory_space<hbm>>) target_semaphore(%run_scoped3A : memref<!tpu.dma_semaphore, #tpu.memory_space<semaphore_mem>>)
        %dma_wait3A = arith.constant 0 : i32
        %dma_wait3A_32 = tpu.memref_slice %arg6[%mul3A_18, %dma_wait3A] : memref<10240x128xf32, #tpu.memory_space<hbm>> -> memref<640x128xf32, #tpu.memory_space<hbm>>
        %dma_wait3A_33 = arith.constant 0 : i32
        %dma_wait3A_34 = tpu.memref_slice %arg12[%mul3A_18, %dma_wait3A_33] : memref<10240x128xf32, #tpu.memory_space<vmem_shared>> -> memref<640x128xf32, #tpu.memory_space<vmem_shared>>
        tpu.wait_dma2 semaphore(%run_scoped3A : memref<!tpu.dma_semaphore, #tpu.memory_space<semaphore_mem>>) src(%dma_wait3A_34 : memref<640x128xf32, #tpu.memory_space<vmem_shared>>) dst(%dma_wait3A_32 : memref<640x128xf32, #tpu.memory_space<hbm>>)
        tpu.yield
      }) : () -> ()
    } else {
    }
    %eq3A_24 = arith.constant 1 : i32
    %eq3A_25 = arith.cmpi eq, %arg0, %eq3A_24 : i32
    %convert_element_type3A_26 = arith.extui %eq3A_25 : i1 to i32
    %cond3A_27 = arith.constant 0 : i32
    %cond3A_28 = arith.cmpi ne, %convert_element_type3A_26, %cond3A_27 : i32
    scf.if %cond3A_28 {
      "tpu.region"() ({
        %run_scoped3A = tpu.sem_alloc : memref<!tpu.dma_semaphore, #tpu.memory_space<semaphore_mem>>
        %dma_start3A = arith.constant 0 : i32
        %dma_start3A_29 = tpu.memref_slice %arg7[%mul3A_18, %dma_start3A] : memref<10240x128xf32, #tpu.memory_space<hbm>> -> memref<640x128xf32, #tpu.memory_space<hbm>>
        %dma_start3A_30 = arith.constant 0 : i32
        %dma_start3A_31 = tpu.memref_slice %arg12[%mul3A_18, %dma_start3A_30] : memref<10240x128xf32, #tpu.memory_space<vmem_shared>> -> memref<640x128xf32, #tpu.memory_space<vmem_shared>>
        tpu.enqueue_dma source(%dma_start3A_31 : memref<640x128xf32, #tpu.memory_space<vmem_shared>>) target(%dma_start3A_29 : memref<640x128xf32, #tpu.memory_space<hbm>>) target_semaphore(%run_scoped3A : memref<!tpu.dma_semaphore, #tpu.memory_space<semaphore_mem>>)
        %dma_wait3A = arith.constant 0 : i32
        %dma_wait3A_32 = tpu.memref_slice %arg7[%mul3A_18, %dma_wait3A] : memref<10240x128xf32, #tpu.memory_space<hbm>> -> memref<640x128xf32, #tpu.memory_space<hbm>>
        %dma_wait3A_33 = arith.constant 0 : i32
        %dma_wait3A_34 = tpu.memref_slice %arg12[%mul3A_18, %dma_wait3A_33] : memref<10240x128xf32, #tpu.memory_space<vmem_shared>> -> memref<640x128xf32, #tpu.memory_space<vmem_shared>>
        tpu.wait_dma2 semaphore(%run_scoped3A : memref<!tpu.dma_semaphore, #tpu.memory_space<semaphore_mem>>) src(%dma_wait3A_34 : memref<640x128xf32, #tpu.memory_space<vmem_shared>>) dst(%dma_wait3A_32 : memref<640x128xf32, #tpu.memory_space<hbm>>)
        tpu.yield
      }) : () -> ()
    } else {
    }
    return
  }
}

#map = affine_map<(d0, d1) -> (0, 0, 0)>
module attributes {stable_mosaic.version = 14 : i64} {
  func.func @agge_kernel(%arg0: i32, %arg1: i32, %arg2: memref<32x40x128xi32, #tpu.memory_space<hbm>>, %arg3: memref<1280x16x128xf32, #tpu.memory_space<hbm>>, %arg4: memref<2x10240x128xf32, #tpu.memory_space<hbm>>, %arg5: memref<40x128xi32, #tpu.memory_space<vmem>>, %arg6: memref<16x128xf32, #tpu.memory_space<vmem>>, %arg7: memref<16x128xf32, #tpu.memory_space<vmem>>, %arg8: memref<128x128xf32, #tpu.memory_space<vmem>>, %arg9: memref<10240x128xf32, #tpu.memory_space<vmem_shared>>, %arg10: memref<!tpu.dma_semaphore, #tpu.memory_space<semaphore_mem>>, %arg11: memref<!tpu.dma_semaphore, #tpu.memory_space<semaphore_mem>>) attributes {dimension_semantics = [#tpu.dimension_semantics<core_parallel>, #tpu.dimension_semantics<subcore_parallel>], iteration_bounds = array<i64: 2, 16>, scalar_prefetch = 0 : i64, scratch_operands = 7 : i64, tpu.core_type = #tpu.core_type<sc_vector_subcore>, window_params = [{transform_indices = #map}, {transform_indices = #map}, {transform_indices = #map}]} {
    %mul3A = arith.constant 2 : i32
    %mul3A_0 = arith.muli %arg1, %mul3A : i32
    %add3A = arith.addi %mul3A_0, %arg0 : i32
    %broadcast_in_dim3A = arith.constant 0.000000e+00 : f32
    %broadcast_in_dim3A_1 = vector.broadcast %broadcast_in_dim3A : f32 to vector<16xf32>
    %iota3A = tpu.iota {dimensions = array<i32: 0>} : vector<16xi32>
    %eq3A = arith.constant 0 : i32
    %eq3A_2 = vector.broadcast %eq3A : i32 to vector<16xi32>
    %eq3A_3 = arith.cmpi eq, %iota3A, %eq3A_2 : vector<16xi32>
    %jit3A = arith.constant 1.000000e+00 : f32
    %jit3A_4 = arith.constant 0.000000e+00 : f32
    %broadcast_in_dim3A_5 = vector.broadcast %jit3A : f32 to vector<16xf32>
    %broadcast_in_dim3A_6 = vector.broadcast %jit3A_4 : f32 to vector<16xf32>
    %select_n3A = arith.select %eq3A_3, %broadcast_in_dim3A_5, %broadcast_in_dim3A_6 : vector<16xi1>, vector<16xf32>
    %scan3A = arith.constant 0 : i32
    %scan3A_7 = arith.constant 128 : i32
    %scan3A_8 = arith.addi %scan3A, %scan3A_7 : i32
    %scan3A_9 = arith.constant 1 : i32
    scf.for %scan3A_86 = %scan3A to %scan3A_8 step %scan3A_9  : i32 {
      %mul3A_87 = arith.constant 1 : i32
      %mul3A_88 = arith.muli %scan3A_86, %mul3A_87 : i32
      %add3A_89 = arith.constant 0 : i32
      %add3A_90 = arith.addi %add3A_89, %mul3A_88 : i32
      %scan3A_91 = arith.constant 0 : i32
      %scan3A_92 = arith.constant 8 : i32
      %scan3A_93 = arith.addi %scan3A_91, %scan3A_92 : i32
      %scan3A_94 = arith.constant 1 : i32
      scf.for %scan3A_96 = %scan3A_91 to %scan3A_93 step %scan3A_94  : i32 {
        %mul3A_97 = arith.constant 16 : i32
        %mul3A_98 = arith.muli %scan3A_96, %mul3A_97 : i32
        %add3A_99 = arith.constant 0 : i32
        %add3A_100 = arith.addi %add3A_99, %mul3A_98 : i32
        %swap3A = arith.index_cast %add3A_90 : i32 to index
        %swap3A_101 = arith.index_cast %add3A_100 : i32 to index
        %swap3A_102 = tpu.vector_load %arg8[%swap3A, %swap3A_101] {strides = array<i32>} : memref<128x128xf32, #tpu.memory_space<vmem>>, vector<1x16xf32>,
        %swap3A_103 = vector.shape_cast %swap3A_102 : vector<1x16xf32> to vector<16xf32>
        %swap3A_104 = vector.shape_cast %broadcast_in_dim3A_1 : vector<16xf32> to vector<1x16xf32>
        tpu.vector_store %arg8[%swap3A, %swap3A_101], %swap3A_104 {strides = array<i32>} : memref<128x128xf32, #tpu.memory_space<vmem>>, vector<1x16xf32>,
      }
      %scan3A_95 = arith.constant 8 : i32
    }
    %scan3A_10 = arith.constant 128 : i32
    %scan3A_11 = arith.constant 0 : i32
    %scan3A_12 = arith.constant 5 : i32
    %scan3A_13 = arith.addi %scan3A_11, %scan3A_12 : i32
    %scan3A_14 = arith.constant 1 : i32
    scf.for %scan3A_86 = %scan3A_11 to %scan3A_13 step %scan3A_14  : i32 {
      %mul3A_87 = arith.constant 128 : i32
      %mul3A_88 = arith.muli %scan3A_86, %mul3A_87 : i32
      %add3A_89 = arith.constant 0 : i32
      %add3A_90 = arith.addi %add3A_89, %mul3A_88 : i32
      %mul3A_91 = arith.constant 640 : i32
      %mul3A_92 = arith.muli %arg1, %mul3A_91 : i32
      %add3A_93 = arith.addi %mul3A_92, %add3A_90 : i32
      "tpu.region"() ({
        %run_scoped3A_94 = tpu.sem_alloc : memref<!tpu.dma_semaphore, #tpu.memory_space<semaphore_mem>>
        %dma_start3A_95 = arith.constant 0 : i32
        %dma_start3A_96 = tpu.memref_slice %arg9[%add3A_93, %dma_start3A_95] : memref<10240x128xf32, #tpu.memory_space<vmem_shared>> -> memref<128x128xf32, #tpu.memory_space<vmem_shared>>
        %dma_start3A_97 = arith.constant 0 : i32
        %dma_start3A_98 = tpu.memref_slice %arg9[%add3A_93, %dma_start3A_97] : memref<10240x128xf32, #tpu.memory_space<vmem_shared>> -> memref<128x128xf32, #tpu.memory_space<vmem_shared>>
        tpu.enqueue_dma source(%arg8 : memref<128x128xf32, #tpu.memory_space<vmem>>) target(%dma_start3A_98 : memref<128x128xf32, #tpu.memory_space<vmem_shared>>) target_semaphore(%run_scoped3A_94 : memref<!tpu.dma_semaphore, #tpu.memory_space<semaphore_mem>>)
        %dma_wait3A_99 = arith.constant 0 : i32
        %dma_wait3A_100 = tpu.memref_slice %arg9[%add3A_93, %dma_wait3A_99] : memref<10240x128xf32, #tpu.memory_space<vmem_shared>> -> memref<128x128xf32, #tpu.memory_space<vmem_shared>>
        %dma_wait3A_101 = arith.constant 0 : i32
        %dma_wait3A_102 = tpu.memref_slice %arg9[%add3A_93, %dma_wait3A_101] : memref<10240x128xf32, #tpu.memory_space<vmem_shared>> -> memref<128x128xf32, #tpu.memory_space<vmem_shared>>
        tpu.wait_dma2 semaphore(%run_scoped3A_94 : memref<!tpu.dma_semaphore, #tpu.memory_space<semaphore_mem>>) src(%arg8 : memref<128x128xf32, #tpu.memory_space<vmem>>) dst(%dma_wait3A_102 : memref<128x128xf32, #tpu.memory_space<vmem_shared>>)
        tpu.yield
      }) : () -> ()
    }
    %scan3A_15 = arith.constant 5 : i32
    %barrier3A = arith.constant 0 : index
    tpu.barrier barrier_id(%barrier3A)
    %scan3A_16 = arith.constant 0 : i32
    %scan3A_17 = arith.constant 128 : i32
    %scan3A_18 = arith.addi %scan3A_16, %scan3A_17 : i32
    %scan3A_19 = arith.constant 1 : i32
    scf.for %scan3A_86 = %scan3A_16 to %scan3A_18 step %scan3A_19  : i32 {
      %mul3A_87 = arith.constant 1 : i32
      %mul3A_88 = arith.muli %scan3A_86, %mul3A_87 : i32
      %add3A_89 = arith.constant 0 : i32
      %add3A_90 = arith.addi %add3A_89, %mul3A_88 : i32
      %swap3A = arith.index_cast %add3A_90 : i32 to index
      %swap3A_91 = arith.constant 16 : index
      %swap3A_92 = tpu.vector_load %arg8[%swap3A, %swap3A_91] {strides = array<i32>} : memref<128x128xf32, #tpu.memory_space<vmem>>, vector<1x16xf32>,
      %swap3A_93 = vector.shape_cast %swap3A_92 : vector<1x16xf32> to vector<16xf32>
      %swap3A_94 = vector.shape_cast %select_n3A : vector<16xf32> to vector<1x16xf32>
      tpu.vector_store %arg8[%swap3A, %swap3A_91], %swap3A_94 {strides = array<i32>} : memref<128x128xf32, #tpu.memory_space<vmem>>, vector<1x16xf32>,
    }
    %scan3A_20 = arith.constant 128 : i32
    "tpu.region"() ({
      %run_scoped3A_86 = tpu.sem_alloc : memref<!tpu.dma_semaphore, #tpu.memory_space<semaphore_mem>>
      %dma_start3A_87 = arith.constant 0 : i32
      %dma_start3A_88 = arith.constant 0 : i32
      %dma_start3A_89 = tpu.memref_slice %arg2[%add3A, %dma_start3A_87, %dma_start3A_88] : memref<32x40x128xi32, #tpu.memory_space<hbm>> -> memref<1x40x128xi32, #tpu.memory_space<hbm>>
      %dma_start3A_90 = tpu.memref_squeeze %dma_start3A_89 : memref<1x40x128xi32, #tpu.memory_space<hbm>> -> memref<40x128xi32, #tpu.memory_space<hbm>>
      %dma_start3A_91 = arith.constant 0 : i32
      %dma_start3A_92 = arith.constant 0 : i32
      %dma_start3A_93 = tpu.memref_slice %arg2[%add3A, %dma_start3A_91, %dma_start3A_92] : memref<32x40x128xi32, #tpu.memory_space<hbm>> -> memref<1x40x128xi32, #tpu.memory_space<hbm>>
      %dma_start3A_94 = tpu.memref_squeeze %dma_start3A_93 : memref<1x40x128xi32, #tpu.memory_space<hbm>> -> memref<40x128xi32, #tpu.memory_space<hbm>>
      tpu.enqueue_dma source(%dma_start3A_94 : memref<40x128xi32, #tpu.memory_space<hbm>>) target(%arg5 : memref<40x128xi32, #tpu.memory_space<vmem>>) target_semaphore(%run_scoped3A_86 : memref<!tpu.dma_semaphore, #tpu.memory_space<semaphore_mem>>)
      %dma_wait3A_95 = arith.constant 0 : i32
      %dma_wait3A_96 = arith.constant 0 : i32
      %dma_wait3A_97 = tpu.memref_slice %arg2[%add3A, %dma_wait3A_95, %dma_wait3A_96] : memref<32x40x128xi32, #tpu.memory_space<hbm>> -> memref<1x40x128xi32, #tpu.memory_space<hbm>>
      %dma_wait3A_98 = tpu.memref_squeeze %dma_wait3A_97 : memref<1x40x128xi32, #tpu.memory_space<hbm>> -> memref<40x128xi32, #tpu.memory_space<hbm>>
      %dma_wait3A_99 = arith.constant 0 : i32
      %dma_wait3A_100 = arith.constant 0 : i32
      %dma_wait3A_101 = tpu.memref_slice %arg2[%add3A, %dma_wait3A_99, %dma_wait3A_100] : memref<32x40x128xi32, #tpu.memory_space<hbm>> -> memref<1x40x128xi32, #tpu.memory_space<hbm>>
      %dma_wait3A_102 = tpu.memref_squeeze %dma_wait3A_101 : memref<1x40x128xi32, #tpu.memory_space<hbm>> -> memref<40x128xi32, #tpu.memory_space<hbm>>
      tpu.wait_dma2 semaphore(%run_scoped3A_86 : memref<!tpu.dma_semaphore, #tpu.memory_space<semaphore_mem>>) src(%dma_wait3A_102 : memref<40x128xi32, #tpu.memory_space<hbm>>) dst(%arg5 : memref<40x128xi32, #tpu.memory_space<vmem>>)
      tpu.yield
    }) : () -> ()
    %mul3A_21 = arith.constant 40 : i32
    %mul3A_22 = arith.muli %add3A, %mul3A_21 : i32
    %add3A_23 = arith.constant 0 : i32
    %add3A_24 = arith.addi %mul3A_22, %add3A_23 : i32
    %dma_start3A = arith.constant 0 : i32
    %dma_start3A_25 = arith.constant 0 : i32
    %dma_start3A_26 = tpu.memref_slice %arg3[%add3A_24, %dma_start3A, %dma_start3A_25] : memref<1280x16x128xf32, #tpu.memory_space<hbm>> -> memref<1x16x128xf32, #tpu.memory_space<hbm>>
    %dma_start3A_27 = tpu.memref_squeeze %dma_start3A_26 : memref<1x16x128xf32, #tpu.memory_space<hbm>> -> memref<16x128xf32, #tpu.memory_space<hbm>>
    %dma_start3A_28 = arith.constant 0 : i32
    %dma_start3A_29 = arith.constant 0 : i32
    %dma_start3A_30 = tpu.memref_slice %arg3[%add3A_24, %dma_start3A_28, %dma_start3A_29] : memref<1280x16x128xf32, #tpu.memory_space<hbm>> -> memref<1x16x128xf32, #tpu.memory_space<hbm>>
    %dma_start3A_31 = tpu.memref_squeeze %dma_start3A_30 : memref<1x16x128xf32, #tpu.memory_space<hbm>> -> memref<16x128xf32, #tpu.memory_space<hbm>>
    tpu.enqueue_dma source(%dma_start3A_31 : memref<16x128xf32, #tpu.memory_space<hbm>>) target(%arg6 : memref<16x128xf32, #tpu.memory_space<vmem>>) target_semaphore(%arg10 : memref<!tpu.dma_semaphore, #tpu.memory_space<semaphore_mem>>)
    %mul3A_32 = arith.constant 40 : i32
    %mul3A_33 = arith.muli %add3A, %mul3A_32 : i32
    %add3A_34 = arith.constant 1 : i32
    %add3A_35 = arith.addi %mul3A_33, %add3A_34 : i32
    %dma_start3A_36 = arith.constant 0 : i32
    %dma_start3A_37 = arith.constant 0 : i32
    %dma_start3A_38 = tpu.memref_slice %arg3[%add3A_35, %dma_start3A_36, %dma_start3A_37] : memref<1280x16x128xf32, #tpu.memory_space<hbm>> -> memref<1x16x128xf32, #tpu.memory_space<hbm>>
    %dma_start3A_39 = tpu.memref_squeeze %dma_start3A_38 : memref<1x16x128xf32, #tpu.memory_space<hbm>> -> memref<16x128xf32, #tpu.memory_space<hbm>>
    %dma_start3A_40 = arith.constant 0 : i32
    %dma_start3A_41 = arith.constant 0 : i32
    %dma_start3A_42 = tpu.memref_slice %arg3[%add3A_35, %dma_start3A_40, %dma_start3A_41] : memref<1280x16x128xf32, #tpu.memory_space<hbm>> -> memref<1x16x128xf32, #tpu.memory_space<hbm>>
    %dma_start3A_43 = tpu.memref_squeeze %dma_start3A_42 : memref<1x16x128xf32, #tpu.memory_space<hbm>> -> memref<16x128xf32, #tpu.memory_space<hbm>>
    tpu.enqueue_dma source(%dma_start3A_43 : memref<16x128xf32, #tpu.memory_space<hbm>>) target(%arg7 : memref<16x128xf32, #tpu.memory_space<vmem>>) target_semaphore(%arg11 : memref<!tpu.dma_semaphore, #tpu.memory_space<semaphore_mem>>)
    %scan3A_44 = arith.constant 0 : i32
    %scan3A_45 = arith.constant 19 : i32
    %scan3A_46 = arith.addi %scan3A_44, %scan3A_45 : i32
    %scan3A_47 = arith.constant 1 : i32
    scf.for %scan3A_86 = %scan3A_44 to %scan3A_46 step %scan3A_47  : i32 {
      %mul3A_87 = arith.constant 2 : i32
      %mul3A_88 = arith.muli %scan3A_86, %mul3A_87 : i32
      %add3A_89 = arith.constant 0 : i32
      %add3A_90 = arith.addi %add3A_89, %mul3A_88 : i32
      %mul3A_91 = arith.constant 40 : i32
      %mul3A_92 = arith.muli %add3A, %mul3A_91 : i32
      %add3A_93 = arith.addi %mul3A_92, %add3A_90 : i32
      %dma_wait3A_94 = arith.constant 0 : i32
      %dma_wait3A_95 = arith.constant 0 : i32
      %dma_wait3A_96 = tpu.memref_slice %arg3[%add3A_93, %dma_wait3A_94, %dma_wait3A_95] : memref<1280x16x128xf32, #tpu.memory_space<hbm>> -> memref<1x16x128xf32, #tpu.memory_space<hbm>>
      %dma_wait3A_97 = tpu.memref_squeeze %dma_wait3A_96 : memref<1x16x128xf32, #tpu.memory_space<hbm>> -> memref<16x128xf32, #tpu.memory_space<hbm>>
      %dma_wait3A_98 = arith.constant 0 : i32
      %dma_wait3A_99 = arith.constant 0 : i32
      %dma_wait3A_100 = tpu.memref_slice %arg3[%add3A_93, %dma_wait3A_98, %dma_wait3A_99] : memref<1280x16x128xf32, #tpu.memory_space<hbm>> -> memref<1x16x128xf32, #tpu.memory_space<hbm>>
      %dma_wait3A_101 = tpu.memref_squeeze %dma_wait3A_100 : memref<1x16x128xf32, #tpu.memory_space<hbm>> -> memref<16x128xf32, #tpu.memory_space<hbm>>
      tpu.wait_dma2 semaphore(%arg10 : memref<!tpu.dma_semaphore, #tpu.memory_space<semaphore_mem>>) src(%dma_wait3A_101 : memref<16x128xf32, #tpu.memory_space<hbm>>) dst(%arg6 : memref<16x128xf32, #tpu.memory_space<vmem>>)
      %scan3A_102 = arith.constant 0 : i32
      %scan3A_103 = arith.constant 16 : i32
      %scan3A_104 = arith.addi %scan3A_102, %scan3A_103 : i32
      %scan3A_105 = arith.constant 1 : i32
      scf.for %scan3A_153 = %scan3A_102 to %scan3A_104 step %scan3A_105  : i32 {
        %mul3A_154 = arith.constant 1 : i32
        %mul3A_155 = arith.muli %scan3A_153, %mul3A_154 : i32
        %add3A_156 = arith.constant 0 : i32
        %add3A_157 = arith.addi %add3A_156, %mul3A_155 : i32
        %get3A = arith.index_cast %add3A_157 : i32 to index
        %get3A_158 = arith.constant 0 : index
        %get3A_159 = tpu.vector_load %arg6[%get3A, %get3A_158] {strides = array<i32>} : memref<16x128xf32, #tpu.memory_space<vmem>>, vector<1x16xf32>,
        %get3A_160 = vector.shape_cast %get3A_159 : vector<1x16xf32> to vector<16xf32>
        %mul3A_161 = arith.constant 8 : i32
        %mul3A_162 = arith.muli %add3A_157, %mul3A_161 : i32
        %add3A_163 = arith.constant 0 : i32
        %add3A_164 = arith.addi %mul3A_162, %add3A_163 : i32
        %swap3A = arith.index_cast %add3A_164 : i32 to index
        %swap3A_165 = arith.constant 0 : index
        %swap3A_166 = tpu.vector_load %arg8[%swap3A, %swap3A_165] {strides = array<i32>} : memref<128x128xf32, #tpu.memory_space<vmem>>, vector<1x16xf32>,
        %swap3A_167 = vector.shape_cast %swap3A_166 : vector<1x16xf32> to vector<16xf32>
        %swap3A_168 = vector.shape_cast %get3A_160 : vector<16xf32> to vector<1x16xf32>
        tpu.vector_store %arg8[%swap3A, %swap3A_165], %swap3A_168 {strides = array<i32>} : memref<128x128xf32, #tpu.memory_space<vmem>>, vector<1x16xf32>,
        %get3A_169 = arith.index_cast %add3A_157 : i32 to index
        %get3A_170 = arith.constant 16 : index
        %get3A_171 = tpu.vector_load %arg6[%get3A_169, %get3A_170] {strides = array<i32>} : memref<16x128xf32, #tpu.memory_space<vmem>>, vector<1x16xf32>,
        %get3A_172 = vector.shape_cast %get3A_171 : vector<1x16xf32> to vector<16xf32>
        %mul3A_173 = arith.constant 8 : i32
        %mul3A_174 = arith.muli %add3A_157, %mul3A_173 : i32
        %add3A_175 = arith.constant 1 : i32
        %add3A_176 = arith.addi %mul3A_174, %add3A_175 : i32
        %swap3A_177 = arith.index_cast %add3A_176 : i32 to index
        %swap3A_178 = arith.constant 0 : index
        %swap3A_179 = tpu.vector_load %arg8[%swap3A_177, %swap3A_178] {strides = array<i32>} : memref<128x128xf32, #tpu.memory_space<vmem>>, vector<1x16xf32>,
        %swap3A_180 = vector.shape_cast %swap3A_179 : vector<1x16xf32> to vector<16xf32>
        %swap3A_181 = vector.shape_cast %get3A_172 : vector<16xf32> to vector<1x16xf32>
        tpu.vector_store %arg8[%swap3A_177, %swap3A_178], %swap3A_181 {strides = array<i32>} : memref<128x128xf32, #tpu.memory_space<vmem>>, vector<1x16xf32>,
        %get3A_182 = arith.index_cast %add3A_157 : i32 to index
        %get3A_183 = arith.constant 32 : index
        %get3A_184 = tpu.vector_load %arg6[%get3A_182, %get3A_183] {strides = array<i32>} : memref<16x128xf32, #tpu.memory_space<vmem>>, vector<1x16xf32>,
        %get3A_185 = vector.shape_cast %get3A_184 : vector<1x16xf32> to vector<16xf32>
        %mul3A_186 = arith.constant 8 : i32
        %mul3A_187 = arith.muli %add3A_157, %mul3A_186 : i32
        %add3A_188 = arith.constant 2 : i32
        %add3A_189 = arith.addi %mul3A_187, %add3A_188 : i32
        %swap3A_190 = arith.index_cast %add3A_189 : i32 to index
        %swap3A_191 = arith.constant 0 : index
        %swap3A_192 = tpu.vector_load %arg8[%swap3A_190, %swap3A_191] {strides = array<i32>} : memref<128x128xf32, #tpu.memory_space<vmem>>, vector<1x16xf32>,
        %swap3A_193 = vector.shape_cast %swap3A_192 : vector<1x16xf32> to vector<16xf32>
        %swap3A_194 = vector.shape_cast %get3A_185 : vector<16xf32> to vector<1x16xf32>
        tpu.vector_store %arg8[%swap3A_190, %swap3A_191], %swap3A_194 {strides = array<i32>} : memref<128x128xf32, #tpu.memory_space<vmem>>, vector<1x16xf32>,
        %get3A_195 = arith.index_cast %add3A_157 : i32 to index
        %get3A_196 = arith.constant 48 : index
        %get3A_197 = tpu.vector_load %arg6[%get3A_195, %get3A_196] {strides = array<i32>} : memref<16x128xf32, #tpu.memory_space<vmem>>, vector<1x16xf32>,
        %get3A_198 = vector.shape_cast %get3A_197 : vector<1x16xf32> to vector<16xf32>
        %mul3A_199 = arith.constant 8 : i32
        %mul3A_200 = arith.muli %add3A_157, %mul3A_199 : i32
        %add3A_201 = arith.constant 3 : i32
        %add3A_202 = arith.addi %mul3A_200, %add3A_201 : i32
        %swap3A_203 = arith.index_cast %add3A_202 : i32 to index
        %swap3A_204 = arith.constant 0 : index
        %swap3A_205 = tpu.vector_load %arg8[%swap3A_203, %swap3A_204] {strides = array<i32>} : memref<128x128xf32, #tpu.memory_space<vmem>>, vector<1x16xf32>,
        %swap3A_206 = vector.shape_cast %swap3A_205 : vector<1x16xf32> to vector<16xf32>
        %swap3A_207 = vector.shape_cast %get3A_198 : vector<16xf32> to vector<1x16xf32>
        tpu.vector_store %arg8[%swap3A_203, %swap3A_204], %swap3A_207 {strides = array<i32>} : memref<128x128xf32, #tpu.memory_space<vmem>>, vector<1x16xf32>,
        %get3A_208 = arith.index_cast %add3A_157 : i32 to index
        %get3A_209 = arith.constant 64 : index
        %get3A_210 = tpu.vector_load %arg6[%get3A_208, %get3A_209] {strides = array<i32>} : memref<16x128xf32, #tpu.memory_space<vmem>>, vector<1x16xf32>,
        %get3A_211 = vector.shape_cast %get3A_210 : vector<1x16xf32> to vector<16xf32>
        %mul3A_212 = arith.constant 8 : i32
        %mul3A_213 = arith.muli %add3A_157, %mul3A_212 : i32
        %add3A_214 = arith.constant 4 : i32
        %add3A_215 = arith.addi %mul3A_213, %add3A_214 : i32
        %swap3A_216 = arith.index_cast %add3A_215 : i32 to index
        %swap3A_217 = arith.constant 0 : index
        %swap3A_218 = tpu.vector_load %arg8[%swap3A_216, %swap3A_217] {strides = array<i32>} : memref<128x128xf32, #tpu.memory_space<vmem>>, vector<1x16xf32>,
        %swap3A_219 = vector.shape_cast %swap3A_218 : vector<1x16xf32> to vector<16xf32>
        %swap3A_220 = vector.shape_cast %get3A_211 : vector<16xf32> to vector<1x16xf32>
        tpu.vector_store %arg8[%swap3A_216, %swap3A_217], %swap3A_220 {strides = array<i32>} : memref<128x128xf32, #tpu.memory_space<vmem>>, vector<1x16xf32>,
        %get3A_221 = arith.index_cast %add3A_157 : i32 to index
        %get3A_222 = arith.constant 80 : index
        %get3A_223 = tpu.vector_load %arg6[%get3A_221, %get3A_222] {strides = array<i32>} : memref<16x128xf32, #tpu.memory_space<vmem>>, vector<1x16xf32>,
        %get3A_224 = vector.shape_cast %get3A_223 : vector<1x16xf32> to vector<16xf32>
        %mul3A_225 = arith.constant 8 : i32
        %mul3A_226 = arith.muli %add3A_157, %mul3A_225 : i32
        %add3A_227 = arith.constant 5 : i32
        %add3A_228 = arith.addi %mul3A_226, %add3A_227 : i32
        %swap3A_229 = arith.index_cast %add3A_228 : i32 to index
        %swap3A_230 = arith.constant 0 : index
        %swap3A_231 = tpu.vector_load %arg8[%swap3A_229, %swap3A_230] {strides = array<i32>} : memref<128x128xf32, #tpu.memory_space<vmem>>, vector<1x16xf32>,
        %swap3A_232 = vector.shape_cast %swap3A_231 : vector<1x16xf32> to vector<16xf32>
        %swap3A_233 = vector.shape_cast %get3A_224 : vector<16xf32> to vector<1x16xf32>
        tpu.vector_store %arg8[%swap3A_229, %swap3A_230], %swap3A_233 {strides = array<i32>} : memref<128x128xf32, #tpu.memory_space<vmem>>, vector<1x16xf32>,
        %get3A_234 = arith.index_cast %add3A_157 : i32 to index
        %get3A_235 = arith.constant 96 : index
        %get3A_236 = tpu.vector_load %arg6[%get3A_234, %get3A_235] {strides = array<i32>} : memref<16x128xf32, #tpu.memory_space<vmem>>, vector<1x16xf32>,
        %get3A_237 = vector.shape_cast %get3A_236 : vector<1x16xf32> to vector<16xf32>
        %mul3A_238 = arith.constant 8 : i32
        %mul3A_239 = arith.muli %add3A_157, %mul3A_238 : i32
        %add3A_240 = arith.constant 6 : i32
        %add3A_241 = arith.addi %mul3A_239, %add3A_240 : i32
        %swap3A_242 = arith.index_cast %add3A_241 : i32 to index
        %swap3A_243 = arith.constant 0 : index
        %swap3A_244 = tpu.vector_load %arg8[%swap3A_242, %swap3A_243] {strides = array<i32>} : memref<128x128xf32, #tpu.memory_space<vmem>>, vector<1x16xf32>,
        %swap3A_245 = vector.shape_cast %swap3A_244 : vector<1x16xf32> to vector<16xf32>
        %swap3A_246 = vector.shape_cast %get3A_237 : vector<16xf32> to vector<1x16xf32>
        tpu.vector_store %arg8[%swap3A_242, %swap3A_243], %swap3A_246 {strides = array<i32>} : memref<128x128xf32, #tpu.memory_space<vmem>>, vector<1x16xf32>,
        %get3A_247 = arith.index_cast %add3A_157 : i32 to index
        %get3A_248 = arith.constant 112 : index
        %get3A_249 = tpu.vector_load %arg6[%get3A_247, %get3A_248] {strides = array<i32>} : memref<16x128xf32, #tpu.memory_space<vmem>>, vector<1x16xf32>,
        %get3A_250 = vector.shape_cast %get3A_249 : vector<1x16xf32> to vector<16xf32>
        %mul3A_251 = arith.constant 8 : i32
        %mul3A_252 = arith.muli %add3A_157, %mul3A_251 : i32
        %add3A_253 = arith.constant 7 : i32
        %add3A_254 = arith.addi %mul3A_252, %add3A_253 : i32
        %swap3A_255 = arith.index_cast %add3A_254 : i32 to index
        %swap3A_256 = arith.constant 0 : index
        %swap3A_257 = tpu.vector_load %arg8[%swap3A_255, %swap3A_256] {strides = array<i32>} : memref<128x128xf32, #tpu.memory_space<vmem>>, vector<1x16xf32>,
        %swap3A_258 = vector.shape_cast %swap3A_257 : vector<1x16xf32> to vector<16xf32>
        %swap3A_259 = vector.shape_cast %get3A_250 : vector<16xf32> to vector<1x16xf32>
        tpu.vector_store %arg8[%swap3A_255, %swap3A_256], %swap3A_259 {strides = array<i32>} : memref<128x128xf32, #tpu.memory_space<vmem>>, vector<1x16xf32>,
      }
      %scan3A_106 = arith.constant 16 : i32
      %add3A_107 = arith.constant 2 : i32
      %add3A_108 = arith.addi %add3A_90, %add3A_107 : i32
      %mul3A_109 = arith.constant 40 : i32
      %mul3A_110 = arith.muli %add3A, %mul3A_109 : i32
      %add3A_111 = arith.addi %mul3A_110, %add3A_108 : i32
      %dma_start3A_112 = arith.constant 0 : i32
      %dma_start3A_113 = arith.constant 0 : i32
      %dma_start3A_114 = tpu.memref_slice %arg3[%add3A_111, %dma_start3A_112, %dma_start3A_113] : memref<1280x16x128xf32, #tpu.memory_space<hbm>> -> memref<1x16x128xf32, #tpu.memory_space<hbm>>
      %dma_start3A_115 = tpu.memref_squeeze %dma_start3A_114 : memref<1x16x128xf32, #tpu.memory_space<hbm>> -> memref<16x128xf32, #tpu.memory_space<hbm>>
      %dma_start3A_116 = arith.constant 0 : i32
      %dma_start3A_117 = arith.constant 0 : i32
      %dma_start3A_118 = tpu.memref_slice %arg3[%add3A_111, %dma_start3A_116, %dma_start3A_117] : memref<1280x16x128xf32, #tpu.memory_space<hbm>> -> memref<1x16x128xf32, #tpu.memory_space<hbm>>
      %dma_start3A_119 = tpu.memref_squeeze %dma_start3A_118 : memref<1x16x128xf32, #tpu.memory_space<hbm>> -> memref<16x128xf32, #tpu.memory_space<hbm>>
      tpu.enqueue_dma source(%dma_start3A_119 : memref<16x128xf32, #tpu.memory_space<hbm>>) target(%arg6 : memref<16x128xf32, #tpu.memory_space<vmem>>) target_semaphore(%arg10 : memref<!tpu.dma_semaphore, #tpu.memory_space<semaphore_mem>>)
      "tpu.region"() ({
        %run_scoped3A_153 = tpu.sem_alloc : memref<!tpu.dma_semaphore, #tpu.memory_space<semaphore_mem>>
        %dma_start3A_154 = arith.constant 0 : i32
        %dma_start3A_155 = tpu.memref_slice %arg5[%add3A_90, %dma_start3A_154] : memref<40x128xi32, #tpu.memory_space<vmem>> -> memref<1x128xi32, #tpu.memory_space<vmem>>
        %dma_start3A_156 = tpu.memref_squeeze %dma_start3A_155 : memref<1x128xi32, #tpu.memory_space<vmem>> -> memref<128xi32, #tpu.memory_space<vmem>>
        %dma_start3A_157 = arith.constant 0 : i32
        %dma_start3A_158 = arith.constant 0 : i32
        %dma_start3A_159 = tpu.memref_slice %arg9[%dma_start3A_157, %dma_start3A_158] : memref<10240x128xf32, #tpu.memory_space<vmem_shared>> -> memref<10240x128xf32, #tpu.memory_space<vmem_shared>>
        tpu.enqueue_indirect_dma source(%arg8 : memref<128x128xf32, #tpu.memory_space<vmem>>) target(%dma_start3A_159 : memref<10240x128xf32, #tpu.memory_space<vmem_shared>>) offsets(%dma_start3A_156 : memref<128xi32, #tpu.memory_space<vmem>>) semaphore(%run_scoped3A_153 : memref<!tpu.dma_semaphore, #tpu.memory_space<semaphore_mem>>) {add = true}
        %dma_wait3A_160 = arith.constant 0 : i32
        %dma_wait3A_161 = tpu.memref_slice %arg5[%add3A_90, %dma_wait3A_160] : memref<40x128xi32, #tpu.memory_space<vmem>> -> memref<1x128xi32, #tpu.memory_space<vmem>>
        %dma_wait3A_162 = tpu.memref_squeeze %dma_wait3A_161 : memref<1x128xi32, #tpu.memory_space<vmem>> -> memref<128xi32, #tpu.memory_space<vmem>>
        %dma_wait3A_163 = arith.constant 0 : i32
        %dma_wait3A_164 = arith.constant 0 : i32
        %dma_wait3A_165 = tpu.memref_slice %arg9[%dma_wait3A_163, %dma_wait3A_164] : memref<10240x128xf32, #tpu.memory_space<vmem_shared>> -> memref<10240x128xf32, #tpu.memory_space<vmem_shared>>
        tpu.wait_indirect_dma semaphore(%run_scoped3A_153 : memref<!tpu.dma_semaphore, #tpu.memory_space<semaphore_mem>>) src(%arg8 : memref<128x128xf32, #tpu.memory_space<vmem>>) dst(%dma_wait3A_165 : memref<10240x128xf32, #tpu.memory_space<vmem_shared>>)
        tpu.yield
      }) : () -> ()
      %add3A_120 = arith.constant 1 : i32
      %add3A_121 = arith.addi %add3A_90, %add3A_120 : i32
      %mul3A_122 = arith.constant 40 : i32
      %mul3A_123 = arith.muli %add3A, %mul3A_122 : i32
      %add3A_124 = arith.addi %mul3A_123, %add3A_121 : i32
      %dma_wait3A_125 = arith.constant 0 : i32
      %dma_wait3A_126 = arith.constant 0 : i32
      %dma_wait3A_127 = tpu.memref_slice %arg3[%add3A_124, %dma_wait3A_125, %dma_wait3A_126] : memref<1280x16x128xf32, #tpu.memory_space<hbm>> -> memref<1x16x128xf32, #tpu.memory_space<hbm>>
      %dma_wait3A_128 = tpu.memref_squeeze %dma_wait3A_127 : memref<1x16x128xf32, #tpu.memory_space<hbm>> -> memref<16x128xf32, #tpu.memory_space<hbm>>
      %dma_wait3A_129 = arith.constant 0 : i32
      %dma_wait3A_130 = arith.constant 0 : i32
      %dma_wait3A_131 = tpu.memref_slice %arg3[%add3A_124, %dma_wait3A_129, %dma_wait3A_130] : memref<1280x16x128xf32, #tpu.memory_space<hbm>> -> memref<1x16x128xf32, #tpu.memory_space<hbm>>
      %dma_wait3A_132 = tpu.memref_squeeze %dma_wait3A_131 : memref<1x16x128xf32, #tpu.memory_space<hbm>> -> memref<16x128xf32, #tpu.memory_space<hbm>>
      tpu.wait_dma2 semaphore(%arg11 : memref<!tpu.dma_semaphore, #tpu.memory_space<semaphore_mem>>) src(%dma_wait3A_132 : memref<16x128xf32, #tpu.memory_space<hbm>>) dst(%arg7 : memref<16x128xf32, #tpu.memory_space<vmem>>)
      %scan3A_133 = arith.constant 0 : i32
      %scan3A_134 = arith.constant 16 : i32
      %scan3A_135 = arith.addi %scan3A_133, %scan3A_134 : i32
      %scan3A_136 = arith.constant 1 : i32
      scf.for %scan3A_153 = %scan3A_133 to %scan3A_135 step %scan3A_136  : i32 {
        %mul3A_154 = arith.constant 1 : i32
        %mul3A_155 = arith.muli %scan3A_153, %mul3A_154 : i32
        %add3A_156 = arith.constant 0 : i32
        %add3A_157 = arith.addi %add3A_156, %mul3A_155 : i32
        %get3A = arith.index_cast %add3A_157 : i32 to index
        %get3A_158 = arith.constant 0 : index
        %get3A_159 = tpu.vector_load %arg7[%get3A, %get3A_158] {strides = array<i32>} : memref<16x128xf32, #tpu.memory_space<vmem>>, vector<1x16xf32>,
        %get3A_160 = vector.shape_cast %get3A_159 : vector<1x16xf32> to vector<16xf32>
        %mul3A_161 = arith.constant 8 : i32
        %mul3A_162 = arith.muli %add3A_157, %mul3A_161 : i32
        %add3A_163 = arith.constant 0 : i32
        %add3A_164 = arith.addi %mul3A_162, %add3A_163 : i32
        %swap3A = arith.index_cast %add3A_164 : i32 to index
        %swap3A_165 = arith.constant 0 : index
        %swap3A_166 = tpu.vector_load %arg8[%swap3A, %swap3A_165] {strides = array<i32>} : memref<128x128xf32, #tpu.memory_space<vmem>>, vector<1x16xf32>,
        %swap3A_167 = vector.shape_cast %swap3A_166 : vector<1x16xf32> to vector<16xf32>
        %swap3A_168 = vector.shape_cast %get3A_160 : vector<16xf32> to vector<1x16xf32>
        tpu.vector_store %arg8[%swap3A, %swap3A_165], %swap3A_168 {strides = array<i32>} : memref<128x128xf32, #tpu.memory_space<vmem>>, vector<1x16xf32>,
        %get3A_169 = arith.index_cast %add3A_157 : i32 to index
        %get3A_170 = arith.constant 16 : index
        %get3A_171 = tpu.vector_load %arg7[%get3A_169, %get3A_170] {strides = array<i32>} : memref<16x128xf32, #tpu.memory_space<vmem>>, vector<1x16xf32>,
        %get3A_172 = vector.shape_cast %get3A_171 : vector<1x16xf32> to vector<16xf32>
        %mul3A_173 = arith.constant 8 : i32
        %mul3A_174 = arith.muli %add3A_157, %mul3A_173 : i32
        %add3A_175 = arith.constant 1 : i32
        %add3A_176 = arith.addi %mul3A_174, %add3A_175 : i32
        %swap3A_177 = arith.index_cast %add3A_176 : i32 to index
        %swap3A_178 = arith.constant 0 : index
        %swap3A_179 = tpu.vector_load %arg8[%swap3A_177, %swap3A_178] {strides = array<i32>} : memref<128x128xf32, #tpu.memory_space<vmem>>, vector<1x16xf32>,
        %swap3A_180 = vector.shape_cast %swap3A_179 : vector<1x16xf32> to vector<16xf32>
        %swap3A_181 = vector.shape_cast %get3A_172 : vector<16xf32> to vector<1x16xf32>
        tpu.vector_store %arg8[%swap3A_177, %swap3A_178], %swap3A_181 {strides = array<i32>} : memref<128x128xf32, #tpu.memory_space<vmem>>, vector<1x16xf32>,
        %get3A_182 = arith.index_cast %add3A_157 : i32 to index
        %get3A_183 = arith.constant 32 : index
        %get3A_184 = tpu.vector_load %arg7[%get3A_182, %get3A_183] {strides = array<i32>} : memref<16x128xf32, #tpu.memory_space<vmem>>, vector<1x16xf32>,
        %get3A_185 = vector.shape_cast %get3A_184 : vector<1x16xf32> to vector<16xf32>
        %mul3A_186 = arith.constant 8 : i32
        %mul3A_187 = arith.muli %add3A_157, %mul3A_186 : i32
        %add3A_188 = arith.constant 2 : i32
        %add3A_189 = arith.addi %mul3A_187, %add3A_188 : i32
        %swap3A_190 = arith.index_cast %add3A_189 : i32 to index
        %swap3A_191 = arith.constant 0 : index
        %swap3A_192 = tpu.vector_load %arg8[%swap3A_190, %swap3A_191] {strides = array<i32>} : memref<128x128xf32, #tpu.memory_space<vmem>>, vector<1x16xf32>,
        %swap3A_193 = vector.shape_cast %swap3A_192 : vector<1x16xf32> to vector<16xf32>
        %swap3A_194 = vector.shape_cast %get3A_185 : vector<16xf32> to vector<1x16xf32>
        tpu.vector_store %arg8[%swap3A_190, %swap3A_191], %swap3A_194 {strides = array<i32>} : memref<128x128xf32, #tpu.memory_space<vmem>>, vector<1x16xf32>,
        %get3A_195 = arith.index_cast %add3A_157 : i32 to index
        %get3A_196 = arith.constant 48 : index
        %get3A_197 = tpu.vector_load %arg7[%get3A_195, %get3A_196] {strides = array<i32>} : memref<16x128xf32, #tpu.memory_space<vmem>>, vector<1x16xf32>,
        %get3A_198 = vector.shape_cast %get3A_197 : vector<1x16xf32> to vector<16xf32>
        %mul3A_199 = arith.constant 8 : i32
        %mul3A_200 = arith.muli %add3A_157, %mul3A_199 : i32
        %add3A_201 = arith.constant 3 : i32
        %add3A_202 = arith.addi %mul3A_200, %add3A_201 : i32
        %swap3A_203 = arith.index_cast %add3A_202 : i32 to index
        %swap3A_204 = arith.constant 0 : index
        %swap3A_205 = tpu.vector_load %arg8[%swap3A_203, %swap3A_204] {strides = array<i32>} : memref<128x128xf32, #tpu.memory_space<vmem>>, vector<1x16xf32>,
        %swap3A_206 = vector.shape_cast %swap3A_205 : vector<1x16xf32> to vector<16xf32>
        %swap3A_207 = vector.shape_cast %get3A_198 : vector<16xf32> to vector<1x16xf32>
        tpu.vector_store %arg8[%swap3A_203, %swap3A_204], %swap3A_207 {strides = array<i32>} : memref<128x128xf32, #tpu.memory_space<vmem>>, vector<1x16xf32>,
        %get3A_208 = arith.index_cast %add3A_157 : i32 to index
        %get3A_209 = arith.constant 64 : index
        %get3A_210 = tpu.vector_load %arg7[%get3A_208, %get3A_209] {strides = array<i32>} : memref<16x128xf32, #tpu.memory_space<vmem>>, vector<1x16xf32>,
        %get3A_211 = vector.shape_cast %get3A_210 : vector<1x16xf32> to vector<16xf32>
        %mul3A_212 = arith.constant 8 : i32
        %mul3A_213 = arith.muli %add3A_157, %mul3A_212 : i32
        %add3A_214 = arith.constant 4 : i32
        %add3A_215 = arith.addi %mul3A_213, %add3A_214 : i32
        %swap3A_216 = arith.index_cast %add3A_215 : i32 to index
        %swap3A_217 = arith.constant 0 : index
        %swap3A_218 = tpu.vector_load %arg8[%swap3A_216, %swap3A_217] {strides = array<i32>} : memref<128x128xf32, #tpu.memory_space<vmem>>, vector<1x16xf32>,
        %swap3A_219 = vector.shape_cast %swap3A_218 : vector<1x16xf32> to vector<16xf32>
        %swap3A_220 = vector.shape_cast %get3A_211 : vector<16xf32> to vector<1x16xf32>
        tpu.vector_store %arg8[%swap3A_216, %swap3A_217], %swap3A_220 {strides = array<i32>} : memref<128x128xf32, #tpu.memory_space<vmem>>, vector<1x16xf32>,
        %get3A_221 = arith.index_cast %add3A_157 : i32 to index
        %get3A_222 = arith.constant 80 : index
        %get3A_223 = tpu.vector_load %arg7[%get3A_221, %get3A_222] {strides = array<i32>} : memref<16x128xf32, #tpu.memory_space<vmem>>, vector<1x16xf32>,
        %get3A_224 = vector.shape_cast %get3A_223 : vector<1x16xf32> to vector<16xf32>
        %mul3A_225 = arith.constant 8 : i32
        %mul3A_226 = arith.muli %add3A_157, %mul3A_225 : i32
        %add3A_227 = arith.constant 5 : i32
        %add3A_228 = arith.addi %mul3A_226, %add3A_227 : i32
        %swap3A_229 = arith.index_cast %add3A_228 : i32 to index
        %swap3A_230 = arith.constant 0 : index
        %swap3A_231 = tpu.vector_load %arg8[%swap3A_229, %swap3A_230] {strides = array<i32>} : memref<128x128xf32, #tpu.memory_space<vmem>>, vector<1x16xf32>,
        %swap3A_232 = vector.shape_cast %swap3A_231 : vector<1x16xf32> to vector<16xf32>
        %swap3A_233 = vector.shape_cast %get3A_224 : vector<16xf32> to vector<1x16xf32>
        tpu.vector_store %arg8[%swap3A_229, %swap3A_230], %swap3A_233 {strides = array<i32>} : memref<128x128xf32, #tpu.memory_space<vmem>>, vector<1x16xf32>,
        %get3A_234 = arith.index_cast %add3A_157 : i32 to index
        %get3A_235 = arith.constant 96 : index
        %get3A_236 = tpu.vector_load %arg7[%get3A_234, %get3A_235] {strides = array<i32>} : memref<16x128xf32, #tpu.memory_space<vmem>>, vector<1x16xf32>,
        %get3A_237 = vector.shape_cast %get3A_236 : vector<1x16xf32> to vector<16xf32>
        %mul3A_238 = arith.constant 8 : i32
        %mul3A_239 = arith.muli %add3A_157, %mul3A_238 : i32
        %add3A_240 = arith.constant 6 : i32
        %add3A_241 = arith.addi %mul3A_239, %add3A_240 : i32
        %swap3A_242 = arith.index_cast %add3A_241 : i32 to index
        %swap3A_243 = arith.constant 0 : index
        %swap3A_244 = tpu.vector_load %arg8[%swap3A_242, %swap3A_243] {strides = array<i32>} : memref<128x128xf32, #tpu.memory_space<vmem>>, vector<1x16xf32>,
        %swap3A_245 = vector.shape_cast %swap3A_244 : vector<1x16xf32> to vector<16xf32>
        %swap3A_246 = vector.shape_cast %get3A_237 : vector<16xf32> to vector<1x16xf32>
        tpu.vector_store %arg8[%swap3A_242, %swap3A_243], %swap3A_246 {strides = array<i32>} : memref<128x128xf32, #tpu.memory_space<vmem>>, vector<1x16xf32>,
        %get3A_247 = arith.index_cast %add3A_157 : i32 to index
        %get3A_248 = arith.constant 112 : index
        %get3A_249 = tpu.vector_load %arg7[%get3A_247, %get3A_248] {strides = array<i32>} : memref<16x128xf32, #tpu.memory_space<vmem>>, vector<1x16xf32>,
        %get3A_250 = vector.shape_cast %get3A_249 : vector<1x16xf32> to vector<16xf32>
        %mul3A_251 = arith.constant 8 : i32
        %mul3A_252 = arith.muli %add3A_157, %mul3A_251 : i32
        %add3A_253 = arith.constant 7 : i32
        %add3A_254 = arith.addi %mul3A_252, %add3A_253 : i32
        %swap3A_255 = arith.index_cast %add3A_254 : i32 to index
        %swap3A_256 = arith.constant 0 : index
        %swap3A_257 = tpu.vector_load %arg8[%swap3A_255, %swap3A_256] {strides = array<i32>} : memref<128x128xf32, #tpu.memory_space<vmem>>, vector<1x16xf32>,
        %swap3A_258 = vector.shape_cast %swap3A_257 : vector<1x16xf32> to vector<16xf32>
        %swap3A_259 = vector.shape_cast %get3A_250 : vector<16xf32> to vector<1x16xf32>
        tpu.vector_store %arg8[%swap3A_255, %swap3A_256], %swap3A_259 {strides = array<i32>} : memref<128x128xf32, #tpu.memory_space<vmem>>, vector<1x16xf32>,
      }
      %scan3A_137 = arith.constant 16 : i32
      %add3A_138 = arith.constant 3 : i32
      %add3A_139 = arith.addi %add3A_90, %add3A_138 : i32
      %mul3A_140 = arith.constant 40 : i32
      %mul3A_141 = arith.muli %add3A, %mul3A_140 : i32
      %add3A_142 = arith.addi %mul3A_141, %add3A_139 : i32
      %dma_start3A_143 = arith.constant 0 : i32
      %dma_start3A_144 = arith.constant 0 : i32
      %dma_start3A_145 = tpu.memref_slice %arg3[%add3A_142, %dma_start3A_143, %dma_start3A_144] : memref<1280x16x128xf32, #tpu.memory_space<hbm>> -> memref<1x16x128xf32, #tpu.memory_space<hbm>>
      %dma_start3A_146 = tpu.memref_squeeze %dma_start3A_145 : memref<1x16x128xf32, #tpu.memory_space<hbm>> -> memref<16x128xf32, #tpu.memory_space<hbm>>
      %dma_start3A_147 = arith.constant 0 : i32
      %dma_start3A_148 = arith.constant 0 : i32
      %dma_start3A_149 = tpu.memref_slice %arg3[%add3A_142, %dma_start3A_147, %dma_start3A_148] : memref<1280x16x128xf32, #tpu.memory_space<hbm>> -> memref<1x16x128xf32, #tpu.memory_space<hbm>>
      %dma_start3A_150 = tpu.memref_squeeze %dma_start3A_149 : memref<1x16x128xf32, #tpu.memory_space<hbm>> -> memref<16x128xf32, #tpu.memory_space<hbm>>
      tpu.enqueue_dma source(%dma_start3A_150 : memref<16x128xf32, #tpu.memory_space<hbm>>) target(%arg7 : memref<16x128xf32, #tpu.memory_space<vmem>>) target_semaphore(%arg11 : memref<!tpu.dma_semaphore, #tpu.memory_space<semaphore_mem>>)
      %add3A_151 = arith.constant 1 : i32
      %add3A_152 = arith.addi %add3A_90, %add3A_151 : i32
      "tpu.region"() ({
        %run_scoped3A_153 = tpu.sem_alloc : memref<!tpu.dma_semaphore, #tpu.memory_space<semaphore_mem>>
        %dma_start3A_154 = arith.constant 0 : i32
        %dma_start3A_155 = tpu.memref_slice %arg5[%add3A_152, %dma_start3A_154] : memref<40x128xi32, #tpu.memory_space<vmem>> -> memref<1x128xi32, #tpu.memory_space<vmem>>
        %dma_start3A_156 = tpu.memref_squeeze %dma_start3A_155 : memref<1x128xi32, #tpu.memory_space<vmem>> -> memref<128xi32, #tpu.memory_space<vmem>>
        %dma_start3A_157 = arith.constant 0 : i32
        %dma_start3A_158 = arith.constant 0 : i32
        %dma_start3A_159 = tpu.memref_slice %arg9[%dma_start3A_157, %dma_start3A_158] : memref<10240x128xf32, #tpu.memory_space<vmem_shared>> -> memref<10240x128xf32, #tpu.memory_space<vmem_shared>>
        tpu.enqueue_indirect_dma source(%arg8 : memref<128x128xf32, #tpu.memory_space<vmem>>) target(%dma_start3A_159 : memref<10240x128xf32, #tpu.memory_space<vmem_shared>>) offsets(%dma_start3A_156 : memref<128xi32, #tpu.memory_space<vmem>>) semaphore(%run_scoped3A_153 : memref<!tpu.dma_semaphore, #tpu.memory_space<semaphore_mem>>) {add = true}
        %dma_wait3A_160 = arith.constant 0 : i32
        %dma_wait3A_161 = tpu.memref_slice %arg5[%add3A_152, %dma_wait3A_160] : memref<40x128xi32, #tpu.memory_space<vmem>> -> memref<1x128xi32, #tpu.memory_space<vmem>>
        %dma_wait3A_162 = tpu.memref_squeeze %dma_wait3A_161 : memref<1x128xi32, #tpu.memory_space<vmem>> -> memref<128xi32, #tpu.memory_space<vmem>>
        %dma_wait3A_163 = arith.constant 0 : i32
        %dma_wait3A_164 = arith.constant 0 : i32
        %dma_wait3A_165 = tpu.memref_slice %arg9[%dma_wait3A_163, %dma_wait3A_164] : memref<10240x128xf32, #tpu.memory_space<vmem_shared>> -> memref<10240x128xf32, #tpu.memory_space<vmem_shared>>
        tpu.wait_indirect_dma semaphore(%run_scoped3A_153 : memref<!tpu.dma_semaphore, #tpu.memory_space<semaphore_mem>>) src(%arg8 : memref<128x128xf32, #tpu.memory_space<vmem>>) dst(%dma_wait3A_165 : memref<10240x128xf32, #tpu.memory_space<vmem_shared>>)
        tpu.yield
      }) : () -> ()
    }
    %scan3A_48 = arith.constant 19 : i32
    %mul3A_49 = arith.constant 40 : i32
    %mul3A_50 = arith.muli %add3A, %mul3A_49 : i32
    %add3A_51 = arith.constant 38 : i32
    %add3A_52 = arith.addi %mul3A_50, %add3A_51 : i32
    %dma_wait3A = arith.constant 0 : i32
    %dma_wait3A_53 = arith.constant 0 : i32
    %dma_wait3A_54 = tpu.memref_slice %arg3[%add3A_52, %dma_wait3A, %dma_wait3A_53] : memref<1280x16x128xf32, #tpu.memory_space<hbm>> -> memref<1x16x128xf32, #tpu.memory_space<hbm>>
    %dma_wait3A_55 = tpu.memref_squeeze %dma_wait3A_54 : memref<1x16x128xf32, #tpu.memory_space<hbm>> -> memref<16x128xf32, #tpu.memory_space<hbm>>
    %dma_wait3A_56 = arith.constant 0 : i32
    %dma_wait3A_57 = arith.constant 0 : i32
    %dma_wait3A_58 = tpu.memref_slice %arg3[%add3A_52, %dma_wait3A_56, %dma_wait3A_57] : memref<1280x16x128xf32, #tpu.memory_space<hbm>> -> memref<1x16x128xf32, #tpu.memory_space<hbm>>
    %dma_wait3A_59 = tpu.memref_squeeze %dma_wait3A_58 : memref<1x16x128xf32, #tpu.memory_space<hbm>> -> memref<16x128xf32, #tpu.memory_space<hbm>>
    tpu.wait_dma2 semaphore(%arg10 : memref<!tpu.dma_semaphore, #tpu.memory_space<semaphore_mem>>) src(%dma_wait3A_59 : memref<16x128xf32, #tpu.memory_space<hbm>>) dst(%arg6 : memref<16x128xf32, #tpu.memory_space<vmem>>)
    %scan3A_60 = arith.constant 0 : i32
    %scan3A_61 = arith.constant 16 : i32
    %scan3A_62 = arith.addi %scan3A_60, %scan3A_61 : i32
    %scan3A_63 = arith.constant 1 : i32
    scf.for %scan3A_86 = %scan3A_60 to %scan3A_62 step %scan3A_63  : i32 {
      %mul3A_87 = arith.constant 1 : i32
      %mul3A_88 = arith.muli %scan3A_86, %mul3A_87 : i32
      %add3A_89 = arith.constant 0 : i32
      %add3A_90 = arith.addi %add3A_89, %mul3A_88 : i32
      %get3A = arith.index_cast %add3A_90 : i32 to index
      %get3A_91 = arith.constant 0 : index
      %get3A_92 = tpu.vector_load %arg6[%get3A, %get3A_91] {strides = array<i32>} : memref<16x128xf32, #tpu.memory_space<vmem>>, vector<1x16xf32>,
      %get3A_93 = vector.shape_cast %get3A_92 : vector<1x16xf32> to vector<16xf32>
      %mul3A_94 = arith.constant 8 : i32
      %mul3A_95 = arith.muli %add3A_90, %mul3A_94 : i32
      %add3A_96 = arith.constant 0 : i32
      %add3A_97 = arith.addi %mul3A_95, %add3A_96 : i32
      %swap3A = arith.index_cast %add3A_97 : i32 to index
      %swap3A_98 = arith.constant 0 : index
      %swap3A_99 = tpu.vector_load %arg8[%swap3A, %swap3A_98] {strides = array<i32>} : memref<128x128xf32, #tpu.memory_space<vmem>>, vector<1x16xf32>,
      %swap3A_100 = vector.shape_cast %swap3A_99 : vector<1x16xf32> to vector<16xf32>
      %swap3A_101 = vector.shape_cast %get3A_93 : vector<16xf32> to vector<1x16xf32>
      tpu.vector_store %arg8[%swap3A, %swap3A_98], %swap3A_101 {strides = array<i32>} : memref<128x128xf32, #tpu.memory_space<vmem>>, vector<1x16xf32>,
      %get3A_102 = arith.index_cast %add3A_90 : i32 to index
      %get3A_103 = arith.constant 16 : index
      %get3A_104 = tpu.vector_load %arg6[%get3A_102, %get3A_103] {strides = array<i32>} : memref<16x128xf32, #tpu.memory_space<vmem>>, vector<1x16xf32>,
      %get3A_105 = vector.shape_cast %get3A_104 : vector<1x16xf32> to vector<16xf32>
      %mul3A_106 = arith.constant 8 : i32
      %mul3A_107 = arith.muli %add3A_90, %mul3A_106 : i32
      %add3A_108 = arith.constant 1 : i32
      %add3A_109 = arith.addi %mul3A_107, %add3A_108 : i32
      %swap3A_110 = arith.index_cast %add3A_109 : i32 to index
      %swap3A_111 = arith.constant 0 : index
      %swap3A_112 = tpu.vector_load %arg8[%swap3A_110, %swap3A_111] {strides = array<i32>} : memref<128x128xf32, #tpu.memory_space<vmem>>, vector<1x16xf32>,
      %swap3A_113 = vector.shape_cast %swap3A_112 : vector<1x16xf32> to vector<16xf32>
      %swap3A_114 = vector.shape_cast %get3A_105 : vector<16xf32> to vector<1x16xf32>
      tpu.vector_store %arg8[%swap3A_110, %swap3A_111], %swap3A_114 {strides = array<i32>} : memref<128x128xf32, #tpu.memory_space<vmem>>, vector<1x16xf32>,
      %get3A_115 = arith.index_cast %add3A_90 : i32 to index
      %get3A_116 = arith.constant 32 : index
      %get3A_117 = tpu.vector_load %arg6[%get3A_115, %get3A_116] {strides = array<i32>} : memref<16x128xf32, #tpu.memory_space<vmem>>, vector<1x16xf32>,
      %get3A_118 = vector.shape_cast %get3A_117 : vector<1x16xf32> to vector<16xf32>
      %mul3A_119 = arith.constant 8 : i32
      %mul3A_120 = arith.muli %add3A_90, %mul3A_119 : i32
      %add3A_121 = arith.constant 2 : i32
      %add3A_122 = arith.addi %mul3A_120, %add3A_121 : i32
      %swap3A_123 = arith.index_cast %add3A_122 : i32 to index
      %swap3A_124 = arith.constant 0 : index
      %swap3A_125 = tpu.vector_load %arg8[%swap3A_123, %swap3A_124] {strides = array<i32>} : memref<128x128xf32, #tpu.memory_space<vmem>>, vector<1x16xf32>,
      %swap3A_126 = vector.shape_cast %swap3A_125 : vector<1x16xf32> to vector<16xf32>
      %swap3A_127 = vector.shape_cast %get3A_118 : vector<16xf32> to vector<1x16xf32>
      tpu.vector_store %arg8[%swap3A_123, %swap3A_124], %swap3A_127 {strides = array<i32>} : memref<128x128xf32, #tpu.memory_space<vmem>>, vector<1x16xf32>,
      %get3A_128 = arith.index_cast %add3A_90 : i32 to index
      %get3A_129 = arith.constant 48 : index
      %get3A_130 = tpu.vector_load %arg6[%get3A_128, %get3A_129] {strides = array<i32>} : memref<16x128xf32, #tpu.memory_space<vmem>>, vector<1x16xf32>,
      %get3A_131 = vector.shape_cast %get3A_130 : vector<1x16xf32> to vector<16xf32>
      %mul3A_132 = arith.constant 8 : i32
      %mul3A_133 = arith.muli %add3A_90, %mul3A_132 : i32
      %add3A_134 = arith.constant 3 : i32
      %add3A_135 = arith.addi %mul3A_133, %add3A_134 : i32
      %swap3A_136 = arith.index_cast %add3A_135 : i32 to index
      %swap3A_137 = arith.constant 0 : index
      %swap3A_138 = tpu.vector_load %arg8[%swap3A_136, %swap3A_137] {strides = array<i32>} : memref<128x128xf32, #tpu.memory_space<vmem>>, vector<1x16xf32>,
      %swap3A_139 = vector.shape_cast %swap3A_138 : vector<1x16xf32> to vector<16xf32>
      %swap3A_140 = vector.shape_cast %get3A_131 : vector<16xf32> to vector<1x16xf32>
      tpu.vector_store %arg8[%swap3A_136, %swap3A_137], %swap3A_140 {strides = array<i32>} : memref<128x128xf32, #tpu.memory_space<vmem>>, vector<1x16xf32>,
      %get3A_141 = arith.index_cast %add3A_90 : i32 to index
      %get3A_142 = arith.constant 64 : index
      %get3A_143 = tpu.vector_load %arg6[%get3A_141, %get3A_142] {strides = array<i32>} : memref<16x128xf32, #tpu.memory_space<vmem>>, vector<1x16xf32>,
      %get3A_144 = vector.shape_cast %get3A_143 : vector<1x16xf32> to vector<16xf32>
      %mul3A_145 = arith.constant 8 : i32
      %mul3A_146 = arith.muli %add3A_90, %mul3A_145 : i32
      %add3A_147 = arith.constant 4 : i32
      %add3A_148 = arith.addi %mul3A_146, %add3A_147 : i32
      %swap3A_149 = arith.index_cast %add3A_148 : i32 to index
      %swap3A_150 = arith.constant 0 : index
      %swap3A_151 = tpu.vector_load %arg8[%swap3A_149, %swap3A_150] {strides = array<i32>} : memref<128x128xf32, #tpu.memory_space<vmem>>, vector<1x16xf32>,
      %swap3A_152 = vector.shape_cast %swap3A_151 : vector<1x16xf32> to vector<16xf32>
      %swap3A_153 = vector.shape_cast %get3A_144 : vector<16xf32> to vector<1x16xf32>
      tpu.vector_store %arg8[%swap3A_149, %swap3A_150], %swap3A_153 {strides = array<i32>} : memref<128x128xf32, #tpu.memory_space<vmem>>, vector<1x16xf32>,
      %get3A_154 = arith.index_cast %add3A_90 : i32 to index
      %get3A_155 = arith.constant 80 : index
      %get3A_156 = tpu.vector_load %arg6[%get3A_154, %get3A_155] {strides = array<i32>} : memref<16x128xf32, #tpu.memory_space<vmem>>, vector<1x16xf32>,
      %get3A_157 = vector.shape_cast %get3A_156 : vector<1x16xf32> to vector<16xf32>
      %mul3A_158 = arith.constant 8 : i32
      %mul3A_159 = arith.muli %add3A_90, %mul3A_158 : i32
      %add3A_160 = arith.constant 5 : i32
      %add3A_161 = arith.addi %mul3A_159, %add3A_160 : i32
      %swap3A_162 = arith.index_cast %add3A_161 : i32 to index
      %swap3A_163 = arith.constant 0 : index
      %swap3A_164 = tpu.vector_load %arg8[%swap3A_162, %swap3A_163] {strides = array<i32>} : memref<128x128xf32, #tpu.memory_space<vmem>>, vector<1x16xf32>,
      %swap3A_165 = vector.shape_cast %swap3A_164 : vector<1x16xf32> to vector<16xf32>
      %swap3A_166 = vector.shape_cast %get3A_157 : vector<16xf32> to vector<1x16xf32>
      tpu.vector_store %arg8[%swap3A_162, %swap3A_163], %swap3A_166 {strides = array<i32>} : memref<128x128xf32, #tpu.memory_space<vmem>>, vector<1x16xf32>,
      %get3A_167 = arith.index_cast %add3A_90 : i32 to index
      %get3A_168 = arith.constant 96 : index
      %get3A_169 = tpu.vector_load %arg6[%get3A_167, %get3A_168] {strides = array<i32>} : memref<16x128xf32, #tpu.memory_space<vmem>>, vector<1x16xf32>,
      %get3A_170 = vector.shape_cast %get3A_169 : vector<1x16xf32> to vector<16xf32>
      %mul3A_171 = arith.constant 8 : i32
      %mul3A_172 = arith.muli %add3A_90, %mul3A_171 : i32
      %add3A_173 = arith.constant 6 : i32
      %add3A_174 = arith.addi %mul3A_172, %add3A_173 : i32
      %swap3A_175 = arith.index_cast %add3A_174 : i32 to index
      %swap3A_176 = arith.constant 0 : index
      %swap3A_177 = tpu.vector_load %arg8[%swap3A_175, %swap3A_176] {strides = array<i32>} : memref<128x128xf32, #tpu.memory_space<vmem>>, vector<1x16xf32>,
      %swap3A_178 = vector.shape_cast %swap3A_177 : vector<1x16xf32> to vector<16xf32>
      %swap3A_179 = vector.shape_cast %get3A_170 : vector<16xf32> to vector<1x16xf32>
      tpu.vector_store %arg8[%swap3A_175, %swap3A_176], %swap3A_179 {strides = array<i32>} : memref<128x128xf32, #tpu.memory_space<vmem>>, vector<1x16xf32>,
      %get3A_180 = arith.index_cast %add3A_90 : i32 to index
      %get3A_181 = arith.constant 112 : index
      %get3A_182 = tpu.vector_load %arg6[%get3A_180, %get3A_181] {strides = array<i32>} : memref<16x128xf32, #tpu.memory_space<vmem>>, vector<1x16xf32>,
      %get3A_183 = vector.shape_cast %get3A_182 : vector<1x16xf32> to vector<16xf32>
      %mul3A_184 = arith.constant 8 : i32
      %mul3A_185 = arith.muli %add3A_90, %mul3A_184 : i32
      %add3A_186 = arith.constant 7 : i32
      %add3A_187 = arith.addi %mul3A_185, %add3A_186 : i32
      %swap3A_188 = arith.index_cast %add3A_187 : i32 to index
      %swap3A_189 = arith.constant 0 : index
      %swap3A_190 = tpu.vector_load %arg8[%swap3A_188, %swap3A_189] {strides = array<i32>} : memref<128x128xf32, #tpu.memory_space<vmem>>, vector<1x16xf32>,
      %swap3A_191 = vector.shape_cast %swap3A_190 : vector<1x16xf32> to vector<16xf32>
      %swap3A_192 = vector.shape_cast %get3A_183 : vector<16xf32> to vector<1x16xf32>
      tpu.vector_store %arg8[%swap3A_188, %swap3A_189], %swap3A_192 {strides = array<i32>} : memref<128x128xf32, #tpu.memory_space<vmem>>, vector<1x16xf32>,
    }
    %scan3A_64 = arith.constant 16 : i32
    %run_scoped3A = arith.constant 38 : i32
    "tpu.region"() ({
      %run_scoped3A_86 = tpu.sem_alloc : memref<!tpu.dma_semaphore, #tpu.memory_space<semaphore_mem>>
      %dma_start3A_87 = arith.constant 0 : i32
      %dma_start3A_88 = tpu.memref_slice %arg5[%run_scoped3A, %dma_start3A_87] : memref<40x128xi32, #tpu.memory_space<vmem>> -> memref<1x128xi32, #tpu.memory_space<vmem>>
      %dma_start3A_89 = tpu.memref_squeeze %dma_start3A_88 : memref<1x128xi32, #tpu.memory_space<vmem>> -> memref<128xi32, #tpu.memory_space<vmem>>
      %dma_start3A_90 = arith.constant 0 : i32
      %dma_start3A_91 = arith.constant 0 : i32
      %dma_start3A_92 = tpu.memref_slice %arg9[%dma_start3A_90, %dma_start3A_91] : memref<10240x128xf32, #tpu.memory_space<vmem_shared>> -> memref<10240x128xf32, #tpu.memory_space<vmem_shared>>
      tpu.enqueue_indirect_dma source(%arg8 : memref<128x128xf32, #tpu.memory_space<vmem>>) target(%dma_start3A_92 : memref<10240x128xf32, #tpu.memory_space<vmem_shared>>) offsets(%dma_start3A_89 : memref<128xi32, #tpu.memory_space<vmem>>) semaphore(%run_scoped3A_86 : memref<!tpu.dma_semaphore, #tpu.memory_space<semaphore_mem>>) {add = true}
      %dma_wait3A_93 = arith.constant 0 : i32
      %dma_wait3A_94 = tpu.memref_slice %arg5[%run_scoped3A, %dma_wait3A_93] : memref<40x128xi32, #tpu.memory_space<vmem>> -> memref<1x128xi32, #tpu.memory_space<vmem>>
      %dma_wait3A_95 = tpu.memref_squeeze %dma_wait3A_94 : memref<1x128xi32, #tpu.memory_space<vmem>> -> memref<128xi32, #tpu.memory_space<vmem>>
      %dma_wait3A_96 = arith.constant 0 : i32
      %dma_wait3A_97 = arith.constant 0 : i32
      %dma_wait3A_98 = tpu.memref_slice %arg9[%dma_wait3A_96, %dma_wait3A_97] : memref<10240x128xf32, #tpu.memory_space<vmem_shared>> -> memref<10240x128xf32, #tpu.memory_space<vmem_shared>>
      tpu.wait_indirect_dma semaphore(%run_scoped3A_86 : memref<!tpu.dma_semaphore, #tpu.memory_space<semaphore_mem>>) src(%arg8 : memref<128x128xf32, #tpu.memory_space<vmem>>) dst(%dma_wait3A_98 : memref<10240x128xf32, #tpu.memory_space<vmem_shared>>)
      tpu.yield
    }) : () -> ()
    %mul3A_65 = arith.constant 40 : i32
    %mul3A_66 = arith.muli %add3A, %mul3A_65 : i32
    %add3A_67 = arith.constant 39 : i32
    %add3A_68 = arith.addi %mul3A_66, %add3A_67 : i32
    %dma_wait3A_69 = arith.constant 0 : i32
    %dma_wait3A_70 = arith.constant 0 : i32
    %dma_wait3A_71 = tpu.memref_slice %arg3[%add3A_68, %dma_wait3A_69, %dma_wait3A_70] : memref<1280x16x128xf32, #tpu.memory_space<hbm>> -> memref<1x16x128xf32, #tpu.memory_space<hbm>>
    %dma_wait3A_72 = tpu.memref_squeeze %dma_wait3A_71 : memref<1x16x128xf32, #tpu.memory_space<hbm>> -> memref<16x128xf32, #tpu.memory_space<hbm>>
    %dma_wait3A_73 = arith.constant 0 : i32
    %dma_wait3A_74 = arith.constant 0 : i32
    %dma_wait3A_75 = tpu.memref_slice %arg3[%add3A_68, %dma_wait3A_73, %dma_wait3A_74] : memref<1280x16x128xf32, #tpu.memory_space<hbm>> -> memref<1x16x128xf32, #tpu.memory_space<hbm>>
    %dma_wait3A_76 = tpu.memref_squeeze %dma_wait3A_75 : memref<1x16x128xf32, #tpu.memory_space<hbm>> -> memref<16x128xf32, #tpu.memory_space<hbm>>
    tpu.wait_dma2 semaphore(%arg11 : memref<!tpu.dma_semaphore, #tpu.memory_space<semaphore_mem>>) src(%dma_wait3A_76 : memref<16x128xf32, #tpu.memory_space<hbm>>) dst(%arg7 : memref<16x128xf32, #tpu.memory_space<vmem>>)
    %scan3A_77 = arith.constant 0 : i32
    %scan3A_78 = arith.constant 16 : i32
    %scan3A_79 = arith.addi %scan3A_77, %scan3A_78 : i32
    %scan3A_80 = arith.constant 1 : i32
    scf.for %scan3A_86 = %scan3A_77 to %scan3A_79 step %scan3A_80  : i32 {
      %mul3A_87 = arith.constant 1 : i32
      %mul3A_88 = arith.muli %scan3A_86, %mul3A_87 : i32
      %add3A_89 = arith.constant 0 : i32
      %add3A_90 = arith.addi %add3A_89, %mul3A_88 : i32
      %get3A = arith.index_cast %add3A_90 : i32 to index
      %get3A_91 = arith.constant 0 : index
      %get3A_92 = tpu.vector_load %arg7[%get3A, %get3A_91] {strides = array<i32>} : memref<16x128xf32, #tpu.memory_space<vmem>>, vector<1x16xf32>,
      %get3A_93 = vector.shape_cast %get3A_92 : vector<1x16xf32> to vector<16xf32>
      %mul3A_94 = arith.constant 8 : i32
      %mul3A_95 = arith.muli %add3A_90, %mul3A_94 : i32
      %add3A_96 = arith.constant 0 : i32
      %add3A_97 = arith.addi %mul3A_95, %add3A_96 : i32
      %swap3A = arith.index_cast %add3A_97 : i32 to index
      %swap3A_98 = arith.constant 0 : index
      %swap3A_99 = tpu.vector_load %arg8[%swap3A, %swap3A_98] {strides = array<i32>} : memref<128x128xf32, #tpu.memory_space<vmem>>, vector<1x16xf32>,
      %swap3A_100 = vector.shape_cast %swap3A_99 : vector<1x16xf32> to vector<16xf32>
      %swap3A_101 = vector.shape_cast %get3A_93 : vector<16xf32> to vector<1x16xf32>
      tpu.vector_store %arg8[%swap3A, %swap3A_98], %swap3A_101 {strides = array<i32>} : memref<128x128xf32, #tpu.memory_space<vmem>>, vector<1x16xf32>,
      %get3A_102 = arith.index_cast %add3A_90 : i32 to index
      %get3A_103 = arith.constant 16 : index
      %get3A_104 = tpu.vector_load %arg7[%get3A_102, %get3A_103] {strides = array<i32>} : memref<16x128xf32, #tpu.memory_space<vmem>>, vector<1x16xf32>,
      %get3A_105 = vector.shape_cast %get3A_104 : vector<1x16xf32> to vector<16xf32>
      %mul3A_106 = arith.constant 8 : i32
      %mul3A_107 = arith.muli %add3A_90, %mul3A_106 : i32
      %add3A_108 = arith.constant 1 : i32
      %add3A_109 = arith.addi %mul3A_107, %add3A_108 : i32
      %swap3A_110 = arith.index_cast %add3A_109 : i32 to index
      %swap3A_111 = arith.constant 0 : index
      %swap3A_112 = tpu.vector_load %arg8[%swap3A_110, %swap3A_111] {strides = array<i32>} : memref<128x128xf32, #tpu.memory_space<vmem>>, vector<1x16xf32>,
      %swap3A_113 = vector.shape_cast %swap3A_112 : vector<1x16xf32> to vector<16xf32>
      %swap3A_114 = vector.shape_cast %get3A_105 : vector<16xf32> to vector<1x16xf32>
      tpu.vector_store %arg8[%swap3A_110, %swap3A_111], %swap3A_114 {strides = array<i32>} : memref<128x128xf32, #tpu.memory_space<vmem>>, vector<1x16xf32>,
      %get3A_115 = arith.index_cast %add3A_90 : i32 to index
      %get3A_116 = arith.constant 32 : index
      %get3A_117 = tpu.vector_load %arg7[%get3A_115, %get3A_116] {strides = array<i32>} : memref<16x128xf32, #tpu.memory_space<vmem>>, vector<1x16xf32>,
      %get3A_118 = vector.shape_cast %get3A_117 : vector<1x16xf32> to vector<16xf32>
      %mul3A_119 = arith.constant 8 : i32
      %mul3A_120 = arith.muli %add3A_90, %mul3A_119 : i32
      %add3A_121 = arith.constant 2 : i32
      %add3A_122 = arith.addi %mul3A_120, %add3A_121 : i32
      %swap3A_123 = arith.index_cast %add3A_122 : i32 to index
      %swap3A_124 = arith.constant 0 : index
      %swap3A_125 = tpu.vector_load %arg8[%swap3A_123, %swap3A_124] {strides = array<i32>} : memref<128x128xf32, #tpu.memory_space<vmem>>, vector<1x16xf32>,
      %swap3A_126 = vector.shape_cast %swap3A_125 : vector<1x16xf32> to vector<16xf32>
      %swap3A_127 = vector.shape_cast %get3A_118 : vector<16xf32> to vector<1x16xf32>
      tpu.vector_store %arg8[%swap3A_123, %swap3A_124], %swap3A_127 {strides = array<i32>} : memref<128x128xf32, #tpu.memory_space<vmem>>, vector<1x16xf32>,
      %get3A_128 = arith.index_cast %add3A_90 : i32 to index
      %get3A_129 = arith.constant 48 : index
      %get3A_130 = tpu.vector_load %arg7[%get3A_128, %get3A_129] {strides = array<i32>} : memref<16x128xf32, #tpu.memory_space<vmem>>, vector<1x16xf32>,
      %get3A_131 = vector.shape_cast %get3A_130 : vector<1x16xf32> to vector<16xf32>
      %mul3A_132 = arith.constant 8 : i32
      %mul3A_133 = arith.muli %add3A_90, %mul3A_132 : i32
      %add3A_134 = arith.constant 3 : i32
      %add3A_135 = arith.addi %mul3A_133, %add3A_134 : i32
      %swap3A_136 = arith.index_cast %add3A_135 : i32 to index
      %swap3A_137 = arith.constant 0 : index
      %swap3A_138 = tpu.vector_load %arg8[%swap3A_136, %swap3A_137] {strides = array<i32>} : memref<128x128xf32, #tpu.memory_space<vmem>>, vector<1x16xf32>,
      %swap3A_139 = vector.shape_cast %swap3A_138 : vector<1x16xf32> to vector<16xf32>
      %swap3A_140 = vector.shape_cast %get3A_131 : vector<16xf32> to vector<1x16xf32>
      tpu.vector_store %arg8[%swap3A_136, %swap3A_137], %swap3A_140 {strides = array<i32>} : memref<128x128xf32, #tpu.memory_space<vmem>>, vector<1x16xf32>,
      %get3A_141 = arith.index_cast %add3A_90 : i32 to index
      %get3A_142 = arith.constant 64 : index
      %get3A_143 = tpu.vector_load %arg7[%get3A_141, %get3A_142] {strides = array<i32>} : memref<16x128xf32, #tpu.memory_space<vmem>>, vector<1x16xf32>,
      %get3A_144 = vector.shape_cast %get3A_143 : vector<1x16xf32> to vector<16xf32>
      %mul3A_145 = arith.constant 8 : i32
      %mul3A_146 = arith.muli %add3A_90, %mul3A_145 : i32
      %add3A_147 = arith.constant 4 : i32
      %add3A_148 = arith.addi %mul3A_146, %add3A_147 : i32
      %swap3A_149 = arith.index_cast %add3A_148 : i32 to index
      %swap3A_150 = arith.constant 0 : index
      %swap3A_151 = tpu.vector_load %arg8[%swap3A_149, %swap3A_150] {strides = array<i32>} : memref<128x128xf32, #tpu.memory_space<vmem>>, vector<1x16xf32>,
      %swap3A_152 = vector.shape_cast %swap3A_151 : vector<1x16xf32> to vector<16xf32>
      %swap3A_153 = vector.shape_cast %get3A_144 : vector<16xf32> to vector<1x16xf32>
      tpu.vector_store %arg8[%swap3A_149, %swap3A_150], %swap3A_153 {strides = array<i32>} : memref<128x128xf32, #tpu.memory_space<vmem>>, vector<1x16xf32>,
      %get3A_154 = arith.index_cast %add3A_90 : i32 to index
      %get3A_155 = arith.constant 80 : index
      %get3A_156 = tpu.vector_load %arg7[%get3A_154, %get3A_155] {strides = array<i32>} : memref<16x128xf32, #tpu.memory_space<vmem>>, vector<1x16xf32>,
      %get3A_157 = vector.shape_cast %get3A_156 : vector<1x16xf32> to vector<16xf32>
      %mul3A_158 = arith.constant 8 : i32
      %mul3A_159 = arith.muli %add3A_90, %mul3A_158 : i32
      %add3A_160 = arith.constant 5 : i32
      %add3A_161 = arith.addi %mul3A_159, %add3A_160 : i32
      %swap3A_162 = arith.index_cast %add3A_161 : i32 to index
      %swap3A_163 = arith.constant 0 : index
      %swap3A_164 = tpu.vector_load %arg8[%swap3A_162, %swap3A_163] {strides = array<i32>} : memref<128x128xf32, #tpu.memory_space<vmem>>, vector<1x16xf32>,
      %swap3A_165 = vector.shape_cast %swap3A_164 : vector<1x16xf32> to vector<16xf32>
      %swap3A_166 = vector.shape_cast %get3A_157 : vector<16xf32> to vector<1x16xf32>
      tpu.vector_store %arg8[%swap3A_162, %swap3A_163], %swap3A_166 {strides = array<i32>} : memref<128x128xf32, #tpu.memory_space<vmem>>, vector<1x16xf32>,
      %get3A_167 = arith.index_cast %add3A_90 : i32 to index
      %get3A_168 = arith.constant 96 : index
      %get3A_169 = tpu.vector_load %arg7[%get3A_167, %get3A_168] {strides = array<i32>} : memref<16x128xf32, #tpu.memory_space<vmem>>, vector<1x16xf32>,
      %get3A_170 = vector.shape_cast %get3A_169 : vector<1x16xf32> to vector<16xf32>
      %mul3A_171 = arith.constant 8 : i32
      %mul3A_172 = arith.muli %add3A_90, %mul3A_171 : i32
      %add3A_173 = arith.constant 6 : i32
      %add3A_174 = arith.addi %mul3A_172, %add3A_173 : i32
      %swap3A_175 = arith.index_cast %add3A_174 : i32 to index
      %swap3A_176 = arith.constant 0 : index
      %swap3A_177 = tpu.vector_load %arg8[%swap3A_175, %swap3A_176] {strides = array<i32>} : memref<128x128xf32, #tpu.memory_space<vmem>>, vector<1x16xf32>,
      %swap3A_178 = vector.shape_cast %swap3A_177 : vector<1x16xf32> to vector<16xf32>
      %swap3A_179 = vector.shape_cast %get3A_170 : vector<16xf32> to vector<1x16xf32>
      tpu.vector_store %arg8[%swap3A_175, %swap3A_176], %swap3A_179 {strides = array<i32>} : memref<128x128xf32, #tpu.memory_space<vmem>>, vector<1x16xf32>,
      %get3A_180 = arith.index_cast %add3A_90 : i32 to index
      %get3A_181 = arith.constant 112 : index
      %get3A_182 = tpu.vector_load %arg7[%get3A_180, %get3A_181] {strides = array<i32>} : memref<16x128xf32, #tpu.memory_space<vmem>>, vector<1x16xf32>,
      %get3A_183 = vector.shape_cast %get3A_182 : vector<1x16xf32> to vector<16xf32>
      %mul3A_184 = arith.constant 8 : i32
      %mul3A_185 = arith.muli %add3A_90, %mul3A_184 : i32
      %add3A_186 = arith.constant 7 : i32
      %add3A_187 = arith.addi %mul3A_185, %add3A_186 : i32
      %swap3A_188 = arith.index_cast %add3A_187 : i32 to index
      %swap3A_189 = arith.constant 0 : index
      %swap3A_190 = tpu.vector_load %arg8[%swap3A_188, %swap3A_189] {strides = array<i32>} : memref<128x128xf32, #tpu.memory_space<vmem>>, vector<1x16xf32>,
      %swap3A_191 = vector.shape_cast %swap3A_190 : vector<1x16xf32> to vector<16xf32>
      %swap3A_192 = vector.shape_cast %get3A_183 : vector<16xf32> to vector<1x16xf32>
      tpu.vector_store %arg8[%swap3A_188, %swap3A_189], %swap3A_192 {strides = array<i32>} : memref<128x128xf32, #tpu.memory_space<vmem>>, vector<1x16xf32>,
    }
    %scan3A_81 = arith.constant 16 : i32
    %run_scoped3A_82 = arith.constant 39 : i32
    "tpu.region"() ({
      %run_scoped3A_86 = tpu.sem_alloc : memref<!tpu.dma_semaphore, #tpu.memory_space<semaphore_mem>>
      %dma_start3A_87 = arith.constant 0 : i32
      %dma_start3A_88 = tpu.memref_slice %arg5[%run_scoped3A_82, %dma_start3A_87] : memref<40x128xi32, #tpu.memory_space<vmem>> -> memref<1x128xi32, #tpu.memory_space<vmem>>
      %dma_start3A_89 = tpu.memref_squeeze %dma_start3A_88 : memref<1x128xi32, #tpu.memory_space<vmem>> -> memref<128xi32, #tpu.memory_space<vmem>>
      %dma_start3A_90 = arith.constant 0 : i32
      %dma_start3A_91 = arith.constant 0 : i32
      %dma_start3A_92 = tpu.memref_slice %arg9[%dma_start3A_90, %dma_start3A_91] : memref<10240x128xf32, #tpu.memory_space<vmem_shared>> -> memref<10240x128xf32, #tpu.memory_space<vmem_shared>>
      tpu.enqueue_indirect_dma source(%arg8 : memref<128x128xf32, #tpu.memory_space<vmem>>) target(%dma_start3A_92 : memref<10240x128xf32, #tpu.memory_space<vmem_shared>>) offsets(%dma_start3A_89 : memref<128xi32, #tpu.memory_space<vmem>>) semaphore(%run_scoped3A_86 : memref<!tpu.dma_semaphore, #tpu.memory_space<semaphore_mem>>) {add = true}
      %dma_wait3A_93 = arith.constant 0 : i32
      %dma_wait3A_94 = tpu.memref_slice %arg5[%run_scoped3A_82, %dma_wait3A_93] : memref<40x128xi32, #tpu.memory_space<vmem>> -> memref<1x128xi32, #tpu.memory_space<vmem>>
      %dma_wait3A_95 = tpu.memref_squeeze %dma_wait3A_94 : memref<1x128xi32, #tpu.memory_space<vmem>> -> memref<128xi32, #tpu.memory_space<vmem>>
      %dma_wait3A_96 = arith.constant 0 : i32
      %dma_wait3A_97 = arith.constant 0 : i32
      %dma_wait3A_98 = tpu.memref_slice %arg9[%dma_wait3A_96, %dma_wait3A_97] : memref<10240x128xf32, #tpu.memory_space<vmem_shared>> -> memref<10240x128xf32, #tpu.memory_space<vmem_shared>>
      tpu.wait_indirect_dma semaphore(%run_scoped3A_86 : memref<!tpu.dma_semaphore, #tpu.memory_space<semaphore_mem>>) src(%arg8 : memref<128x128xf32, #tpu.memory_space<vmem>>) dst(%dma_wait3A_98 : memref<10240x128xf32, #tpu.memory_space<vmem_shared>>)
      tpu.yield
    }) : () -> ()
    %barrier3A_83 = arith.constant 0 : index
    tpu.barrier barrier_id(%barrier3A_83)
    %mul3A_84 = arith.constant 640 : i32
    %mul3A_85 = arith.muli %arg1, %mul3A_84 : i32
    "tpu.region"() ({
      %run_scoped3A_86 = tpu.sem_alloc : memref<!tpu.dma_semaphore, #tpu.memory_space<semaphore_mem>>
      %dma_start3A_87 = arith.constant 0 : i32
      %dma_start3A_88 = tpu.memref_slice %arg4[%arg0, %mul3A_85, %dma_start3A_87] : memref<2x10240x128xf32, #tpu.memory_space<hbm>> -> memref<1x640x128xf32, #tpu.memory_space<hbm>>
      %dma_start3A_89 = tpu.memref_squeeze %dma_start3A_88 : memref<1x640x128xf32, #tpu.memory_space<hbm>> -> memref<640x128xf32, #tpu.memory_space<hbm>>
      %dma_start3A_90 = arith.constant 0 : i32
      %dma_start3A_91 = tpu.memref_slice %arg9[%mul3A_85, %dma_start3A_90] : memref<10240x128xf32, #tpu.memory_space<vmem_shared>> -> memref<640x128xf32, #tpu.memory_space<vmem_shared>>
      tpu.enqueue_dma source(%dma_start3A_91 : memref<640x128xf32, #tpu.memory_space<vmem_shared>>) target(%dma_start3A_89 : memref<640x128xf32, #tpu.memory_space<hbm>>) target_semaphore(%run_scoped3A_86 : memref<!tpu.dma_semaphore, #tpu.memory_space<semaphore_mem>>)
      %dma_wait3A_92 = arith.constant 0 : i32
      %dma_wait3A_93 = tpu.memref_slice %arg4[%arg0, %mul3A_85, %dma_wait3A_92] : memref<2x10240x128xf32, #tpu.memory_space<hbm>> -> memref<1x640x128xf32, #tpu.memory_space<hbm>>
      %dma_wait3A_94 = tpu.memref_squeeze %dma_wait3A_93 : memref<1x640x128xf32, #tpu.memory_space<hbm>> -> memref<640x128xf32, #tpu.memory_space<hbm>>
      %dma_wait3A_95 = arith.constant 0 : i32
      %dma_wait3A_96 = tpu.memref_slice %arg9[%mul3A_85, %dma_wait3A_95] : memref<10240x128xf32, #tpu.memory_space<vmem_shared>> -> memref<640x128xf32, #tpu.memory_space<vmem_shared>>
      tpu.wait_dma2 semaphore(%run_scoped3A_86 : memref<!tpu.dma_semaphore, #tpu.memory_space<semaphore_mem>>) src(%dma_wait3A_96 : memref<640x128xf32, #tpu.memory_space<vmem_shared>>) dst(%dma_wait3A_94 : memref<640x128xf32, #tpu.memory_space<hbm>>)
      tpu.yield
    }) : () -> ()
    return
  }
}

module attributes {stable_mosaic.version = 14 : i64} {
  func.func @_tc_a1_body(%arg0: i32, %arg1: memref<1000x256xf32, #tpu.memory_space<vmem>>, %arg2: memref<256x256xf32, #tpu.memory_space<vmem>>, %arg3: memref<1x256xf32, #tpu.memory_space<vmem>>, %arg4: memref<256x256xf32, #tpu.memory_space<vmem>>, %arg5: memref<1000x256xf32, #tpu.memory_space<vmem>>, %arg6: memref<1000x256xf32, #tpu.memory_space<vmem>>, %arg7: memref<8x256xf32, #tpu.memory_space<vmem>>) attributes {dimension_semantics = [#tpu.dimension_semantics<arbitrary>], iteration_bounds = array<i64: 10>, scalar_prefetch = 0 : i64, scratch_operands = 0 : i64, tpu.core_type = #tpu.core_type<tc>, window_params = [{transform_indices = @transform_0, window_bounds = array<i64: 1000, 256>}, {pipeline_mode = #tpu.pipeline_mode<synchronous>, transform_indices = @transform_1, window_bounds = array<i64: 256, 256>}, {pipeline_mode = #tpu.pipeline_mode<synchronous>, transform_indices = @transform_2, window_bounds = array<i64: 1, 256>}, {pipeline_mode = #tpu.pipeline_mode<synchronous>, transform_indices = @transform_3, window_bounds = array<i64: 256, 256>}, {transform_indices = @transform_4, window_bounds = array<i64: 1000, 256>}, {transform_indices = @transform_5, window_bounds = array<i64: 1000, 256>}, {pipeline_mode = #tpu.pipeline_mode<synchronous>, transform_indices = @transform_6, window_bounds = array<i64: 8, 256>}]} {
    %get3A = arith.constant 0 : index
    %get3A_0 = arith.constant 0 : index
    %get3A_1 = vector.load %arg1[%get3A, %get3A_0] : memref<1000x256xf32, #tpu.memory_space<vmem>>, vector<1000x256xf32>
    %get3A_2 = arith.constant 0 : index
    %get3A_3 = arith.constant 0 : index
    %get3A_4 = vector.load %arg4[%get3A_2, %get3A_3] : memref<256x256xf32, #tpu.memory_space<vmem>>, vector<256x256xf32>
    %dot_general3A = arith.constant dense<0.000000e+00> : vector<1000x256xf32>
    %dot_general3A_5 = tpu.matmul %get3A_1, %get3A_4, %dot_general3A {dimension_numbers = #tpu.dot_dimension_numbers<[1], [0], [0], [1], [0, 0, 1, 1], [], []>, precision = #tpu.contract_precision<fp32>, transpose_lhs_hint = false} : vector<1000x256xf32>, vector<256x256xf32>, vector<1000x256xf32> -> vector<1000x256xf32>
    %get3A_6 = arith.constant 0 : index
    %get3A_7 = arith.constant 0 : index
    %get3A_8 = vector.load %arg2[%get3A_6, %get3A_7] : memref<256x256xf32, #tpu.memory_space<vmem>>, vector<256x256xf32>
    %dot_general3A_9 = arith.constant dense<0.000000e+00> : vector<1000x256xf32>
    %dot_general3A_10 = tpu.matmul %get3A_1, %get3A_8, %dot_general3A_9 {dimension_numbers = #tpu.dot_dimension_numbers<[1], [0], [0], [1], [0, 0, 1, 1], [], []>, precision = #tpu.contract_precision<fp32>, transpose_lhs_hint = false} : vector<1000x256xf32>, vector<256x256xf32>, vector<1000x256xf32> -> vector<1000x256xf32>
    %get3A_11 = arith.constant 0 : index
    %get3A_12 = arith.constant 0 : index
    %get3A_13 = vector.load %arg3[%get3A_11, %get3A_12] : memref<1x256xf32, #tpu.memory_space<vmem>>, vector<1x256xf32>
    %add3A = vector.broadcast %get3A_13 : vector<1x256xf32> to vector<1000x256xf32>
    %add3A_14 = arith.addf %dot_general3A_10, %add3A : vector<1000x256xf32>
    %swap3A = arith.constant 0 : index
    %swap3A_15 = arith.constant 0 : index
    %swap3A_16 = vector.load %arg5[%swap3A, %swap3A_15] : memref<1000x256xf32, #tpu.memory_space<vmem>>, vector<1000x256xf32>
    tpu.vector_store %arg5[%swap3A, %swap3A_15], %add3A_14 {strides = array<i32>} : memref<1000x256xf32, #tpu.memory_space<vmem>>, vector<1000x256xf32>,
    %swap3A_17 = arith.constant 0 : index
    %swap3A_18 = arith.constant 0 : index
    %swap3A_19 = vector.load %arg6[%swap3A_17, %swap3A_18] : memref<1000x256xf32, #tpu.memory_space<vmem>>, vector<1000x256xf32>
    tpu.vector_store %arg6[%swap3A_17, %swap3A_18], %dot_general3A_5 {strides = array<i32>} : memref<1000x256xf32, #tpu.memory_space<vmem>>, vector<1000x256xf32>,
    %reduce_sum3A = arith.constant dense<0.000000e+00> : vector<256xf32>
    %reduce_sum3A_20 = vector.multi_reduction <add>, %dot_general3A_5, %reduce_sum3A [0] : vector<1000x256xf32> to vector<256xf32>
    %broadcast_in_dim3A = vector.shape_cast %reduce_sum3A_20 : vector<256xf32> to vector<1x256xf32>
    %mul3A = arith.mulf %dot_general3A_5, %dot_general3A_5 : vector<1000x256xf32>
    %reduce_sum3A_21 = arith.constant dense<0.000000e+00> : vector<256xf32>
    %reduce_sum3A_22 = vector.multi_reduction <add>, %mul3A, %reduce_sum3A_21 [0] : vector<1000x256xf32> to vector<256xf32>
    %broadcast_in_dim3A_23 = vector.shape_cast %reduce_sum3A_22 : vector<256xf32> to vector<1x256xf32>
    %broadcast_in_dim3A_24 = arith.constant 0.000000e+00 : f32
    %broadcast_in_dim3A_25 = vector.broadcast %broadcast_in_dim3A_24 : f32 to vector<6x256xf32>
    %concatenate3A = tpu.concatenate %broadcast_in_dim3A, %broadcast_in_dim3A_23, %broadcast_in_dim3A_25 in 0 : vector<1x256xf32>, vector<1x256xf32>, vector<6x256xf32> -> vector<8x256xf32>
    %eq3A = arith.constant 0 : i32
    %eq3A_26 = arith.cmpi eq, %arg0, %eq3A : i32
    %convert_element_type3A = arith.extui %eq3A_26 : i1 to i32
    %cond3A = arith.constant 0 : i32
    %cond3A_27 = arith.cmpi ne, %convert_element_type3A, %cond3A : i32
    scf.if %cond3A_27 {
      %swap3A_32 = arith.constant 0 : index
      %swap3A_33 = arith.constant 0 : index
      %swap3A_34 = vector.load %arg7[%swap3A_32, %swap3A_33] : memref<8x256xf32, #tpu.memory_space<vmem>>, vector<8x256xf32>
      tpu.vector_store %arg7[%swap3A_32, %swap3A_33], %concatenate3A {strides = array<i32>} : memref<8x256xf32, #tpu.memory_space<vmem>>, vector<8x256xf32>,
    } else {
    }
    %gt3A = arith.constant 0 : i32
    %gt3A_28 = arith.cmpi sgt, %arg0, %gt3A : i32
    %convert_element_type3A_29 = arith.extui %gt3A_28 : i1 to i32
    %cond3A_30 = arith.constant 0 : i32
    %cond3A_31 = arith.cmpi ne, %convert_element_type3A_29, %cond3A_30 : i32
    scf.if %cond3A_31 {
      %get3A_32 = arith.constant 0 : index
      %get3A_33 = arith.constant 0 : index
      %get3A_34 = vector.load %arg7[%get3A_32, %get3A_33] : memref<8x256xf32, #tpu.memory_space<vmem>>, vector<8x256xf32>
      %add3A_35 = arith.addf %get3A_34, %concatenate3A : vector<8x256xf32>
      %swap3A_36 = arith.constant 0 : index
      %swap3A_37 = arith.constant 0 : index
      %swap3A_38 = vector.load %arg7[%swap3A_36, %swap3A_37] : memref<8x256xf32, #tpu.memory_space<vmem>>, vector<8x256xf32>
      tpu.vector_store %arg7[%swap3A_36, %swap3A_37], %add3A_35 {strides = array<i32>} : memref<8x256xf32, #tpu.memory_space<vmem>>, vector<8x256xf32>,
    } else {
    }
    return
  }
  func.func @transform_0(%arg0: i32) -> (i32, i32) {
    %c0_i32 = arith.constant 0 : i32
    %c0_i32_0 = arith.constant 0 : i32
    return %arg0, %c0_i32 : i32, i32
  }
  func.func @transform_1(%arg0: i32) -> (i32, i32) {
    %c0_i32 = arith.constant 0 : i32
    %c0_i32_0 = arith.constant 0 : i32
    %c0_i32_1 = arith.constant 0 : i32
    return %c0_i32, %c0_i32_0 : i32, i32
  }
  func.func @transform_2(%arg0: i32) -> (i32, i32) {
    %c0_i32 = arith.constant 0 : i32
    %c0_i32_0 = arith.constant 0 : i32
    %c0_i32_1 = arith.constant 0 : i32
    return %c0_i32, %c0_i32_0 : i32, i32
  }
  func.func @transform_3(%arg0: i32) -> (i32, i32) {
    %c0_i32 = arith.constant 0 : i32
    %c0_i32_0 = arith.constant 0 : i32
    %c0_i32_1 = arith.constant 0 : i32
    return %c0_i32, %c0_i32_0 : i32, i32
  }
  func.func @transform_4(%arg0: i32) -> (i32, i32) {
    %c0_i32 = arith.constant 0 : i32
    %c0_i32_0 = arith.constant 0 : i32
    return %arg0, %c0_i32 : i32, i32
  }
  func.func @transform_5(%arg0: i32) -> (i32, i32) {
    %c0_i32 = arith.constant 0 : i32
    %c0_i32_0 = arith.constant 0 : i32
    return %arg0, %c0_i32 : i32, i32
  }
  func.func @transform_6(%arg0: i32) -> (i32, i32) {
    %c0_i32 = arith.constant 0 : i32
    %c0_i32_0 = arith.constant 0 : i32
    %c0_i32_1 = arith.constant 0 : i32
    return %c0_i32, %c0_i32_0 : i32, i32
  }
}

module attributes {stable_mosaic.version = 14 : i64} {
  func.func @_tc_a2_body(%arg0: i32, %arg1: memref<1000x256xf32, #tpu.memory_space<vmem>>, %arg2: memref<1000x128xf32, #tpu.memory_space<vmem>>, %arg3: memref<1000x128xf32, #tpu.memory_space<vmem>>, %arg4: memref<2x1000x128xf32, #tpu.memory_space<vmem>>, %arg5: memref<256x256xf32, #tpu.memory_space<vmem>>, %arg6: memref<16x256xf32, #tpu.memory_space<vmem>>, %arg7: memref<1000x256xf32, #tpu.memory_space<vmem>>, %arg8: memref<8x256xf32, #tpu.memory_space<vmem>>) attributes {dimension_semantics = [#tpu.dimension_semantics<arbitrary>], iteration_bounds = array<i64: 10>, scalar_prefetch = 0 : i64, scratch_operands = 0 : i64, tpu.core_type = #tpu.core_type<tc>, window_params = [{transform_indices = @transform_0, window_bounds = array<i64: 1000, 256>}, {transform_indices = @transform_1, window_bounds = array<i64: 1000, 128>}, {transform_indices = @transform_2, window_bounds = array<i64: 1000, 128>}, {transform_indices = @transform_3, window_bounds = array<i64: 2, 1000, 128>}, {pipeline_mode = #tpu.pipeline_mode<synchronous>, transform_indices = @transform_4, window_bounds = array<i64: 256, 256>}, {pipeline_mode = #tpu.pipeline_mode<synchronous>, transform_indices = @transform_5, window_bounds = array<i64: 16, 256>}, {transform_indices = @transform_6, window_bounds = array<i64: 1000, 256>}, {pipeline_mode = #tpu.pipeline_mode<synchronous>, transform_indices = @transform_7, window_bounds = array<i64: 8, 256>}]} {
    %get3A = arith.constant 0 : index
    %get3A_0 = arith.constant 0 : index
    %get3A_1 = arith.constant 0 : index
    %get3A_2 = vector.load %arg4[%get3A, %get3A_0, %get3A_1] : memref<2x1000x128xf32, #tpu.memory_space<vmem>>, vector<1x1000x128xf32>
    %get3A_3 = vector.shape_cast %get3A_2 : vector<1x1000x128xf32> to vector<1000x128xf32>
    %get3A_4 = arith.constant 1 : index
    %get3A_5 = arith.constant 0 : index
    %get3A_6 = arith.constant 0 : index
    %get3A_7 = vector.load %arg4[%get3A_4, %get3A_5, %get3A_6] : memref<2x1000x128xf32, #tpu.memory_space<vmem>>, vector<1x1000x128xf32>
    %get3A_8 = vector.shape_cast %get3A_7 : vector<1x1000x128xf32> to vector<1000x128xf32>
    %add3A = arith.addf %get3A_3, %get3A_8 : vector<1000x128xf32>
    %slice3A = vector.extract_strided_slice %add3A {offsets = [0, 16], sizes = [1000, 1], strides = [1, 1]} : vector<1000x128xf32> to vector<1000x1xf32>
    %max3A = arith.constant 1.000000e+00 : f32
    %max3A_9 = vector.broadcast %max3A : f32 to vector<1000x1xf32>
    %max3A_10 = arith.maximumf %slice3A, %max3A_9 : vector<1000x1xf32>
    %get3A_11 = arith.constant 0 : index
    %get3A_12 = arith.constant 0 : index
    %get3A_13 = vector.load %arg2[%get3A_11, %get3A_12] : memref<1000x128xf32, #tpu.memory_space<vmem>>, vector<1000x128xf32>
    %get3A_14 = arith.constant 0 : index
    %get3A_15 = arith.constant 0 : index
    %get3A_16 = vector.load %arg5[%get3A_14, %get3A_15] : memref<256x256xf32, #tpu.memory_space<vmem>>, vector<128x256xf32>
    %dot_general3A = arith.constant dense<0.000000e+00> : vector<1000x256xf32>
    %dot_general3A_17 = tpu.matmul %get3A_13, %get3A_16, %dot_general3A {dimension_numbers = #tpu.dot_dimension_numbers<[1], [0], [0], [1], [0, 0, 1, 1], [], []>, precision = #tpu.contract_precision<fp32>, transpose_lhs_hint = false} : vector<1000x128xf32>, vector<128x256xf32>, vector<1000x256xf32> -> vector<1000x256xf32>
    %get3A_18 = arith.constant 0 : index
    %get3A_19 = arith.constant 0 : index
    %get3A_20 = vector.load %arg3[%get3A_18, %get3A_19] : memref<1000x128xf32, #tpu.memory_space<vmem>>, vector<1000x128xf32>
    %get3A_21 = arith.constant 128 : index
    %get3A_22 = arith.constant 0 : index
    %get3A_23 = vector.load %arg5[%get3A_21, %get3A_22] : memref<256x256xf32, #tpu.memory_space<vmem>>, vector<128x256xf32>
    %dot_general3A_24 = arith.constant dense<0.000000e+00> : vector<1000x256xf32>
    %dot_general3A_25 = tpu.matmul %get3A_20, %get3A_23, %dot_general3A_24 {dimension_numbers = #tpu.dot_dimension_numbers<[1], [0], [0], [1], [0, 0, 1, 1], [], []>, precision = #tpu.contract_precision<fp32>, transpose_lhs_hint = false} : vector<1000x128xf32>, vector<128x256xf32>, vector<1000x256xf32> -> vector<1000x256xf32>
    %add3A_26 = arith.addf %dot_general3A_17, %dot_general3A_25 : vector<1000x256xf32>
    %slice3A_27 = vector.extract_strided_slice %add3A {offsets = [0, 0], sizes = [1000, 16], strides = [1, 1]} : vector<1000x128xf32> to vector<1000x16xf32>
    %get3A_28 = arith.constant 0 : index
    %get3A_29 = arith.constant 0 : index
    %get3A_30 = vector.load %arg6[%get3A_28, %get3A_29] : memref<16x256xf32, #tpu.memory_space<vmem>>, vector<16x256xf32>
    %dot_general3A_31 = arith.constant dense<0.000000e+00> : vector<1000x256xf32>
    %dot_general3A_32 = tpu.matmul %slice3A_27, %get3A_30, %dot_general3A_31 {dimension_numbers = #tpu.dot_dimension_numbers<[1], [0], [0], [1], [0, 0, 1, 1], [], []>, precision = #tpu.contract_precision<fp32>, transpose_lhs_hint = false} : vector<1000x16xf32>, vector<16x256xf32>, vector<1000x256xf32> -> vector<1000x256xf32>
    %add3A_33 = arith.addf %add3A_26, %dot_general3A_32 : vector<1000x256xf32>
    %div3A = vector.broadcast %max3A_10 : vector<1000x1xf32> to vector<1000x256xf32>
    %div3A_34 = arith.divf %add3A_33, %div3A : vector<1000x256xf32>
    %get3A_35 = arith.constant 0 : index
    %get3A_36 = arith.constant 0 : index
    %get3A_37 = vector.load %arg1[%get3A_35, %get3A_36] : memref<1000x256xf32, #tpu.memory_space<vmem>>, vector<1000x256xf32>
    %add3A_38 = arith.addf %div3A_34, %get3A_37 : vector<1000x256xf32>
    %swap3A = arith.constant 0 : index
    %swap3A_39 = arith.constant 0 : index
    %swap3A_40 = vector.load %arg7[%swap3A, %swap3A_39] : memref<1000x256xf32, #tpu.memory_space<vmem>>, vector<1000x256xf32>
    tpu.vector_store %arg7[%swap3A, %swap3A_39], %add3A_38 {strides = array<i32>} : memref<1000x256xf32, #tpu.memory_space<vmem>>, vector<1000x256xf32>,
    %reduce_sum3A = arith.constant dense<0.000000e+00> : vector<256xf32>
    %reduce_sum3A_41 = vector.multi_reduction <add>, %add3A_38, %reduce_sum3A [0] : vector<1000x256xf32> to vector<256xf32>
    %broadcast_in_dim3A = vector.shape_cast %reduce_sum3A_41 : vector<256xf32> to vector<1x256xf32>
    %mul3A = arith.mulf %add3A_38, %add3A_38 : vector<1000x256xf32>
    %reduce_sum3A_42 = arith.constant dense<0.000000e+00> : vector<256xf32>
    %reduce_sum3A_43 = vector.multi_reduction <add>, %mul3A, %reduce_sum3A_42 [0] : vector<1000x256xf32> to vector<256xf32>
    %broadcast_in_dim3A_44 = vector.shape_cast %reduce_sum3A_43 : vector<256xf32> to vector<1x256xf32>
    %broadcast_in_dim3A_45 = arith.constant 0.000000e+00 : f32
    %broadcast_in_dim3A_46 = vector.broadcast %broadcast_in_dim3A_45 : f32 to vector<6x256xf32>
    %concatenate3A = tpu.concatenate %broadcast_in_dim3A, %broadcast_in_dim3A_44, %broadcast_in_dim3A_46 in 0 : vector<1x256xf32>, vector<1x256xf32>, vector<6x256xf32> -> vector<8x256xf32>
    %eq3A = arith.constant 0 : i32
    %eq3A_47 = arith.cmpi eq, %arg0, %eq3A : i32
    %convert_element_type3A = arith.extui %eq3A_47 : i1 to i32
    %cond3A = arith.constant 0 : i32
    %cond3A_48 = arith.cmpi ne, %convert_element_type3A, %cond3A : i32
    scf.if %cond3A_48 {
      %swap3A_53 = arith.constant 0 : index
      %swap3A_54 = arith.constant 0 : index
      %swap3A_55 = vector.load %arg8[%swap3A_53, %swap3A_54] : memref<8x256xf32, #tpu.memory_space<vmem>>, vector<8x256xf32>
      tpu.vector_store %arg8[%swap3A_53, %swap3A_54], %concatenate3A {strides = array<i32>} : memref<8x256xf32, #tpu.memory_space<vmem>>, vector<8x256xf32>,
    } else {
    }
    %gt3A = arith.constant 0 : i32
    %gt3A_49 = arith.cmpi sgt, %arg0, %gt3A : i32
    %convert_element_type3A_50 = arith.extui %gt3A_49 : i1 to i32
    %cond3A_51 = arith.constant 0 : i32
    %cond3A_52 = arith.cmpi ne, %convert_element_type3A_50, %cond3A_51 : i32
    scf.if %cond3A_52 {
      %get3A_53 = arith.constant 0 : index
      %get3A_54 = arith.constant 0 : index
      %get3A_55 = vector.load %arg8[%get3A_53, %get3A_54] : memref<8x256xf32, #tpu.memory_space<vmem>>, vector<8x256xf32>
      %add3A_56 = arith.addf %get3A_55, %concatenate3A : vector<8x256xf32>
      %swap3A_57 = arith.constant 0 : index
      %swap3A_58 = arith.constant 0 : index
      %swap3A_59 = vector.load %arg8[%swap3A_57, %swap3A_58] : memref<8x256xf32, #tpu.memory_space<vmem>>, vector<8x256xf32>
      tpu.vector_store %arg8[%swap3A_57, %swap3A_58], %add3A_56 {strides = array<i32>} : memref<8x256xf32, #tpu.memory_space<vmem>>, vector<8x256xf32>,
    } else {
    }
    return
  }
  func.func @transform_0(%arg0: i32) -> (i32, i32) {
    %c0_i32 = arith.constant 0 : i32
    %c0_i32_0 = arith.constant 0 : i32
    return %arg0, %c0_i32 : i32, i32
  }
  func.func @transform_1(%arg0: i32) -> (i32, i32) {
    %c0_i32 = arith.constant 0 : i32
    %c0_i32_0 = arith.constant 0 : i32
    return %arg0, %c0_i32 : i32, i32
  }
  func.func @transform_2(%arg0: i32) -> (i32, i32) {
    %c0_i32 = arith.constant 0 : i32
    %c0_i32_0 = arith.constant 0 : i32
    return %arg0, %c0_i32 : i32, i32
  }
  func.func @transform_3(%arg0: i32) -> (i32, i32, i32) {
    %c0_i32 = arith.constant 0 : i32
    %c0_i32_0 = arith.constant 0 : i32
    %c0_i32_1 = arith.constant 0 : i32
    return %c0_i32, %arg0, %c0_i32_0 : i32, i32, i32
  }
  func.func @transform_4(%arg0: i32) -> (i32, i32) {
    %c0_i32 = arith.constant 0 : i32
    %c0_i32_0 = arith.constant 0 : i32
    %c0_i32_1 = arith.constant 0 : i32
    return %c0_i32, %c0_i32_0 : i32, i32
  }
  func.func @transform_5(%arg0: i32) -> (i32, i32) {
    %c0_i32 = arith.constant 0 : i32
    %c0_i32_0 = arith.constant 0 : i32
    %c0_i32_1 = arith.constant 0 : i32
    return %c0_i32, %c0_i32_0 : i32, i32
  }
  func.func @transform_6(%arg0: i32) -> (i32, i32) {
    %c0_i32 = arith.constant 0 : i32
    %c0_i32_0 = arith.constant 0 : i32
    return %arg0, %c0_i32 : i32, i32
  }
  func.func @transform_7(%arg0: i32) -> (i32, i32) {
    %c0_i32 = arith.constant 0 : i32
    %c0_i32_0 = arith.constant 0 : i32
    %c0_i32_1 = arith.constant 0 : i32
    return %c0_i32, %c0_i32_0 : i32, i32
  }
}

module attributes {stable_mosaic.version = 14 : i64} {
  func.func @_tc_b_body(%arg0: i32, %arg1: memref<1000x256xf32, #tpu.memory_space<vmem>>, %arg2: memref<1000x256xf32, #tpu.memory_space<vmem>>, %arg3: memref<8x256xf32, #tpu.memory_space<vmem>>, %arg4: memref<8x256xf32, #tpu.memory_space<vmem>>, %arg5: memref<1x256xf32, #tpu.memory_space<vmem>>, %arg6: memref<1x256xf32, #tpu.memory_space<vmem>>, %arg7: memref<1x256xf32, #tpu.memory_space<vmem>>, %arg8: memref<1x256xf32, #tpu.memory_space<vmem>>, %arg9: memref<1x1xf32, #tpu.memory_space<vmem>>, %arg10: memref<1000x256xf32, #tpu.memory_space<vmem>>) attributes {dimension_semantics = [#tpu.dimension_semantics<arbitrary>], iteration_bounds = array<i64: 10>, scalar_prefetch = 0 : i64, scratch_operands = 0 : i64, tpu.core_type = #tpu.core_type<tc>, window_params = [{transform_indices = @transform_0, window_bounds = array<i64: 1000, 256>}, {transform_indices = @transform_1, window_bounds = array<i64: 1000, 256>}, {pipeline_mode = #tpu.pipeline_mode<synchronous>, transform_indices = @transform_2, window_bounds = array<i64: 8, 256>}, {pipeline_mode = #tpu.pipeline_mode<synchronous>, transform_indices = @transform_3, window_bounds = array<i64: 8, 256>}, {pipeline_mode = #tpu.pipeline_mode<synchronous>, transform_indices = @transform_4, window_bounds = array<i64: 1, 256>}, {pipeline_mode = #tpu.pipeline_mode<synchronous>, transform_indices = @transform_5, window_bounds = array<i64: 1, 256>}, {pipeline_mode = #tpu.pipeline_mode<synchronous>, transform_indices = @transform_6, window_bounds = array<i64: 1, 256>}, {pipeline_mode = #tpu.pipeline_mode<synchronous>, transform_indices = @transform_7, window_bounds = array<i64: 1, 256>}, {pipeline_mode = #tpu.pipeline_mode<synchronous>, transform_indices = @transform_8, window_bounds = array<i64: 1, 1>}, {transform_indices = @transform_9, window_bounds = array<i64: 1000, 256>}]} {
    %get3A = arith.constant 0 : index
    %get3A_0 = arith.constant 0 : index
    %get3A_1 = vector.load %arg3[%get3A, %get3A_0] : memref<8x256xf32, #tpu.memory_space<vmem>>, vector<8x256xf32>
    %get3A_2 = arith.constant 0 : index
    %get3A_3 = arith.constant 0 : index
    %get3A_4 = vector.load %arg4[%get3A_2, %get3A_3] : memref<8x256xf32, #tpu.memory_space<vmem>>, vector<8x256xf32>
    %slice3A = vector.extract_strided_slice %get3A_1 {offsets = [0, 0], sizes = [1, 256], strides = [1, 1]} : vector<8x256xf32> to vector<1x256xf32>
    %mul3A = arith.constant 9.99999974E-5 : f32
    %mul3A_5 = vector.broadcast %mul3A : f32 to vector<1x256xf32>
    %mul3A_6 = arith.mulf %slice3A, %mul3A_5 : vector<1x256xf32>
    %slice3A_7 = vector.extract_strided_slice %get3A_1 {offsets = [1, 0], sizes = [1, 256], strides = [1, 1]} : vector<8x256xf32> to vector<1x256xf32>
    %mul3A_8 = arith.constant 9.99999974E-5 : f32
    %mul3A_9 = vector.broadcast %mul3A_8 : f32 to vector<1x256xf32>
    %mul3A_10 = arith.mulf %slice3A_7, %mul3A_9 : vector<1x256xf32>
    %mul3A_11 = arith.mulf %mul3A_6, %mul3A_6 : vector<1x256xf32>
    %sub3A = arith.subf %mul3A_10, %mul3A_11 : vector<1x256xf32>
    %slice3A_12 = vector.extract_strided_slice %get3A_4 {offsets = [0, 0], sizes = [1, 256], strides = [1, 1]} : vector<8x256xf32> to vector<1x256xf32>
    %mul3A_13 = arith.constant 9.99999974E-5 : f32
    %mul3A_14 = vector.broadcast %mul3A_13 : f32 to vector<1x256xf32>
    %mul3A_15 = arith.mulf %slice3A_12, %mul3A_14 : vector<1x256xf32>
    %slice3A_16 = vector.extract_strided_slice %get3A_4 {offsets = [1, 0], sizes = [1, 256], strides = [1, 1]} : vector<8x256xf32> to vector<1x256xf32>
    %mul3A_17 = arith.constant 9.99999974E-5 : f32
    %mul3A_18 = vector.broadcast %mul3A_17 : f32 to vector<1x256xf32>
    %mul3A_19 = arith.mulf %slice3A_16, %mul3A_18 : vector<1x256xf32>
    %mul3A_20 = arith.mulf %mul3A_15, %mul3A_15 : vector<1x256xf32>
    %sub3A_21 = arith.subf %mul3A_19, %mul3A_20 : vector<1x256xf32>
    %get3A_22 = arith.constant 0 : index
    %get3A_23 = arith.constant 0 : index
    %get3A_24 = vector.load %arg1[%get3A_22, %get3A_23] : memref<1000x256xf32, #tpu.memory_space<vmem>>, vector<1000x256xf32>
    %sub3A_25 = vector.broadcast %mul3A_6 : vector<1x256xf32> to vector<1000x256xf32>
    %sub3A_26 = arith.subf %get3A_24, %sub3A_25 : vector<1000x256xf32>
    %add3A = arith.constant 9.99999974E-6 : f32
    %add3A_27 = vector.broadcast %add3A : f32 to vector<1x256xf32>
    %add3A_28 = arith.addf %sub3A, %add3A_27 : vector<1x256xf32>
    %rsqrt3A = math.rsqrt %add3A_28 : vector<1x256xf32>
    %mul3A_29 = vector.broadcast %rsqrt3A : vector<1x256xf32> to vector<1000x256xf32>
    %mul3A_30 = arith.mulf %sub3A_26, %mul3A_29 : vector<1000x256xf32>
    %get3A_31 = arith.constant 0 : index
    %get3A_32 = arith.constant 0 : index
    %get3A_33 = vector.load %arg5[%get3A_31, %get3A_32] : memref<1x256xf32, #tpu.memory_space<vmem>>, vector<1x256xf32>
    %mul3A_34 = vector.broadcast %get3A_33 : vector<1x256xf32> to vector<1000x256xf32>
    %mul3A_35 = arith.mulf %mul3A_30, %mul3A_34 : vector<1000x256xf32>
    %get3A_36 = arith.constant 0 : index
    %get3A_37 = arith.constant 0 : index
    %get3A_38 = vector.load %arg6[%get3A_36, %get3A_37] : memref<1x256xf32, #tpu.memory_space<vmem>>, vector<1x256xf32>
    %add3A_39 = vector.broadcast %get3A_38 : vector<1x256xf32> to vector<1000x256xf32>
    %add3A_40 = arith.addf %mul3A_35, %add3A_39 : vector<1000x256xf32>
    %get3A_41 = arith.constant 0 : index
    %get3A_42 = arith.constant 0 : index
    %get3A_43 = vector.load %arg9[%get3A_41, %get3A_42] : memref<1x1xf32, #tpu.memory_space<vmem>>, vector<1x1xf32>
    %get3A_44 = vector.extract %get3A_43[0, 0] : f32 from vector<1x1xf32>
    %gt3A = arith.constant 0.000000e+00 : f32
    %gt3A_45 = vector.broadcast %gt3A : f32 to vector<1000x256xf32>
    %gt3A_46 = arith.cmpf ogt, %add3A_40, %gt3A_45 : vector<1000x256xf32>
    %mul3A_47 = vector.broadcast %get3A_44 : f32 to vector<1000x256xf32>
    %mul3A_48 = arith.mulf %mul3A_47, %add3A_40 : vector<1000x256xf32>
    %select_n3A = arith.select %gt3A_46, %add3A_40, %mul3A_48 : vector<1000x256xi1>, vector<1000x256xf32>
    %get3A_49 = arith.constant 0 : index
    %get3A_50 = arith.constant 0 : index
    %get3A_51 = vector.load %arg2[%get3A_49, %get3A_50] : memref<1000x256xf32, #tpu.memory_space<vmem>>, vector<1000x256xf32>
    %sub3A_52 = vector.broadcast %mul3A_15 : vector<1x256xf32> to vector<1000x256xf32>
    %sub3A_53 = arith.subf %get3A_51, %sub3A_52 : vector<1000x256xf32>
    %add3A_54 = arith.constant 9.99999974E-6 : f32
    %add3A_55 = vector.broadcast %add3A_54 : f32 to vector<1x256xf32>
    %add3A_56 = arith.addf %sub3A_21, %add3A_55 : vector<1x256xf32>
    %rsqrt3A_57 = math.rsqrt %add3A_56 : vector<1x256xf32>
    %mul3A_58 = vector.broadcast %rsqrt3A_57 : vector<1x256xf32> to vector<1000x256xf32>
    %mul3A_59 = arith.mulf %sub3A_53, %mul3A_58 : vector<1000x256xf32>
    %get3A_60 = arith.constant 0 : index
    %get3A_61 = arith.constant 0 : index
    %get3A_62 = vector.load %arg7[%get3A_60, %get3A_61] : memref<1x256xf32, #tpu.memory_space<vmem>>, vector<1x256xf32>
    %mul3A_63 = vector.broadcast %get3A_62 : vector<1x256xf32> to vector<1000x256xf32>
    %mul3A_64 = arith.mulf %mul3A_59, %mul3A_63 : vector<1000x256xf32>
    %get3A_65 = arith.constant 0 : index
    %get3A_66 = arith.constant 0 : index
    %get3A_67 = vector.load %arg8[%get3A_65, %get3A_66] : memref<1x256xf32, #tpu.memory_space<vmem>>, vector<1x256xf32>
    %add3A_68 = vector.broadcast %get3A_67 : vector<1x256xf32> to vector<1000x256xf32>
    %add3A_69 = arith.addf %mul3A_64, %add3A_68 : vector<1000x256xf32>
    %add3A_70 = arith.addf %select_n3A, %add3A_69 : vector<1000x256xf32>
    %swap3A = arith.constant 0 : index
    %swap3A_71 = arith.constant 0 : index
    %swap3A_72 = vector.load %arg10[%swap3A, %swap3A_71] : memref<1000x256xf32, #tpu.memory_space<vmem>>, vector<1000x256xf32>
    tpu.vector_store %arg10[%swap3A, %swap3A_71], %add3A_70 {strides = array<i32>} : memref<1000x256xf32, #tpu.memory_space<vmem>>, vector<1000x256xf32>,
    return
  }
  func.func @transform_0(%arg0: i32) -> (i32, i32) {
    %c0_i32 = arith.constant 0 : i32
    %c0_i32_0 = arith.constant 0 : i32
    return %arg0, %c0_i32 : i32, i32
  }
  func.func @transform_1(%arg0: i32) -> (i32, i32) {
    %c0_i32 = arith.constant 0 : i32
    %c0_i32_0 = arith.constant 0 : i32
    return %arg0, %c0_i32 : i32, i32
  }
  func.func @transform_2(%arg0: i32) -> (i32, i32) {
    %c0_i32 = arith.constant 0 : i32
    %c0_i32_0 = arith.constant 0 : i32
    %c0_i32_1 = arith.constant 0 : i32
    return %c0_i32, %c0_i32_0 : i32, i32
  }
  func.func @transform_3(%arg0: i32) -> (i32, i32) {
    %c0_i32 = arith.constant 0 : i32
    %c0_i32_0 = arith.constant 0 : i32
    %c0_i32_1 = arith.constant 0 : i32
    return %c0_i32, %c0_i32_0 : i32, i32
  }
  func.func @transform_4(%arg0: i32) -> (i32, i32) {
    %c0_i32 = arith.constant 0 : i32
    %c0_i32_0 = arith.constant 0 : i32
    %c0_i32_1 = arith.constant 0 : i32
    return %c0_i32, %c0_i32_0 : i32, i32
  }
  func.func @transform_5(%arg0: i32) -> (i32, i32) {
    %c0_i32 = arith.constant 0 : i32
    %c0_i32_0 = arith.constant 0 : i32
    %c0_i32_1 = arith.constant 0 : i32
    return %c0_i32, %c0_i32_0 : i32, i32
  }
  func.func @transform_6(%arg0: i32) -> (i32, i32) {
    %c0_i32 = arith.constant 0 : i32
    %c0_i32_0 = arith.constant 0 : i32
    %c0_i32_1 = arith.constant 0 : i32
    return %c0_i32, %c0_i32_0 : i32, i32
  }
  func.func @transform_7(%arg0: i32) -> (i32, i32) {
    %c0_i32 = arith.constant 0 : i32
    %c0_i32_0 = arith.constant 0 : i32
    %c0_i32_1 = arith.constant 0 : i32
    return %c0_i32, %c0_i32_0 : i32, i32
  }
  func.func @transform_8(%arg0: i32) -> (i32, i32) {
    %c0_i32 = arith.constant 0 : i32
    %c0_i32_0 = arith.constant 0 : i32
    %c0_i32_1 = arith.constant 0 : i32
    return %c0_i32, %c0_i32_0 : i32, i32
  }
  func.func @transform_9(%arg0: i32) -> (i32, i32) {
    %c0_i32 = arith.constant 0 : i32
    %c0_i32_0 = arith.constant 0 : i32
    return %arg0, %c0_i32 : i32, i32
  }
}

</mosaic_0001>

<sc_bundles>
// kernel: kernel.10.cloned.1.call-start
scs
__scs_entry_jumppad:
0x0: {  	(pc) =	sbr.rel $0x88, $3  }
0x1: {  	(tag) =	ssettag $0x0;
	lr =	simm.s32 $0x1  }
0x2: {  	[smem:$0x3F94] =	sst lr;
	_ =	strace $0xD0000000  }
0x3: {  	_ = 	snop  }
0x4: {  	_ = 	snop  }
0x5: {  	_ = 	snop  }
0x6: {  	_ = 	snop  }
0x7: {  	_ = 	snop  }
__scs_overlays_trampoline_lowered:
0x8: {  	[smem:$0x3FA3] =	sst s0  }
0x9: {  	[smem:$0x3FA4] =	sst s1  }
0xa: {  	[smem:$0x3FA5] =	sst s2  }
0xb: {  	[smem:$0x3FA6] =	sst s3  }
0xc: {  	[smem:$0x3FA7] =	sst s4  }
0xd: {  	[smem:$0x3FA8] =	sst s5  }
0xe: {  	[smem:$0x3FA9] =	sst s6  }
0xf: {  	[smem:$0x3FAA] =	sst s7  }
0x10: {  	[smem:$0x3FAB] =	sst s8  }
0x11: {  	[smem:$0x3FAC] =	sst s9;
	s0 =	simm.s32 @!p0 $0x0  }
0x12: {  	s1 =	sld [smem:$0x3F92];
	s0 =	simm.s32 @p0 $0x1  }
0x13: {  	[smem:$0x3FAD] =	sst s0;
	s0 =	simm.s32 @!p1 $0x0  }
0x14: {  	s2 =	sld [smem:$0x3F91];
	s0 =	simm.s32 @p1 $0x1  }
0x15: {  	[smem:$0x3FAE] =	sst s0;
	s0 =	simm.s32 @!p2 $0x0  }
0x16: {  	s3 =	sld [smem:$0x3FDB];
	s0 =	simm.s32 @p2 $0x1  }
0x17: {  	s4 =	simm.s32 $0x1BF5;
	[smem:$0x3FB0] =	sst s0  }
0x18: {  	s0 =	sld [smem:$0x3F93];
	_ =	swait.ge [sflag:s4], $0x0  }
0x19: {  	s7 =	sld [smem:$0x3F94]  }
0x1a: {  	s8 =	sadd.s32 $0xFFFFE003, lr  }
0x1b: {  	s9 =	sadd.s32 $0xFFFFFEF7, lr;
	s5 =	simm.s32 $0xFFFFFFFF;
	p2 =	slt.u32 s8, $0xFFFFF086  }
0x1c: {  	p1 =	slt.u32 s9, $0xF7A;
	s5 =	simm.s32 @!p2 $0x0  }
0x1d: {  	s5 =	simm.s32 @p1 $0x1;
	p0 =	seq.s32 s7, s2  }
0x1e: {  	s7 =	smul.u32 @!p0 $0xF7A, s2;
	p2 =	seq.s32 @!p0 s5, $0x0  }
0x1f: {  	s9 =	smul.u32 $0xF7A, s1;
	s8 =	simm.s32 @!p0 $0x1BF5;
	p2 =	por !p2, p0  }
0x20: {  	[sflag:s8] =	ssyncset.s32 @!p0 $0xFFFFF086;
	s6 =	sadd.s32 @!p0 s3, s7;
	s7 =	simm.s32 @!p0 $0x108  }
0x21: {  	s3 =	sadd.s32 s3, s9;
	s6 =	sadd.s32 @!p0 $0x88, s6;
	s7 =	simm.s32 @p2 $0x1082  }
0x22: {  	[simem:s7], [sflag:s8] =	dma.local @!p0 [hbm:s6], $0xF7A  }
0x23: {  	s9 =	sor.u32 $0xD0000000, s2;
	s6 =	simm.s32 $0x108;
	_ =	swait.ge @!p0 [sflag:s8], $0x0  }
0x24: {  	s3 =	sadd.s32 $0x88, s3;
	s6 =	simm.s32 @!p1 $0x1082;
	[sflag:s4] =	ssyncset.s32 $0xFFFFF086  }
0x25: {  	[simem:s6], [sflag:s4] =	dma.local [hbm:s3], $0xF7A  }
0x26: {  	[smem:$0x3F94] =	sst s1;
	(tag) =	ssettag s2;
	_ =	strace s9  }
0x27: {  	s1 =	sld [smem:$0x3FA4]  }
0x28: {  	s2 =	sld [smem:$0x3FA5]  }
0x29: {  	s4 =	sld [smem:$0x3FA7]  }
0x2a: {  	p0 =	seq.s32 s5, $0x0;
	s5 =	sld [smem:$0x3FA8]  }
0x2b: {  	s6 =	sld [smem:$0x3FA9]  }
0x2c: {  	s7 =	sld [smem:$0x3FAA]  }
0x2d: {  	s3 =	simm.s32 $0x108;
	s8 =	sld [smem:$0x3FAB]  }
0x2e: {  	s3 =	simm.s32 @!p0 $0x1082;
	s9 =	sld [smem:$0x3FAC]  }
0x2f: {  	lr =	sadd.s32 s0, s3;
	s0 =	sld [smem:$0x3FA3]  }
0x30: {  	s3 =	sld [smem:$0x3FA6]  }
0x31: {  	[smem:$0x3FAF] =	sst s10  }
0x32: {  	s10 =	sld [smem:$0x3FAD];
	_ =	sdelay $0x3  }
0x33: {  	p0 =	seq.s32 s10, $0x1;
	s10 =	sld [smem:$0x3FAF];
	_ =	sdelay $0x3  }
0x34: {  	[smem:$0x3FAF] =	sst s10  }
0x35: {  	s10 =	sld [smem:$0x3FAE];
	_ =	sdelay $0x3  }
0x36: {  	p1 =	seq.s32 s10, $0x1;
	s10 =	sld [smem:$0x3FAF];
	_ =	sdelay $0x3  }
0x37: {  	[smem:$0x3FAF] =	sst s10  }
0x38: {  	s10 =	sld [smem:$0x3FB0]  }
0x39: {  	_ = 	snop;
	(pc) =	sbr.ind lr, $3  }
0x3a: {  	_ = 	snop  }
0x3b: {  	_ = 	snop  }
0x3c: {  	p2 =	seq.s32 s10, $0x1;
	s10 =	sld [smem:$0x3FAF]  }
0x3d: {  	_ =	shalt  }
0x3e: {  	_ =	shalt  }
0x3f: {  	_ =	shalt  }
0x40: {  	_ =	shalt  }
0x41: {  	_ =	shalt  }
0x42: {  	_ =	shalt  }
0x43: {  	_ =	shalt  }
0x44: {  	_ =	shalt  }
0x45: {  	_ =	shalt  }
0x46: {  	_ =	shalt  }
0x47: {  	_ =	shalt  }
0x48: {  	_ =	shalt  }
0x49: {  	_ =	shalt  }
0x4a: {  	_ =	shalt  }
0x4b: {  	_ =	shalt  }
0x4c: {  	_ =	shalt  }
0x4d: {  	_ =	shalt  }
0x4e: {  	_ =	shalt  }
0x4f: {  	_ =	shalt  }
0x50: {  	_ =	shalt  }
0x51: {  	_ =	shalt  }
0x52: {  	_ =	shalt  }
0x53: {  	_ =	shalt  }
0x54: {  	_ =	shalt  }
0x55: {  	_ =	shalt  }
0x56: {  	_ =	shalt  }
0x57: {  	_ =	shalt  }
0x58: {  	_ =	shalt  }
0x59: {  	_ =	shalt  }
0x5a: {  	_ =	shalt  }
0x5b: {  	_ =	shalt  }
0x5c: {  	_ =	shalt  }
0x5d: {  	_ =	shalt  }
0x5e: {  	_ =	shalt  }
0x5f: {  	_ =	shalt  }
0x60: {  	_ =	shalt  }
0x61: {  	_ =	shalt  }
0x62: {  	_ =	shalt  }
0x63: {  	_ =	shalt  }
0x64: {  	_ =	shalt  }
0x65: {  	_ =	shalt  }
0x66: {  	_ =	shalt  }
0x67: {  	_ =	shalt  }
0x68: {  	_ =	shalt  }
0x69: {  	_ =	shalt  }
0x6a: {  	_ =	shalt  }
0x6b: {  	_ =	shalt  }
0x6c: {  	_ =	shalt  }
0x6d: {  	_ =	shalt  }
0x6e: {  	_ =	shalt  }
0x6f: {  	_ =	shalt  }
0x70: {  	_ =	shalt  }
0x71: {  	_ =	shalt  }
0x72: {  	_ =	shalt  }
0x73: {  	_ =	shalt  }
0x74: {  	_ =	shalt  }
0x75: {  	_ =	shalt  }
0x76: {  	_ =	shalt  }
0x77: {  	_ =	shalt  }
0x78: {  	_ =	shalt  }
0x79: {  	_ =	shalt  }
0x7a: {  	_ =	shalt  }
0x7b: {  	_ =	shalt  }
0x7c: {  	_ =	shalt  }
0x7d: {  	_ =	shalt  }
0x7e: {  	_ =	shalt  }
0x7f: {  	_ =	shalt  }
0x80: {  	_ =	shalt  }
0x81: {  	_ =	shalt  }
0x82: {  	_ =	shalt  }
0x83: {  	_ =	shalt  }
0x84: {  	_ =	shalt  }
0x85: {  	_ =	shalt  }
0x86: {  	_ =	shalt  }
0x87: {  	_ =	shalt  }
.Lfunc_end0:
.L_simem_size_0:
called_computation.1_lowered:
.L_overlay_start_0:
0x88: {  	s2 =	sld [smem:$0x3FD9]  }
0x89: {  	s3 =	sld [smem:$0x3FFE];
	_ =	sdelay $0x1  }
0x8a: {  	s1 =	srdreg.scid  }
0x8b: {  	s0 =	sand.u32 $0x1, s1  }
0x8c: {  	s17 =	sshll.u32 s0, $0xA;
	s2 =	sadd.s32 s3, s2  }
0x8d: {  	s2 =	sadd.s32 s2, s17  }
0x8e: {  	[smem:$0x3FBB] =	sst s2  }
0x8f: {  	_ = 	snop  }
0x90: {  	(tm) =	ssettm $0x1  }
0x91: {  	s18 =	sld [smem:$0x3FFB];
	_ =	sdelay $0x3  }
0x92: {  	_ =	strace s18  }
0x93: {  	s2 =	sld [smem:$0x3FFC];
	_ =	sdelay $0x3  }
0x94: {  	_ =	strace s2  }
0x95: {  	s2 =	sld [smem:$0x3FFD];
	_ =	sdelay $0x3  }
0x96: {  	_ =	strace s2  }
0x97: {  	_ =	strace $0x8FFFFFFF  }
0x98: {  	s19 =	sld [smem:$0x3FDB];
	_ =	sdelay $0x1  }
0x99: {  	s20 =	simm.s32 $_scs_section_size  }
0x9a: {  	s4 =	simm.s32 $_size__tile_overlayer_lowered;
	s5 =	simm.s32 $_tile_overlayer_lowered  }
0x9b: {  	s6 =	simm.s32 $0x1BFF;
	s21 =	sshll.u32 s5, $0x1;
	s3 =	sadd.s32 s20, s19  }
0x9c: {  	s22 =	simm.s32 $0x0;
	s4 =	sshll.u32 s4, $0x1;
	s5 =	sadd.s32 s21, s3  }
0x9d: {  	[timem:s22], [sflag:s6] =	dma.local [hbm:s5], s4  }
0x9e: {  	_ =	swait.ge [sflag:s6], s4  }
0x9f: {  	s4 =	ssub.s32 $0x0, s4;
	[sflag:s6] =	ssyncset.done $0x0  }
0xa0: {  	[sflag:s6] =	ssyncadd.s32 s4;
	_ =	sdelay $0x1  }
0xa1: {  	s23 =	simm.s32 $0x1B8B  }
0xa2: {  	_ =	swait.ge [sflag:s23], $0x1  }
0xa3: {  	[sflag:s23] =	ssyncset.done $0x0  }
0xa4: {  	[sflag:s23] =	ssyncadd.s32 $0xFFFFFFFF  }
0xa5: {  	s4 =	sld [smem:$0x0]  }
0xa6: {  	s5 =	sand.u32 $0xFFFFFFFE, s1  }
0xa7: {  	p0 =	sne.s32 s1, s5  }
0xa8: {  	s5 =	sshll.u32 @p0 s5, $0xE  }
0xa9: {  	s5 =	sadd.s32 @p0 $0x11B8D, s5;
	s6 =	sshll.u32 @p0 s4, $0x11  }
0xaa: {  	s5 =	sor.u32 @p0 s6, s5  }
0xab: {  	[sflag:s5] =	ssyncadd.remote.s32 @p0 $0x1;
	_ =	sdelay $0x1  }
0xac: {  	s5 =	simm.s32 @p0 $0x1B8D  }
0xad: {  	_ =	swait.eq @p0 [sflag:s5], $0x1  }
0xae: {  	[sflag:s5] =	ssyncadd.s32 @p0 $0xFFFFFFFF  }
0xaf: {  	s6 =	sshll.u32 @!p0 s1, $0xE  }
0xb0: {  	s6 =	sor.u32 @!p0 $0x4000, s6;
	s5 =	simm.s32 @!p0 $0x1B8D  }
0xb1: {  	s4 =	sshll.u32 @!p0 s4, $0x11;
	s6 =	sadd.s32 @!p0 $0x11B8D, s6;
	_ =	swait.eq @!p0 [sflag:s5], $0x1  }
0xb2: {  	s4 =	sor.u32 @!p0 s4, s6;
	[sflag:s5] =	ssyncadd.s32 @!p0 $0xFFFFFFFF  }
0xb3: {  	s25 =	simm.s32 $0x1B8E;
	s24 =	sld [smem:$0x3FFE];
	[sflag:s4] =	ssyncadd.remote.s32 @!p0 $0x1  }
0xb4: {  	s26 =	simm.s32 $execute0_lowered;
	[smem:$0x3FD2] =	sst s25  }
0xb5: {  	s5 =	sshll.u32 s26, $0x1;
	_ =	strace $0x80000049;
	[dreg:$0x1] =	wrdreg $0xFFFFFFFF  }
0xb6: {  	s28 =	simm.s32 $_size_execute0_lowered;
	s3 =	sadd.s32 s3, s5;
	[dreg:$0x0] =	wrdreg $0x0  }
0xb7: {  	s5 =	sshll.u32 s28, $0x1;
	[dreg:$0x2] =	wrdreg s3  }
0xb8: {  	[dreg:$0x3] =	wrdreg s5  }
0xb9: {  	[dreg:$0x4] =	wrdreg $0xC0  }
0xba: {  	_ =	task [dreg:s22], $0x5FFFF  }
0xbb: {  	[dreg:$0x1] =	wrdreg $0xFFFFFFFF  }
0xbc: {  	[dreg:$0x0] =	wrdreg $0x60  }
0xbd: {  	[dreg:$0x2] =	wrdreg s24  }
0xbe: {  	[dreg:$0x3] =	wrdreg $0x64000  }
0xbf: {  	[dreg:$0x4] =	wrdreg $0xA  }
0xc0: {  	_ =	task.clear_ibuf [dreg:s22], $0x5FFFF;
	_ =	strace $0x90000049  }
0xc1: {  	s29 =	simm.s32 $0xA;
	_ =	strace $0x8000004B  }
0xc2: {  	_ =	swait.ge [sflag:s29], $0x1  }
0xc3: {  	[sflag:s29] =	ssyncadd.s32 $0xFFFFFFFF  }
0xc4: {  	_ =	strace $0x9000004B  }
0xc5: {  	_ =	sfence  }
0xc6: {  	s30 =	sld [smem:$0x0];
	_ =	sdelay $0x2  }
0xc7: {  	s31 =	sshll.u32 s1, $0xD;
	s1 =	sshrl.u32 s1, $0x2  }
0xc8: {  	s4 =	sand.u32 $0x4000, s31;
	s1 =	sadd.s32 s1, s30  }
0xc9: {  	s0 =	sor.u32 s4, s0;
	s1 =	sshll.u32 s1, $0x11  }
0xca: {  	s0 =	sor.u32 s1, s0  }
0xcb: {  	s0 =	sadd.s32 $0x8F2B, s0  }
0xcc: {  	[sflag:s0] =	ssyncadd.remote.s32 $0x1  }
0xcd: {  	_ =	sfence.sel $0xFFFF  }
0xce: {  	[dreg:$0x0] =	wrdreg $0xFFFFFFFF;
	(pc) =	sbr.abs _section_cstart, $3  }
0xcf: {  	[dreg:$0x1] =	wrdreg $0xFFFFFFFF  }
0xd0: {  	_ =	task.clear_ibuf [dreg:s22], $0x2FFFF;
	_ =	strace $0x9FFFFFFF  }
0xd1: {  	(tm) =	ssettm $0x7FFFFFFF  }
tec
execute0_lowered:
.L_overlay_start_1:
0x0: {  	(tag) =	ssettag $0x1  }
0x1: {  	s1 =	srdreg.scid  }
0x2: {  	s0 =	stileid.u32;
	s5 =	rddreg [dreg:$0x0]  }
0x3: {  	s3 =	simm.s32 $0x0;
	s17 =	simm.s32 $0x2400;
	s18 =	simm.s32 $0x3  }
0x4: {  	s19 =	simm.s32 $0x1400;
	s20 =	simm.s32 $0x1C00;
	s21 =	simm.s32 $0x1  }
0x5: {  	s22 =	simm.s32 $0x80;
	s23 =	simm.s32 $0x2;
	s8 =	smul.u32 $0x14000, s0  }
0x6: {  	s1 =	sand.u32 $0x1, s1;
	s2 =	sshll.u32 s0, $0x1;
	s30 =	smul.u32 $0x50000, s0  }
0x7: {  	[smem:$0x7FF] =	sst s3;
	s6 =	sor.u32 s1, s2;
	s7 =	smul.u32 $0x140000, s1  }
0x8: {  	s26 =	simm.s32 $0x0;
	s2 =	rddreg [dreg:$0x1];
	s4 =	smul.u32 $0x280, s6  }
0x9: {  	_ =	strace $0x8000004A;
	s1 =	ssub.s32 $0x2, s1;
	s11 =	smul.u32 $0x2800, s6  }
0xa: {  	s10 =	sshrl.u32 s1, $0x1;
	s31 =	smul.u32 $0x28, s6;
	s29 =	sadd.s32 s8, s7  }
0xb: {  	s1 =	ssub.s32 s1, s10;
	s7 =	sshrl.u32 s30, $0x2;
	s9 =	sadd.s32 s4, s5  }
0xc: {  	s8 =	sshrl.u32 s29, $0x3;
	s4 =	sadd.s32 $0xAB800, s5;
	s6 =	sadd.s32 s7, s2  }
0xd: {  	s10 =	sor.u32 $0x3, s31;
	s12 =	sadd.s32 s8, s5;
	s5 =	sadd.s32 s4, s11  }
0xe: {  	s7 =	sadd.s32 $0x56800, s9;
	s9 =	sor.u32 $0x2, s31;
	s13 =	sadd.s32 $0x4000, s6  }
0xf: {  	v0 =	vimm.f32 $0.0e+00;
	vm0 =	vcmask $0x300;
	s14 =	sadd.s32 $0x8000, s6;
	s15 =	sadd.s32 $0xC000, s6;
	s16 =	sadd.s32 $0x10000, s6  }
0x10: {  	v1 =	vsel vm0, $0x3F800000, v0;
	s8 =	sadd.s32 $0x100, s5;
	s11 =	sadd.s32 $0xFB800, s12;
	s12 =	smax.u32 s1, $0x1  }
.LBB2_1:
0x11: {  	s1 =	simm.s32 $0x0;
	s24 =	simm.s32 $0x200  }
.LBB2_2:
0x12: {  	p0 =	sne.s32 s24, $0xFE00;
	[tilespmem:s1+$0x2470] =	vst v0  }
0x13: {  	[tilespmem:s1+$0x2400] =	vst v0  }
0x14: {  	[tilespmem:s1+$0x2410] =	vst v0  }
.Ltmp0:
0x15: {  	[tilespmem:s1+$0x2420] =	vst v0;
	(pc) =	sbr.rel @p0 .LBB2_2-.Ltmp0, $4  }
0x16: {  	[tilespmem:s1+$0x2430] =	vst v0  }
0x17: {  	[tilespmem:s1+$0x2440] =	vst v0  }
0x18: {  	[tilespmem:s1+$0x2450] =	vst v0  }
0x19: {  	[tilespmem:s1+$0x2460] =	vst v0;
	s1 =	sshra.s32 s24, $0x2;
	s24 =	sadd.s32 $0x200, s24  }
0x1a: {  	[tilespmem:s1+$0x2470] =	vst v0  }
0x1b: {  	[tilespmem:s1+$0x2400] =	vst v0  }
0x1c: {  	[tilespmem:s1+$0x2410] =	vst v0  }
0x1d: {  	[tilespmem:s1+$0x2420] =	vst v0  }
0x1e: {  	[tilespmem:s1+$0x2430] =	vst v0  }
0x1f: {  	[tilespmem:s1+$0x2440] =	vst v0  }
0x20: {  	[tilespmem:s1+$0x2450] =	vst v0  }
0x21: {  	[tilespmem:s1+$0x2460] =	vst v0  }
0x22: {  	[spmem:s6] =	stream.linear.scatter [tilespmem:s17], [sflag:$0x3], $0x4000, $0x38;
	[tilespmem:$0x1A400] =	vst v63  }
0x23: {  	_ =	swait.ge [sflag:s18], $0x4000  }
0x24: {  	[sflag:s18] =	ssyncset.done $0x0  }
0x25: {  	[sflag:s18] =	ssyncadd.s32 $0xFFFFC000  }
0x26: {  	[spmem:s13] =	stream.linear.scatter [tilespmem:s17], [sflag:$0x3], $0x4000, $0x38;
	[tilespmem:$0x1A400] =	vst v63  }
0x27: {  	_ =	swait.ge [sflag:s18], $0x4000  }
0x28: {  	[sflag:s18] =	ssyncset.done $0x0  }
0x29: {  	[sflag:s18] =	ssyncadd.s32 $0xFFFFC000  }
0x2a: {  	[spmem:s14] =	stream.linear.scatter [tilespmem:s17], [sflag:$0x3], $0x4000, $0x38;
	[tilespmem:$0x1A400] =	vst v63  }
0x2b: {  	_ =	swait.ge [sflag:s18], $0x4000  }
0x2c: {  	[sflag:s18] =	ssyncset.done $0x0  }
0x2d: {  	[sflag:s18] =	ssyncadd.s32 $0xFFFFC000  }
0x2e: {  	[spmem:s15] =	stream.linear.scatter [tilespmem:s17], [sflag:$0x3], $0x4000, $0x38;
	[tilespmem:$0x1A400] =	vst v63  }
0x2f: {  	_ =	swait.ge [sflag:s18], $0x4000  }
0x30: {  	[sflag:s18] =	ssyncset.done $0x0  }
0x31: {  	[sflag:s18] =	ssyncadd.s32 $0xFFFFC000  }
0x32: {  	[spmem:s16] =	stream.linear.scatter [tilespmem:s17], [sflag:$0x3], $0x4000, $0x38;
	[tilespmem:$0x1A400] =	vst v63  }
0x33: {  	_ =	swait.ge [sflag:s18], $0x4000  }
0x34: {  	[sflag:s18] =	ssyncset.done $0x0  }
0x35: {  	[sflag:s18] =	ssyncadd.s32 $0xFFFFC000  }
0x36: {  	s1 =	simm.s32 $0x200;
	s24 =	simm.s32 $0x0;
	[bflag:$0x0] =	sbarrier.arrive $0xFFFF  }
.LBB2_4:
0x37: {  	p0 =	sne.s32 s1, $0xFE00;
	[tilespmem:s24+$0x2410] =	vst v1;
	s24 =	smov.u32 s1;
	s1 =	sadd.s32 $0x200, s1  }
.Ltmp1:
0x38: {  	(pc) =	sbr.rel @p0 .LBB2_4-.Ltmp1, $2  }
0x39: {  	_ =	sdelay $0x2  }
0x3a: {  	s24 =	sshra.s32 s24, $0x2  }
0x3b: {  	[tilespmem:s24+$0x2410] =	vst v1;
	s28 =	simm.s32 $0x0  }
0x3c: {  	[tilespmem:s28], [sflag:$0x3] =	stream.linear.gather [hbm4b:s7+s28], $0x1400, $0x38;
	[tilespmem:$0x1A400] =	vst v63  }
0x3d: {  	_ =	swait.ge [sflag:s18], $0x1400  }
0x3e: {  	[sflag:s18] =	ssyncset.done $0x0  }
0x3f: {  	[sflag:s18] =	ssyncadd.s32 $0xFFFFEC00  }
0x40: {  	[tilespmem:s19], [sflag:$0x1] =	stream.linear.gather [hbm4b:s5+s28], $0x800, $0x38;
	[tilespmem:$0x1A400] =	vst v63  }
0x41: {  	_ = 	snop  }
0x42: {  	[tilespmem:s20], [sflag:$0x2] =	stream.linear.gather [hbm4b:s8+s28], $0x800, $0x38;
	[tilespmem:$0x1A400] =	vst v63  }
.LBB2_6:
0x43: {  	_ =	swait.ge [sflag:s21], $0x800  }
0x44: {  	[sflag:s21] =	ssyncset.done $0x0  }
0x45: {  	s29 =	simm.s32 $0x1440;
	[sflag:s21] =	ssyncadd.s32 $0xFFFFF800  }
0x46: {  	s1 =	simm.s32 $0x1000;
	s30 =	simm.s32 $0x0;
	v2 =	vld [tilespmem:s29+$0xFFFFFFC0]  }
.LBB2_7:
0x47: {  	p0 =	sne.s32 s1, $0xF000;
	_ =	sdelay $0x2  }
0x48: {  	s24 =	sshra.s32 s30, $0x2;
	s30 =	smov.u32 s1  }
0x49: {  	[tilespmem:s24+$0x2400] =	vst v2  }
0x4a: {  	v2 =	vld [tilespmem:s29+$0xFFFFFFD0];
	_ =	sdelay $0x4  }
0x4b: {  	[tilespmem:s24+$0x2480] =	vst v2  }
0x4c: {  	v2 =	vld [tilespmem:s29+$0xFFFFFFE0];
	_ =	sdelay $0x4  }
0x4d: {  	[tilespmem:s24+$0x2500] =	vst v2  }
0x4e: {  	v2 =	vld [tilespmem:s29+$0xFFFFFFF0];
	_ =	sdelay $0x4  }
0x4f: {  	[tilespmem:s24+$0x2580] =	vst v2  }
0x50: {  	v2 =	vld [tilespmem:s29+$0x0];
	_ =	sdelay $0x4  }
0x51: {  	[tilespmem:s24+$0x2600] =	vst v2  }
0x52: {  	v2 =	vld [tilespmem:s29+$0x10];
	_ =	sdelay $0x4  }
0x53: {  	[tilespmem:s24+$0x2680] =	vst v2  }
0x54: {  	v2 =	vld [tilespmem:s29+$0x20];
	_ =	sdelay $0x4  }
0x55: {  	[tilespmem:s24+$0x2700] =	vst v2  }
0x56: {  	v2 =	vld [tilespmem:s29+$0x30];
	_ =	sdelay $0x1  }
.Ltmp2:
0x57: {  	(pc) =	sbr.rel @p0 .LBB2_7-.Ltmp2, $3  }
0x58: {  	_ =	sdelay $0x1  }
0x59: {  	s29 =	sadd.s32 $0x80, s29;
	[tilespmem:s24+$0x2780] =	vst v2  }
0x5a: {  	s1 =	sadd.s32 $0x1000, s1;
	v2 =	vld [tilespmem:s29+$0xFFFFFFC0]  }
0x5b: {  	_ =	sdelay $0x2  }
0x5c: {  	s1 =	sshra.s32 s30, $0x2  }
0x5d: {  	[tilespmem:s1+$0x2400] =	vst v2  }
0x5e: {  	v2 =	vld [tilespmem:s29+$0xFFFFFFD0];
	_ =	sdelay $0x4  }
0x5f: {  	[tilespmem:s1+$0x2480] =	vst v2  }
0x60: {  	v2 =	vld [tilespmem:s29+$0xFFFFFFE0];
	_ =	sdelay $0x4  }
0x61: {  	[tilespmem:s1+$0x2500] =	vst v2  }
0x62: {  	v2 =	vld [tilespmem:s29+$0xFFFFFFF0];
	_ =	sdelay $0x4  }
0x63: {  	[tilespmem:s1+$0x2580] =	vst v2  }
0x64: {  	v2 =	vld [tilespmem:s29+$0x0];
	_ =	sdelay $0x4  }
0x65: {  	[tilespmem:s1+$0x2600] =	vst v2  }
0x66: {  	v2 =	vld [tilespmem:s29+$0x10];
	_ =	sdelay $0x4  }
0x67: {  	[tilespmem:s1+$0x2680] =	vst v2  }
0x68: {  	v2 =	vld [tilespmem:s29+$0x20];
	_ =	sdelay $0x4  }
0x69: {  	[tilespmem:s1+$0x2700] =	vst v2  }
0x6a: {  	v2 =	vld [tilespmem:s29+$0x30]  }
0x6b: {  	s29 =	sshll.u32 s28, $0x1  }
0x6c: {  	s24 =	sadd.s32 s29, s9  }
0x6d: {  	s24 =	sshll.u32 s24, $0x8  }
0x6e: {  	s24 =	sand.u32 $0x1FFFFE00, s24  }
0x6f: {  	s25 =	sshll.u32 s28, $0x8;
	s24 =	sadd.s32 s4, s24;
	[tilespmem:s1+$0x2780] =	vst v2;
	s1 =	simm.s32 $0x0  }
0x70: {  	[tilespmem:s19], [sflag:$0x1] =	stream.linear.gather [hbm4b:s24+s1], $0x800, $0x38;
	[tilespmem:$0x1A400] =	vst v63  }
0x71: {  	s30 =	sand.u32 $0x3FFFFF00, s25  }
0x72: {  	[spmem:s2] =	stream.indirect.scatter.add.f32 [tilespmem:s17], [sflag:$0x3], $0x80, s30, s22, $0xb8;
	[tilespmem:$0x1A400] =	vst v63  }
0x73: {  	_ =	swait.ge [sflag:s18], $0x4000  }
0x74: {  	[sflag:s18] =	ssyncset.done $0x0  }
0x75: {  	[sflag:s18] =	ssyncadd.s32 $0xFFFFC000  }
0x76: {  	_ =	swait.ge [sflag:s23], $0x800  }
0x77: {  	[sflag:s23] =	ssyncset.done $0x0  }
0x78: {  	s31 =	simm.s32 $0x1C40;
	[sflag:s23] =	ssyncadd.s32 $0xFFFFF800  }
0x79: {  	s24 =	simm.s32 $0x1000;
	v2 =	vld [tilespmem:s31+$0xFFFFFFC0]  }
.LBB2_9:
0x7a: {  	p0 =	sne.s32 s24, $0xF000;
	_ =	sdelay $0x2  }
0x7b: {  	s25 =	sshra.s32 s1, $0x2;
	s1 =	smov.u32 s24  }
0x7c: {  	[tilespmem:s25+$0x2400] =	vst v2  }
0x7d: {  	v2 =	vld [tilespmem:s31+$0xFFFFFFD0];
	_ =	sdelay $0x4  }
0x7e: {  	[tilespmem:s25+$0x2480] =	vst v2  }
0x7f: {  	v2 =	vld [tilespmem:s31+$0xFFFFFFE0];
	_ =	sdelay $0x4  }
0x80: {  	[tilespmem:s25+$0x2500] =	vst v2  }
0x81: {  	v2 =	vld [tilespmem:s31+$0xFFFFFFF0];
	_ =	sdelay $0x4  }
0x82: {  	[tilespmem:s25+$0x2580] =	vst v2  }
0x83: {  	v2 =	vld [tilespmem:s31+$0x0];
	_ =	sdelay $0x4  }
0x84: {  	[tilespmem:s25+$0x2600] =	vst v2  }
0x85: {  	v2 =	vld [tilespmem:s31+$0x10];
	_ =	sdelay $0x4  }
0x86: {  	[tilespmem:s25+$0x2680] =	vst v2  }
0x87: {  	v2 =	vld [tilespmem:s31+$0x20];
	_ =	sdelay $0x4  }
0x88: {  	[tilespmem:s25+$0x2700] =	vst v2  }
0x89: {  	v2 =	vld [tilespmem:s31+$0x30];
	_ =	sdelay $0x1  }
.Ltmp3:
0x8a: {  	(pc) =	sbr.rel @p0 .LBB2_9-.Ltmp3, $3  }
0x8b: {  	_ =	sdelay $0x1  }
0x8c: {  	s31 =	sadd.s32 $0x80, s31;
	[tilespmem:s25+$0x2780] =	vst v2  }
0x8d: {  	s24 =	sadd.s32 $0x1000, s24;
	v2 =	vld [tilespmem:s31+$0xFFFFFFC0]  }
0x8e: {  	_ =	sdelay $0x2  }
0x8f: {  	s1 =	sshra.s32 s1, $0x2  }
0x90: {  	[tilespmem:s1+$0x2400] =	vst v2  }
0x91: {  	v2 =	vld [tilespmem:s31+$0xFFFFFFD0];
	_ =	sdelay $0x4  }
0x92: {  	[tilespmem:s1+$0x2480] =	vst v2  }
0x93: {  	v2 =	vld [tilespmem:s31+$0xFFFFFFE0];
	_ =	sdelay $0x4  }
0x94: {  	[tilespmem:s1+$0x2500] =	vst v2  }
0x95: {  	v2 =	vld [tilespmem:s31+$0xFFFFFFF0];
	_ =	sdelay $0x4  }
0x96: {  	[tilespmem:s1+$0x2580] =	vst v2  }
0x97: {  	v2 =	vld [tilespmem:s31+$0x0];
	_ =	sdelay $0x4  }
0x98: {  	[tilespmem:s1+$0x2600] =	vst v2  }
0x99: {  	v2 =	vld [tilespmem:s31+$0x10];
	_ =	sdelay $0x4  }
0x9a: {  	[tilespmem:s1+$0x2680] =	vst v2  }
0x9b: {  	v2 =	vld [tilespmem:s31+$0x20];
	_ =	sdelay $0x4  }
0x9c: {  	[tilespmem:s1+$0x2700] =	vst v2  }
0x9d: {  	v2 =	vld [tilespmem:s31+$0x30];
	_ =	sdelay $0x1  }
0x9e: {  	s24 =	sadd.s32 s29, s10  }
0x9f: {  	s24 =	sshll.u32 s24, $0x8  }
0xa0: {  	s28 =	sadd.s32 $0x1, s28;
	s24 =	sand.u32 $0x1FFFFF00, s24  }
0xa1: {  	p0 =	sne.s32 s28, $0x13;
	s29 =	sadd.s32 s4, s24;
	[tilespmem:s1+$0x2780] =	vst v2  }
0xa2: {  	[tilespmem:s20], [sflag:$0x2] =	stream.linear.gather [hbm4b:s29+s3], $0x800, $0x38;
	[tilespmem:$0x1A400] =	vst v63  }
.Ltmp4:
0xa3: {  	s31 =	sadd.s32 $0x80, s30;
	(pc) =	sbr.rel @p0 .LBB2_6-.Ltmp4, $4  }
0xa4: {  	[spmem:s2] =	stream.indirect.scatter.add.f32 [tilespmem:s17], [sflag:$0x3], $0x80, s31, s22, $0xb8;
	[tilespmem:$0x1A400] =	vst v63  }
0xa5: {  	_ =	swait.ge [sflag:s18], $0x4000  }
0xa6: {  	[sflag:s18] =	ssyncset.done $0x0  }
0xa7: {  	[sflag:s18] =	ssyncadd.s32 $0xFFFFC000  }
0xa8: {  	_ =	swait.ge [sflag:s21], $0x800  }
0xa9: {  	[sflag:s21] =	ssyncset.done $0x0  }
0xaa: {  	s28 =	simm.s32 $0x1440;
	[sflag:s21] =	ssyncadd.s32 $0xFFFFF800  }
0xab: {  	s1 =	simm.s32 $0x0;
	s24 =	simm.s32 $0x1000;
	v2 =	vld [tilespmem:s28+$0xFFFFFFC0]  }
.LBB2_12:
0xac: {  	p0 =	sne.s32 s24, $0xF000;
	_ =	sdelay $0x2  }
0xad: {  	s25 =	sshra.s32 s1, $0x2;
	s1 =	smov.u32 s24  }
0xae: {  	[tilespmem:s25+$0x2400] =	vst v2  }
0xaf: {  	v2 =	vld [tilespmem:s28+$0xFFFFFFD0];
	_ =	sdelay $0x4  }
0xb0: {  	[tilespmem:s25+$0x2480] =	vst v2  }
0xb1: {  	v2 =	vld [tilespmem:s28+$0xFFFFFFE0];
	_ =	sdelay $0x4  }
0xb2: {  	[tilespmem:s25+$0x2500] =	vst v2  }
0xb3: {  	v2 =	vld [tilespmem:s28+$0xFFFFFFF0];
	_ =	sdelay $0x4  }
0xb4: {  	[tilespmem:s25+$0x2580] =	vst v2  }
0xb5: {  	v2 =	vld [tilespmem:s28+$0x0];
	_ =	sdelay $0x4  }
0xb6: {  	[tilespmem:s25+$0x2600] =	vst v2  }
0xb7: {  	v2 =	vld [tilespmem:s28+$0x10];
	_ =	sdelay $0x4  }
0xb8: {  	[tilespmem:s25+$0x2680] =	vst v2  }
0xb9: {  	v2 =	vld [tilespmem:s28+$0x20];
	_ =	sdelay $0x4  }
0xba: {  	[tilespmem:s25+$0x2700] =	vst v2  }
0xbb: {  	v2 =	vld [tilespmem:s28+$0x30];
	_ =	sdelay $0x1  }
.Ltmp5:
0xbc: {  	(pc) =	sbr.rel @p0 .LBB2_12-.Ltmp5, $3  }
0xbd: {  	_ =	sdelay $0x1  }
0xbe: {  	s28 =	sadd.s32 $0x80, s28;
	[tilespmem:s25+$0x2780] =	vst v2  }
0xbf: {  	s24 =	sadd.s32 $0x1000, s24;
	v2 =	vld [tilespmem:s28+$0xFFFFFFC0]  }
0xc0: {  	_ =	sdelay $0x2  }
0xc1: {  	s1 =	sshra.s32 s1, $0x2  }
0xc2: {  	[tilespmem:s1+$0x2400] =	vst v2  }
0xc3: {  	v2 =	vld [tilespmem:s28+$0xFFFFFFD0];
	_ =	sdelay $0x4  }
0xc4: {  	[tilespmem:s1+$0x2480] =	vst v2  }
0xc5: {  	v2 =	vld [tilespmem:s28+$0xFFFFFFE0];
	_ =	sdelay $0x4  }
0xc6: {  	[tilespmem:s1+$0x2500] =	vst v2  }
0xc7: {  	v2 =	vld [tilespmem:s28+$0xFFFFFFF0];
	_ =	sdelay $0x4  }
0xc8: {  	[tilespmem:s1+$0x2580] =	vst v2  }
0xc9: {  	v2 =	vld [tilespmem:s28+$0x0];
	_ =	sdelay $0x4  }
0xca: {  	[tilespmem:s1+$0x2600] =	vst v2  }
0xcb: {  	v2 =	vld [tilespmem:s28+$0x10];
	_ =	sdelay $0x4  }
0xcc: {  	[tilespmem:s1+$0x2680] =	vst v2  }
0xcd: {  	v2 =	vld [tilespmem:s28+$0x20];
	_ =	sdelay $0x4  }
0xce: {  	[tilespmem:s1+$0x2700] =	vst v2  }
0xcf: {  	v2 =	vld [tilespmem:s28+$0x30];
	_ =	sdelay $0x4  }
0xd0: {  	s31 =	simm.s32 $0x1300;
	[tilespmem:s1+$0x2780] =	vst v2  }
0xd1: {  	[spmem:s2] =	stream.indirect.scatter.add.f32 [tilespmem:s17], [sflag:$0x3], $0x80, s31, s22, $0xb8;
	[tilespmem:$0x1A400] =	vst v63  }
0xd2: {  	_ =	swait.ge [sflag:s18], $0x4000  }
0xd3: {  	[sflag:s18] =	ssyncset.done $0x0  }
0xd4: {  	[sflag:s18] =	ssyncadd.s32 $0xFFFFC000  }
0xd5: {  	_ =	swait.ge [sflag:s23], $0x800  }
0xd6: {  	[sflag:s23] =	ssyncset.done $0x0  }
0xd7: {  	s28 =	simm.s32 $0x1C40;
	[sflag:s23] =	ssyncadd.s32 $0xFFFFF800  }
0xd8: {  	s24 =	simm.s32 $0x1000;
	s1 =	simm.s32 $0x0;
	v2 =	vld [tilespmem:s28+$0xFFFFFFC0]  }
.LBB2_14:
0xd9: {  	p0 =	sne.s32 s24, $0xF000;
	_ =	sdelay $0x2  }
0xda: {  	s25 =	sshra.s32 s1, $0x2;
	s1 =	smov.u32 s24  }
0xdb: {  	[tilespmem:s25+$0x2400] =	vst v2  }
0xdc: {  	v2 =	vld [tilespmem:s28+$0xFFFFFFD0];
	_ =	sdelay $0x4  }
0xdd: {  	[tilespmem:s25+$0x2480] =	vst v2  }
0xde: {  	v2 =	vld [tilespmem:s28+$0xFFFFFFE0];
	_ =	sdelay $0x4  }
0xdf: {  	[tilespmem:s25+$0x2500] =	vst v2  }
0xe0: {  	v2 =	vld [tilespmem:s28+$0xFFFFFFF0];
	_ =	sdelay $0x4  }
0xe1: {  	[tilespmem:s25+$0x2580] =	vst v2  }
0xe2: {  	v2 =	vld [tilespmem:s28+$0x0];
	_ =	sdelay $0x4  }
0xe3: {  	[tilespmem:s25+$0x2600] =	vst v2  }
0xe4: {  	v2 =	vld [tilespmem:s28+$0x10];
	_ =	sdelay $0x4  }
0xe5: {  	[tilespmem:s25+$0x2680] =	vst v2  }
0xe6: {  	v2 =	vld [tilespmem:s28+$0x20];
	_ =	sdelay $0x4  }
0xe7: {  	[tilespmem:s25+$0x2700] =	vst v2  }
0xe8: {  	v2 =	vld [tilespmem:s28+$0x30];
	_ =	sdelay $0x1  }
.Ltmp6:
0xe9: {  	(pc) =	sbr.rel @p0 .LBB2_14-.Ltmp6, $3  }
0xea: {  	_ =	sdelay $0x1  }
0xeb: {  	s28 =	sadd.s32 $0x80, s28;
	[tilespmem:s25+$0x2780] =	vst v2  }
0xec: {  	s24 =	sadd.s32 $0x1000, s24;
	v2 =	vld [tilespmem:s28+$0xFFFFFFC0]  }
0xed: {  	_ =	sdelay $0x2  }
0xee: {  	s1 =	sshra.s32 s1, $0x2  }
0xef: {  	[tilespmem:s1+$0x2400] =	vst v2  }
0xf0: {  	v2 =	vld [tilespmem:s28+$0xFFFFFFD0];
	_ =	sdelay $0x4  }
0xf1: {  	[tilespmem:s1+$0x2480] =	vst v2  }
0xf2: {  	v2 =	vld [tilespmem:s28+$0xFFFFFFE0];
	_ =	sdelay $0x4  }
0xf3: {  	[tilespmem:s1+$0x2500] =	vst v2  }
0xf4: {  	v2 =	vld [tilespmem:s28+$0xFFFFFFF0];
	_ =	sdelay $0x4  }
0xf5: {  	[tilespmem:s1+$0x2580] =	vst v2  }
0xf6: {  	v2 =	vld [tilespmem:s28+$0x0];
	_ =	sdelay $0x4  }
0xf7: {  	[tilespmem:s1+$0x2600] =	vst v2  }
0xf8: {  	v2 =	vld [tilespmem:s28+$0x10];
	_ =	sdelay $0x4  }
0xf9: {  	[tilespmem:s1+$0x2680] =	vst v2  }
0xfa: {  	v2 =	vld [tilespmem:s28+$0x20];
	_ =	sdelay $0x4  }
0xfb: {  	[tilespmem:s1+$0x2700] =	vst v2  }
0xfc: {  	v2 =	vld [tilespmem:s28+$0x30];
	_ =	sdelay $0x4  }
0xfd: {  	s30 =	simm.s32 $0x1380;
	[tilespmem:s1+$0x2780] =	vst v2  }
0xfe: {  	[spmem:s2] =	stream.indirect.scatter.add.f32 [tilespmem:s17], [sflag:$0x3], $0x80, s30, s22, $0xb8;
	[tilespmem:$0x1A400] =	vst v63  }
0xff: {  	_ =	swait.ge [sflag:s18], $0x4000  }
0x100: {  	s31 =	sshll.u32 s0, $0x6;
	s26 =	sadd.s32 $0x1, s26;
	[sflag:s18] =	ssyncset.done $0x0  }
0x101: {  	s24 =	sshrl.u32 s6, $0x3;
	p0 =	sne.s32 s26, s12;
	[sflag:s18] =	ssyncadd.s32 $0xFFFFC000  }
.Ltmp7:
0x102: {  	s1 =	sor.u32 $0x1C03, s31;
	[bflag:$0x0] =	sbarrier.arrive $0xFFFF;
	(pc) =	sbr.rel @p0 .LBB2_1-.Ltmp7, $4  }
0x103: {  	[hbm:s11], [sflag:s1] =	dma.local [spmem:s24], $0x2800  }
0x104: {  	_ =	swait.ge [sflag:s18], $0x2800  }
0x105: {  	[sflag:s18] =	ssyncset.done $0x0  }
0x106: {  	[sflag:s18] =	ssyncadd.s32 $0xFFFFD800  }
0x107: {  	_ =	sfence.sel $0x180000  }
0x108: {  	[bflag:$0x0] =	sbarrier.arrive $0xFFFF  }
0x109: {  	_ =	strace $0x9000004A  }
0x10a: {  	[bflag:$0x2] =	sbarrier.arrive $0xFFFF  }
0x10b: {  	p0 =	sne.s32 s0, $0x0;
	s0 =	rddreg [dreg:$0x2]  }
0x10c: {  	s0 =	sadd.s32 @!p0 $0x100000, s0  }
0x10d: {  	[sflag:s0] =	ssyncadd.tile.s32 @!p0 $0x1;
	_ =	shalt  }
.Lfunc_end2:
_tile_overlayer_lowered:
.L_overlay_start_2:
0x10e: {  	(tag) =	ssettag $0x2  }
0x10f: {  	s0 =	rddreg [dreg:$0x0];
	s2 =	stileid.u32  }
0x110: {  	s1 =	rddreg [dreg:$0x1];
	p0 =	sne.s32 s2, $0x0  }
0x111: {  	s3 =	rddreg [dreg:$0x2];
	[bflag:$0x3] =	sbarrier.arrive $0xFFFF;
	s2 =	simm.s32 @!p0 $0x1C03  }
0x112: {  	[timem:s3], [sflag:s2] =	dma.local @!p0 [hbm:s0], s1  }
0x113: {  	s0 =	simm.s32 @!p0 $0x3  }
0x114: {  	_ =	swait.ge @!p0 [sflag:s0], s1  }
0x115: {  	s1 =	ssub.s32 @!p0 $0x0, s1;
	[sflag:s0] =	ssyncset.done @!p0 $0x0  }
0x116: {  	[sflag:s0] =	ssyncadd.s32 @!p0 s1  }
0x117: {  	[bflag:$0x3] =	sbarrier.arrive $0xFFFF  }
0x118: {  	_ =	shalt  }

// kernel: kernel.7.cloned.1.call-start
scs
__scs_entry_jumppad:
0x0: {  	(pc) =	sbr.rel $0x88, $3  }
0x1: {  	(tag) =	ssettag $0x0;
	lr =	simm.s32 $0x1  }
0x2: {  	[smem:$0x3F94] =	sst lr;
	_ =	strace $0xD0000000  }
0x3: {  	_ = 	snop  }
0x4: {  	_ = 	snop  }
0x5: {  	_ = 	snop  }
0x6: {  	_ = 	snop  }
0x7: {  	_ = 	snop  }
__scs_overlays_trampoline_lowered:
0x8: {  	[smem:$0x3FA3] =	sst s0  }
0x9: {  	[smem:$0x3FA4] =	sst s1  }
0xa: {  	[smem:$0x3FA5] =	sst s2  }
0xb: {  	[smem:$0x3FA6] =	sst s3  }
0xc: {  	[smem:$0x3FA7] =	sst s4  }
0xd: {  	[smem:$0x3FA8] =	sst s5  }
0xe: {  	[smem:$0x3FA9] =	sst s6  }
0xf: {  	[smem:$0x3FAA] =	sst s7  }
0x10: {  	[smem:$0x3FAB] =	sst s8  }
0x11: {  	[smem:$0x3FAC] =	sst s9;
	s0 =	simm.s32 @!p0 $0x0  }
0x12: {  	s1 =	sld [smem:$0x3F92];
	s0 =	simm.s32 @p0 $0x1  }
0x13: {  	[smem:$0x3FAD] =	sst s0;
	s0 =	simm.s32 @!p1 $0x0  }
0x14: {  	s2 =	sld [smem:$0x3F91];
	s0 =	simm.s32 @p1 $0x1  }
0x15: {  	[smem:$0x3FAE] =	sst s0;
	s0 =	simm.s32 @!p2 $0x0  }
0x16: {  	s3 =	sld [smem:$0x3FDB];
	s0 =	simm.s32 @p2 $0x1  }
0x17: {  	s4 =	simm.s32 $0x1BF5;
	[smem:$0x3FB0] =	sst s0  }
0x18: {  	s0 =	sld [smem:$0x3F93];
	_ =	swait.ge [sflag:s4], $0x0  }
0x19: {  	s7 =	sld [smem:$0x3F94]  }
0x1a: {  	s8 =	sadd.s32 $0xFFFFE003, lr  }
0x1b: {  	s9 =	sadd.s32 $0xFFFFFEF7, lr;
	s5 =	simm.s32 $0xFFFFFFFF;
	p2 =	slt.u32 s8, $0xFFFFF086  }
0x1c: {  	p1 =	slt.u32 s9, $0xF7A;
	s5 =	simm.s32 @!p2 $0x0  }
0x1d: {  	s5 =	simm.s32 @p1 $0x1;
	p0 =	seq.s32 s7, s2  }
0x1e: {  	s7 =	smul.u32 @!p0 $0xF7A, s2;
	p2 =	seq.s32 @!p0 s5, $0x0  }
0x1f: {  	s9 =	smul.u32 $0xF7A, s1;
	s8 =	simm.s32 @!p0 $0x1BF5;
	p2 =	por !p2, p0  }
0x20: {  	[sflag:s8] =	ssyncset.s32 @!p0 $0xFFFFF086;
	s6 =	sadd.s32 @!p0 s3, s7;
	s7 =	simm.s32 @!p0 $0x108  }
0x21: {  	s3 =	sadd.s32 s3, s9;
	s6 =	sadd.s32 @!p0 $0x88, s6;
	s7 =	simm.s32 @p2 $0x1082  }
0x22: {  	[simem:s7], [sflag:s8] =	dma.local @!p0 [hbm:s6], $0xF7A  }
0x23: {  	s9 =	sor.u32 $0xD0000000, s2;
	s6 =	simm.s32 $0x108;
	_ =	swait.ge @!p0 [sflag:s8], $0x0  }
0x24: {  	s3 =	sadd.s32 $0x88, s3;
	s6 =	simm.s32 @!p1 $0x1082;
	[sflag:s4] =	ssyncset.s32 $0xFFFFF086  }
0x25: {  	[simem:s6], [sflag:s4] =	dma.local [hbm:s3], $0xF7A  }
0x26: {  	[smem:$0x3F94] =	sst s1;
	(tag) =	ssettag s2;
	_ =	strace s9  }
0x27: {  	s1 =	sld [smem:$0x3FA4]  }
0x28: {  	s2 =	sld [smem:$0x3FA5]  }
0x29: {  	s4 =	sld [smem:$0x3FA7]  }
0x2a: {  	p0 =	seq.s32 s5, $0x0;
	s5 =	sld [smem:$0x3FA8]  }
0x2b: {  	s6 =	sld [smem:$0x3FA9]  }
0x2c: {  	s7 =	sld [smem:$0x3FAA]  }
0x2d: {  	s3 =	simm.s32 $0x108;
	s8 =	sld [smem:$0x3FAB]  }
0x2e: {  	s3 =	simm.s32 @!p0 $0x1082;
	s9 =	sld [smem:$0x3FAC]  }
0x2f: {  	lr =	sadd.s32 s0, s3;
	s0 =	sld [smem:$0x3FA3]  }
0x30: {  	s3 =	sld [smem:$0x3FA6]  }
0x31: {  	[smem:$0x3FAF] =	sst s10  }
0x32: {  	s10 =	sld [smem:$0x3FAD];
	_ =	sdelay $0x3  }
0x33: {  	p0 =	seq.s32 s10, $0x1;
	s10 =	sld [smem:$0x3FAF];
	_ =	sdelay $0x3  }
0x34: {  	[smem:$0x3FAF] =	sst s10  }
0x35: {  	s10 =	sld [smem:$0x3FAE];
	_ =	sdelay $0x3  }
0x36: {  	p1 =	seq.s32 s10, $0x1;
	s10 =	sld [smem:$0x3FAF];
	_ =	sdelay $0x3  }
0x37: {  	[smem:$0x3FAF] =	sst s10  }
0x38: {  	s10 =	sld [smem:$0x3FB0]  }
0x39: {  	_ = 	snop;
	(pc) =	sbr.ind lr, $3  }
0x3a: {  	_ = 	snop  }
0x3b: {  	_ = 	snop  }
0x3c: {  	p2 =	seq.s32 s10, $0x1;
	s10 =	sld [smem:$0x3FAF]  }
0x3d: {  	_ =	shalt  }
0x3e: {  	_ =	shalt  }
0x3f: {  	_ =	shalt  }
0x40: {  	_ =	shalt  }
0x41: {  	_ =	shalt  }
0x42: {  	_ =	shalt  }
0x43: {  	_ =	shalt  }
0x44: {  	_ =	shalt  }
0x45: {  	_ =	shalt  }
0x46: {  	_ =	shalt  }
0x47: {  	_ =	shalt  }
0x48: {  	_ =	shalt  }
0x49: {  	_ =	shalt  }
0x4a: {  	_ =	shalt  }
0x4b: {  	_ =	shalt  }
0x4c: {  	_ =	shalt  }
0x4d: {  	_ =	shalt  }
0x4e: {  	_ =	shalt  }
0x4f: {  	_ =	shalt  }
0x50: {  	_ =	shalt  }
0x51: {  	_ =	shalt  }
0x52: {  	_ =	shalt  }
0x53: {  	_ =	shalt  }
0x54: {  	_ =	shalt  }
0x55: {  	_ =	shalt  }
0x56: {  	_ =	shalt  }
0x57: {  	_ =	shalt  }
0x58: {  	_ =	shalt  }
0x59: {  	_ =	shalt  }
0x5a: {  	_ =	shalt  }
0x5b: {  	_ =	shalt  }
0x5c: {  	_ =	shalt  }
0x5d: {  	_ =	shalt  }
0x5e: {  	_ =	shalt  }
0x5f: {  	_ =	shalt  }
0x60: {  	_ =	shalt  }
0x61: {  	_ =	shalt  }
0x62: {  	_ =	shalt  }
0x63: {  	_ =	shalt  }
0x64: {  	_ =	shalt  }
0x65: {  	_ =	shalt  }
0x66: {  	_ =	shalt  }
0x67: {  	_ =	shalt  }
0x68: {  	_ =	shalt  }
0x69: {  	_ =	shalt  }
0x6a: {  	_ =	shalt  }
0x6b: {  	_ =	shalt  }
0x6c: {  	_ =	shalt  }
0x6d: {  	_ =	shalt  }
0x6e: {  	_ =	shalt  }
0x6f: {  	_ =	shalt  }
0x70: {  	_ =	shalt  }
0x71: {  	_ =	shalt  }
0x72: {  	_ =	shalt  }
0x73: {  	_ =	shalt  }
0x74: {  	_ =	shalt  }
0x75: {  	_ =	shalt  }
0x76: {  	_ =	shalt  }
0x77: {  	_ =	shalt  }
0x78: {  	_ =	shalt  }
0x79: {  	_ =	shalt  }
0x7a: {  	_ =	shalt  }
0x7b: {  	_ =	shalt  }
0x7c: {  	_ =	shalt  }
0x7d: {  	_ =	shalt  }
0x7e: {  	_ =	shalt  }
0x7f: {  	_ =	shalt  }
0x80: {  	_ =	shalt  }
0x81: {  	_ =	shalt  }
0x82: {  	_ =	shalt  }
0x83: {  	_ =	shalt  }
0x84: {  	_ =	shalt  }
0x85: {  	_ =	shalt  }
0x86: {  	_ =	shalt  }
0x87: {  	_ =	shalt  }
.Lfunc_end0:
.L_simem_size_0:
called_computation_lowered:
.L_overlay_start_0:
0x88: {  	s2 =	sld [smem:$0x3FD9]  }
0x89: {  	s3 =	sld [smem:$0x3FFE];
	_ =	sdelay $0x1  }
0x8a: {  	s1 =	srdreg.scid  }
0x8b: {  	s0 =	sand.u32 $0x1, s1  }
0x8c: {  	s16 =	sshll.u32 s0, $0xA;
	s2 =	sadd.s32 s3, s2  }
0x8d: {  	s2 =	sadd.s32 s2, s16  }
0x8e: {  	[smem:$0x3FBB] =	sst s2  }
0x8f: {  	_ = 	snop  }
0x90: {  	(tm) =	ssettm $0x1  }
0x91: {  	s17 =	sld [smem:$0x3FFB];
	_ =	sdelay $0x3  }
0x92: {  	_ =	strace s17  }
0x93: {  	s2 =	sld [smem:$0x3FFC];
	_ =	sdelay $0x3  }
0x94: {  	_ =	strace s2  }
0x95: {  	s2 =	sld [smem:$0x3FFD];
	_ =	sdelay $0x3  }
0x96: {  	_ =	strace s2  }
0x97: {  	_ =	strace $0x8FFFFFFF  }
0x98: {  	s18 =	sld [smem:$0x3FDB];
	_ =	sdelay $0x1  }
0x99: {  	s19 =	simm.s32 $_scs_section_size  }
0x9a: {  	s4 =	simm.s32 $_size__tile_overlayer_lowered;
	s5 =	simm.s32 $_tile_overlayer_lowered  }
0x9b: {  	s22 =	simm.s32 $0x1BFF;
	s21 =	sshll.u32 s5, $0x1;
	s2 =	sadd.s32 s19, s18  }
0x9c: {  	s6 =	simm.s32 $0x0;
	s20 =	sshll.u32 s4, $0x1;
	s4 =	sadd.s32 s21, s2  }
0x9d: {  	[timem:s6], [sflag:s22] =	dma.local [hbm:s4], s20  }
0x9e: {  	_ =	swait.ge [sflag:s22], s20  }
0x9f: {  	s3 =	ssub.s32 $0x0, s20;
	[sflag:s22] =	ssyncset.done $0x0  }
0xa0: {  	[sflag:s22] =	ssyncadd.s32 s3;
	_ =	sdelay $0x1  }
0xa1: {  	s23 =	simm.s32 $0x1B8B  }
0xa2: {  	_ =	swait.ge [sflag:s23], $0x1  }
0xa3: {  	[sflag:s23] =	ssyncset.done $0x0  }
0xa4: {  	s25 =	simm.s32 $0x1B8E;
	s24 =	sld [smem:$0x3FFE];
	[sflag:s23] =	ssyncadd.s32 $0xFFFFFFFF  }
0xa5: {  	s26 =	simm.s32 $execute0_lowered;
	[smem:$0x3FD2] =	sst s25  }
0xa6: {  	s4 =	sshll.u32 s26, $0x1;
	_ =	strace $0x80000046;
	[dreg:$0x1] =	wrdreg $0xFFFFFFFF  }
0xa7: {  	s28 =	simm.s32 $_size_execute0_lowered;
	s2 =	sadd.s32 s2, s4;
	[dreg:$0x0] =	wrdreg $0x0  }
0xa8: {  	s4 =	sshll.u32 s28, $0x1;
	[dreg:$0x2] =	wrdreg s2  }
0xa9: {  	[dreg:$0x3] =	wrdreg s4  }
0xaa: {  	[dreg:$0x4] =	wrdreg $0xC0  }
0xab: {  	_ =	task [dreg:s6], $0x5FFFF  }
0xac: {  	[dreg:$0x1] =	wrdreg $0xFFFFFFFF  }
0xad: {  	[dreg:$0x0] =	wrdreg $0x60  }
0xae: {  	[dreg:$0x2] =	wrdreg s24  }
0xaf: {  	[dreg:$0x3] =	wrdreg $0xA8000  }
0xb0: {  	[dreg:$0x4] =	wrdreg $0x9  }
0xb1: {  	_ =	task.clear_ibuf [dreg:s6], $0x5FFFF;
	_ =	strace $0x90000046  }
0xb2: {  	s29 =	simm.s32 $0x9;
	_ =	strace $0x80000048  }
0xb3: {  	_ =	swait.ge [sflag:s29], $0x1  }
0xb4: {  	[sflag:s29] =	ssyncadd.s32 $0xFFFFFFFF  }
0xb5: {  	_ =	strace $0x90000048  }
0xb6: {  	_ =	sfence  }
0xb7: {  	s30 =	sld [smem:$0x0];
	_ =	sdelay $0x2  }
0xb8: {  	s31 =	sshll.u32 s1, $0xD;
	s1 =	sshrl.u32 s1, $0x2  }
0xb9: {  	s3 =	sand.u32 $0x4000, s31;
	s1 =	sadd.s32 s1, s30  }
0xba: {  	s0 =	sor.u32 s3, s0;
	s1 =	sshll.u32 s1, $0x11  }
0xbb: {  	s0 =	sor.u32 s1, s0  }
0xbc: {  	s0 =	sadd.s32 $0x8F2B, s0  }
0xbd: {  	[sflag:s0] =	ssyncadd.remote.s32 $0x1  }
0xbe: {  	_ =	sfence.sel $0xFFFF  }
0xbf: {  	[dreg:$0x0] =	wrdreg $0xFFFFFFFF;
	(pc) =	sbr.abs _section_cstart, $3  }
0xc0: {  	[dreg:$0x1] =	wrdreg $0xFFFFFFFF  }
0xc1: {  	_ =	task.clear_ibuf [dreg:s6], $0x2FFFF;
	_ =	strace $0x9FFFFFFF  }
0xc2: {  	(tm) =	ssettm $0x7FFFFFFF  }
0xc3: {  	_ =	shalt  }
tec
execute0_lowered:
.L_overlay_start_1:
0x0: {  	(tag) =	ssettag $0x1  }
0x1: {  	s0 =	rddreg [dreg:$0x0]  }
0x2: {  	s1 =	rddreg [dreg:$0x1];
	s2 =	simm.s32 $0x0;
	s7 =	srdreg.scid  }
0x3: {  	s3 =	stileid.u32;
	s20 =	simm.s32 $0x5;
	s21 =	simm.s32 $0x1400  }
0x4: {  	s22 =	simm.s32 $0x80;
	s23 =	simm.s32 $0x6800;
	s24 =	simm.s32 $0x1  }
0x5: {  	s28 =	simm.s32 $0x4;
	s29 =	simm.s32 $0x2700;
	s30 =	simm.s32 $0x2780  }
0x6: {  	s31 =	simm.s32 $0x0;
	[smem:$0x7FF] =	sst s2;
	s4 =	sadd.s32 $0x2A600, s0  }
0x7: {  	s5 =	sadd.s32 $0x3400, s0;
	s6 =	sadd.s32 $0x51800, s0;
	s9 =	smul.u32 $0x50000, s3  }
0x8: {  	s13 =	sadd.s32 $0x56800, s0;
	s19 =	sand.u32 $0x1, s7;
	s7 =	smul.u32 $0x2800, s3  }
0x9: {  	s25 =	sadd.s32 $0x5B800, s0;
	s0 =	sadd.s32 $0x83800, s0;
	s11 =	smul.u32 $0x500, s3  }
0xa: {  	_ =	strace $0x80000047;
	[dreg:$0x3] =	wrdreg s25;
	s10 =	ssub.s32 $0x2, s19  }
0xb: {  	[dreg:$0x4] =	wrdreg s0;
	p0 =	sne.s32 s19, $0x0;
	s19 =	simm.s32 $0x2800  }
0xc: {  	s25 =	simm.s32 $0x2;
	s26 =	sshrl.u32 s10, $0x1;
	s9 =	sshrl.u32 s9, $0x2  }
.Ltmp0:
0xd: {  	s12 =	sshrl.u32 s7, $0x3;
	s0 =	ssub.s32 s10, s26;
	(pc) =	sbr.rel .LBB2_1-.Ltmp0, $4  }
0xe: {  	s9 =	sadd.s32 s9, s1;
	s10 =	sadd.s32 s6, s11;
	s14 =	sadd.s32 $0x280, s12  }
0xf: {  	s11 =	sadd.s32 s13, s11;
	s26 =	simm.s32 $0x3;
	s12 =	sadd.s32 s6, s14  }
0x10: {  	s13 =	sadd.s32 s13, s14;
	s14 =	smax.u32 s0, $0x1;
	s15 =	sadd.s32 $0x4000, s9  }
0x11: {  	v0 =	vimm.f32 $0.0e+00;
	s16 =	sadd.s32 $0x8000, s9;
	s17 =	sadd.s32 $0xC000, s9;
	s18 =	sadd.s32 $0x10000, s9  }
.LBB2_13:
0x12: {  	[tilespmem:s23], [sflag:$0x2] =	stream.indirect.gather [hbm4b:s5+s22], $0x80, s6, s22, $0xb8;
	[tilespmem:$0x1E800] =	vst v63  }
0x13: {  	s0 =	rddreg [dreg:$0x4]  }
.LBB2_14:
0x14: {  	_ =	swait.ge [sflag:s24], $0x4000  }
0x15: {  	[sflag:s24] =	ssyncset.done $0x0  }
0x16: {  	[sflag:s24] =	ssyncadd.s32 $0xFFFFC000  }
0x17: {  	[spmem:s1] =	stream.indirect.scatter.add.f32 [tilespmem:s19], [sflag:$0x3], $0x80, s29, s22, $0xb8;
	[tilespmem:$0x1E800] =	vst v63  }
0x18: {  	_ =	swait.ge [sflag:s25], $0x4000  }
0x19: {  	[sflag:s25] =	ssyncset.done $0x0  }
0x1a: {  	[sflag:s25] =	ssyncadd.s32 $0xFFFFC000  }
0x1b: {  	[spmem:s1] =	stream.indirect.scatter.add.f32 [tilespmem:s23], [sflag:$0x4], $0x80, s30, s22, $0xb8;
	[tilespmem:$0x1E800] =	vst v63  }
0x1c: {  	_ =	swait.ge [sflag:s26], $0x4000  }
0x1d: {  	[sflag:s26] =	ssyncset.done $0x0  }
0x1e: {  	[sflag:s26] =	ssyncadd.s32 $0xFFFFC000  }
0x1f: {  	s0 =	sadd.s32 s0, s7;
	_ =	swait.ge [sflag:s28], $0x4000  }
0x20: {  	s6 =	sshll.u32 s3, $0x6;
	s31 =	sadd.s32 $0x1, s31;
	[sflag:s28] =	ssyncset.done $0x0  }
0x21: {  	s8 =	sshrl.u32 s9, $0x3;
	p1 =	sne.s32 s31, s14;
	[sflag:s28] =	ssyncadd.s32 $0xFFFFC000  }
.Ltmp1:
0x22: {  	s6 =	sor.u32 $0x1C05, s6;
	[bflag:$0x0] =	sbarrier.arrive $0xFFFF;
	(pc) =	sbr.rel @!p1 .LBB2_15-.Ltmp1, $4  }
0x23: {  	[hbm:s0], [sflag:s6] =	dma.local [spmem:s8], $0x2800  }
0x24: {  	_ =	swait.ge [sflag:s20], $0x2800  }
0x25: {  	[sflag:s20] =	ssyncset.done $0x0  }
0x26: {  	[sflag:s20] =	ssyncadd.s32 $0xFFFFD800  }
.LBB2_1:
0x27: {  	s0 =	simm.s32 $0x0;
	s6 =	simm.s32 $0x200  }
.LBB2_2:
0x28: {  	p1 =	sne.s32 s6, $0xFE00;
	[tilespmem:s0+$0x2870] =	vst v0  }
0x29: {  	[tilespmem:s0+$0x2800] =	vst v0  }
0x2a: {  	[tilespmem:s0+$0x2810] =	vst v0  }
.Ltmp2:
0x2b: {  	[tilespmem:s0+$0x2820] =	vst v0;
	(pc) =	sbr.rel @p1 .LBB2_2-.Ltmp2, $4  }
0x2c: {  	[tilespmem:s0+$0x2830] =	vst v0  }
0x2d: {  	[tilespmem:s0+$0x2840] =	vst v0  }
0x2e: {  	[tilespmem:s0+$0x2850] =	vst v0  }
0x2f: {  	[tilespmem:s0+$0x2860] =	vst v0;
	s0 =	sshra.s32 s6, $0x2;
	s6 =	sadd.s32 $0x200, s6  }
0x30: {  	[tilespmem:s0+$0x2870] =	vst v0  }
0x31: {  	[tilespmem:s0+$0x2800] =	vst v0  }
0x32: {  	[tilespmem:s0+$0x2810] =	vst v0  }
0x33: {  	[tilespmem:s0+$0x2820] =	vst v0  }
0x34: {  	[tilespmem:s0+$0x2830] =	vst v0  }
0x35: {  	[tilespmem:s0+$0x2840] =	vst v0  }
0x36: {  	[tilespmem:s0+$0x2850] =	vst v0  }
0x37: {  	[tilespmem:s0+$0x2860] =	vst v0  }
0x38: {  	[spmem:s9] =	stream.linear.scatter [tilespmem:s19], [sflag:$0x5], $0x4000, $0x38;
	[tilespmem:$0x1E800] =	vst v63  }
0x39: {  	_ =	swait.ge [sflag:s20], $0x4000  }
0x3a: {  	[sflag:s20] =	ssyncset.done $0x0  }
0x3b: {  	[sflag:s20] =	ssyncadd.s32 $0xFFFFC000  }
0x3c: {  	[spmem:s15] =	stream.linear.scatter [tilespmem:s19], [sflag:$0x5], $0x4000, $0x38;
	[tilespmem:$0x1E800] =	vst v63  }
0x3d: {  	_ =	swait.ge [sflag:s20], $0x4000  }
0x3e: {  	[sflag:s20] =	ssyncset.done $0x0  }
0x3f: {  	[sflag:s20] =	ssyncadd.s32 $0xFFFFC000  }
0x40: {  	[spmem:s16] =	stream.linear.scatter [tilespmem:s19], [sflag:$0x5], $0x4000, $0x38;
	[tilespmem:$0x1E800] =	vst v63  }
0x41: {  	_ =	swait.ge [sflag:s20], $0x4000  }
0x42: {  	[sflag:s20] =	ssyncset.done $0x0  }
0x43: {  	[sflag:s20] =	ssyncadd.s32 $0xFFFFC000  }
0x44: {  	[spmem:s17] =	stream.linear.scatter [tilespmem:s19], [sflag:$0x5], $0x4000, $0x38;
	[tilespmem:$0x1E800] =	vst v63  }
0x45: {  	_ =	swait.ge [sflag:s20], $0x4000  }
0x46: {  	[sflag:s20] =	ssyncset.done $0x0  }
0x47: {  	[sflag:s20] =	ssyncadd.s32 $0xFFFFC000  }
0x48: {  	[spmem:s18] =	stream.linear.scatter [tilespmem:s19], [sflag:$0x5], $0x4000, $0x38;
	[tilespmem:$0x1E800] =	vst v63  }
0x49: {  	_ =	swait.ge [sflag:s20], $0x4000  }
0x4a: {  	[sflag:s20] =	ssyncset.done $0x0  }
0x4b: {  	[sflag:s20] =	ssyncadd.s32 $0xFFFFC000  }
0x4c: {  	[bflag:$0x0] =	sbarrier.arrive $0xFFFF  }
0x4d: {  	[tilespmem:s2], [sflag:$0x5] =	stream.linear.gather [hbm4b:s10+s2], $0x1400, $0x38;
	[tilespmem:$0x1E800] =	vst v63  }
0x4e: {  	_ =	swait.ge [sflag:s20], $0x1400  }
0x4f: {  	[sflag:s20] =	ssyncset.done $0x0  }
.Ltmp3:
0x50: {  	[sflag:s20] =	ssyncadd.s32 $0xFFFFEC00;
	(pc) =	sbr.rel @p0 .LBB2_9-.Ltmp3, $4  }
0x51: {  	[tilespmem:s21], [sflag:$0x5] =	stream.linear.gather [hbm4b:s11+s2], $0x1400, $0x38;
	[tilespmem:$0x1E800] =	vst v63  }
0x52: {  	_ =	swait.ge [sflag:s20], $0x1400  }
0x53: {  	[sflag:s20] =	ssyncset.done $0x0  }
0x54: {  	s0 =	simm.s32 $0x0;
	[sflag:s20] =	ssyncadd.s32 $0xFFFFEC00  }
0x55: {  	[tilespmem:s19], [sflag:$0x1] =	stream.indirect.gather [hbm4b:s4+s22], $0x80, s0, s22, $0xb8;
	[tilespmem:$0x1E800] =	vst v63  }
0x56: {  	_ = 	snop  }
0x57: {  	[tilespmem:s23], [sflag:$0x2] =	stream.indirect.gather [hbm4b:s4+s22], $0x80, s22, s22, $0xb8;
	[tilespmem:$0x1E800] =	vst v63  }
0x58: {  	_ =	swait.ge [sflag:s24], $0x4000  }
0x59: {  	[sflag:s24] =	ssyncset.done $0x0  }
0x5a: {  	s8 =	simm.s32 $0x1400;
	[sflag:s24] =	ssyncadd.s32 $0xFFFFC000  }
0x5b: {  	[spmem:s1] =	stream.indirect.scatter.add.f32 [tilespmem:s19], [sflag:$0x3], $0x80, s8, s22, $0xb8;
	[tilespmem:$0x1E800] =	vst v63  }
0x5c: {  	_ =	swait.ge [sflag:s25], $0x4000  }
0x5d: {  	[sflag:s25] =	ssyncset.done $0x0  }
0x5e: {  	s6 =	simm.s32 $0x1480;
	[sflag:s25] =	ssyncadd.s32 $0xFFFFC000  }
0x5f: {  	[spmem:s1] =	stream.indirect.scatter.add.f32 [tilespmem:s23], [sflag:$0x4], $0x80, s6, s22, $0xb8;
	[tilespmem:$0x1E800] =	vst v63  }
0x60: {  	_ =	swait.ge [sflag:s26], $0x4000  }
0x61: {  	[sflag:s26] =	ssyncset.done $0x0  }
0x62: {  	s8 =	simm.s32 $0x100;
	[sflag:s26] =	ssyncadd.s32 $0xFFFFC000  }
0x63: {  	[tilespmem:s19], [sflag:$0x1] =	stream.indirect.gather [hbm4b:s4+s22], $0x80, s8, s22, $0xb8;
	[tilespmem:$0x1E800] =	vst v63  }
0x64: {  	_ =	swait.ge [sflag:s28], $0x4000  }
0x65: {  	[sflag:s28] =	ssyncset.done $0x0  }
0x66: {  	s0 =	simm.s32 $0x400;
	s6 =	simm.s32 $0x180;
	[sflag:s28] =	ssyncadd.s32 $0xFFFFC000  }
.LBB2_5:
0x67: {  	[tilespmem:s23], [sflag:$0x2] =	stream.indirect.gather [hbm4b:s4+s22], $0x80, s6, s22, $0xb8;
	[tilespmem:$0x1E800] =	vst v63  }
0x68: {  	s6 =	smov.u32 s0  }
0x69: {  	p1 =	sne.s32 s0, $0x4800;
	s0 =	sadd.s32 $0x400, s0;
	_ =	swait.ge [sflag:s24], $0x4000  }
0x6a: {  	s6 =	sshra.s32 s6, $0x2;
	[sflag:s24] =	ssyncset.done $0x0  }
0x6b: {  	s8 =	sadd.s32 $0x1400, s6;
	[sflag:s24] =	ssyncadd.s32 $0xFFFFC000  }
0x6c: {  	[spmem:s1] =	stream.indirect.scatter.add.f32 [tilespmem:s19], [sflag:$0x3], $0x80, s8, s22, $0xb8;
	[tilespmem:$0x1E800] =	vst v63  }
0x6d: {  	_ =	swait.ge [sflag:s25], $0x4000  }
0x6e: {  	[sflag:s25] =	ssyncset.done $0x0  }
0x6f: {  	s8 =	sadd.s32 $0x1480, s6;
	[sflag:s25] =	ssyncadd.s32 $0xFFFFC000  }
0x70: {  	[spmem:s1] =	stream.indirect.scatter.add.f32 [tilespmem:s23], [sflag:$0x4], $0x80, s8, s22, $0xb8;
	[tilespmem:$0x1E800] =	vst v63  }
0x71: {  	_ =	swait.ge [sflag:s26], $0x4000  }
0x72: {  	[sflag:s26] =	ssyncset.done $0x0  }
.Ltmp4:
0x73: {  	s8 =	sadd.s32 $0x100, s6;
	[sflag:s26] =	ssyncadd.s32 $0xFFFFC000;
	(pc) =	sbr.rel @p1 .LBB2_5-.Ltmp4, $4  }
0x74: {  	[tilespmem:s19], [sflag:$0x1] =	stream.indirect.gather [hbm4b:s4+s22], $0x80, s8, s22, $0xb8;
	[tilespmem:$0x1E800] =	vst v63  }
0x75: {  	_ =	swait.ge [sflag:s28], $0x4000  }
0x76: {  	[sflag:s28] =	ssyncset.done $0x0  }
0x77: {  	s6 =	sadd.s32 $0x180, s6;
	[sflag:s28] =	ssyncadd.s32 $0xFFFFC000  }
0x78: {  	[tilespmem:s23], [sflag:$0x2] =	stream.indirect.gather [hbm4b:s4+s22], $0x80, s6, s22, $0xb8;
	[tilespmem:$0x1E800] =	vst v63  }
0x79: {  	_ =	swait.ge [sflag:s24], $0x4000  }
0x7a: {  	[sflag:s24] =	ssyncset.done $0x0  }
0x7b: {  	[sflag:s24] =	ssyncadd.s32 $0xFFFFC000  }
0x7c: {  	[spmem:s1] =	stream.indirect.scatter.add.f32 [tilespmem:s19], [sflag:$0x3], $0x80, s29, s22, $0xb8;
	[tilespmem:$0x1E800] =	vst v63  }
0x7d: {  	_ =	swait.ge [sflag:s25], $0x4000  }
0x7e: {  	[sflag:s25] =	ssyncset.done $0x0  }
0x7f: {  	[sflag:s25] =	ssyncadd.s32 $0xFFFFC000  }
0x80: {  	[spmem:s1] =	stream.indirect.scatter.add.f32 [tilespmem:s23], [sflag:$0x4], $0x80, s30, s22, $0xb8;
	[tilespmem:$0x1E800] =	vst v63  }
0x81: {  	_ =	swait.ge [sflag:s26], $0x4000  }
0x82: {  	[sflag:s26] =	ssyncset.done $0x0  }
0x83: {  	[sflag:s26] =	ssyncadd.s32 $0xFFFFC000  }
0x84: {  	_ =	swait.ge [sflag:s28], $0x4000  }
0x85: {  	[sflag:s28] =	ssyncset.done $0x0  }
0x86: {  	s0 =	simm.s32 $0x0;
	[sflag:s28] =	ssyncadd.s32 $0xFFFFC000  }
0x87: {  	[tilespmem:s0], [sflag:$0x5] =	stream.linear.gather [hbm4b:s12+s0], $0x1400, $0x38;
	[tilespmem:$0x1E800] =	vst v63  }
0x88: {  	_ =	swait.ge [sflag:s20], $0x1400  }
0x89: {  	[sflag:s20] =	ssyncset.done $0x0  }
0x8a: {  	[sflag:s20] =	ssyncadd.s32 $0xFFFFEC00  }
0x8b: {  	[tilespmem:s21], [sflag:$0x5] =	stream.linear.gather [hbm4b:s13+s0], $0x1400, $0x38;
	[tilespmem:$0x1E800] =	vst v63  }
0x8c: {  	_ =	swait.ge [sflag:s20], $0x1400  }
0x8d: {  	[sflag:s20] =	ssyncset.done $0x0  }
0x8e: {  	[sflag:s20] =	ssyncadd.s32 $0xFFFFEC00  }
0x8f: {  	[tilespmem:s19], [sflag:$0x1] =	stream.indirect.gather [hbm4b:s4+s22], $0x80, s0, s22, $0xb8;
	[tilespmem:$0x1E800] =	vst v63  }
0x90: {  	_ = 	snop  }
0x91: {  	[tilespmem:s23], [sflag:$0x2] =	stream.indirect.gather [hbm4b:s4+s22], $0x80, s22, s22, $0xb8;
	[tilespmem:$0x1E800] =	vst v63  }
0x92: {  	_ =	swait.ge [sflag:s24], $0x4000  }
0x93: {  	[sflag:s24] =	ssyncset.done $0x0  }
0x94: {  	s8 =	simm.s32 $0x1400;
	[sflag:s24] =	ssyncadd.s32 $0xFFFFC000  }
0x95: {  	[spmem:s1] =	stream.indirect.scatter.add.f32 [tilespmem:s19], [sflag:$0x3], $0x80, s8, s22, $0xb8;
	[tilespmem:$0x1E800] =	vst v63  }
0x96: {  	_ =	swait.ge [sflag:s25], $0x4000  }
0x97: {  	[sflag:s25] =	ssyncset.done $0x0  }
0x98: {  	s6 =	simm.s32 $0x1480;
	[sflag:s25] =	ssyncadd.s32 $0xFFFFC000  }
0x99: {  	[spmem:s1] =	stream.indirect.scatter.add.f32 [tilespmem:s23], [sflag:$0x4], $0x80, s6, s22, $0xb8;
	[tilespmem:$0x1E800] =	vst v63  }
0x9a: {  	_ =	swait.ge [sflag:s26], $0x4000  }
0x9b: {  	[sflag:s26] =	ssyncset.done $0x0  }
0x9c: {  	s8 =	simm.s32 $0x100;
	[sflag:s26] =	ssyncadd.s32 $0xFFFFC000  }
0x9d: {  	[tilespmem:s19], [sflag:$0x1] =	stream.indirect.gather [hbm4b:s4+s22], $0x80, s8, s22, $0xb8;
	[tilespmem:$0x1E800] =	vst v63  }
0x9e: {  	_ =	swait.ge [sflag:s28], $0x4000  }
0x9f: {  	[sflag:s28] =	ssyncset.done $0x0  }
0xa0: {  	s0 =	simm.s32 $0x400;
	s6 =	simm.s32 $0x180;
	[sflag:s28] =	ssyncadd.s32 $0xFFFFC000  }
.LBB2_7:
0xa1: {  	[tilespmem:s23], [sflag:$0x2] =	stream.indirect.gather [hbm4b:s4+s22], $0x80, s6, s22, $0xb8;
	[tilespmem:$0x1E800] =	vst v63  }
0xa2: {  	s6 =	smov.u32 s0  }
0xa3: {  	p1 =	seq.s32 s0, $0x4800;
	s0 =	sadd.s32 $0x400, s0;
	_ =	swait.ge [sflag:s24], $0x4000  }
0xa4: {  	s6 =	sshra.s32 s6, $0x2;
	[sflag:s24] =	ssyncset.done $0x0  }
0xa5: {  	s8 =	sadd.s32 $0x1400, s6;
	[sflag:s24] =	ssyncadd.s32 $0xFFFFC000  }
0xa6: {  	[spmem:s1] =	stream.indirect.scatter.add.f32 [tilespmem:s19], [sflag:$0x3], $0x80, s8, s22, $0xb8;
	[tilespmem:$0x1E800] =	vst v63  }
0xa7: {  	_ =	swait.ge [sflag:s25], $0x4000  }
0xa8: {  	[sflag:s25] =	ssyncset.done $0x0  }
0xa9: {  	s8 =	sadd.s32 $0x1480, s6;
	[sflag:s25] =	ssyncadd.s32 $0xFFFFC000  }
0xaa: {  	[spmem:s1] =	stream.indirect.scatter.add.f32 [tilespmem:s23], [sflag:$0x4], $0x80, s8, s22, $0xb8;
	[tilespmem:$0x1E800] =	vst v63  }
0xab: {  	_ =	swait.ge [sflag:s26], $0x4000  }
0xac: {  	[sflag:s26] =	ssyncset.done $0x0  }
.Ltmp5:
0xad: {  	s8 =	sadd.s32 $0x100, s6;
	[sflag:s26] =	ssyncadd.s32 $0xFFFFC000;
	(pc) =	sbr.rel @!p1 .LBB2_7-.Ltmp5, $4  }
0xae: {  	[tilespmem:s19], [sflag:$0x1] =	stream.indirect.gather [hbm4b:s4+s22], $0x80, s8, s22, $0xb8;
	[tilespmem:$0x1E800] =	vst v63  }
0xaf: {  	_ =	swait.ge [sflag:s28], $0x4000  }
0xb0: {  	[sflag:s28] =	ssyncset.done $0x0  }
0xb1: {  	s6 =	sadd.s32 $0x180, s6;
	[sflag:s28] =	ssyncadd.s32 $0xFFFFC000  }
.Ltmp6:
0xb2: {  	(pc) =	sbr.rel .LBB2_14-.Ltmp6, $3  }
0xb3: {  	_ =	sdelay $0x1  }
0xb4: {  	[tilespmem:s23], [sflag:$0x2] =	stream.indirect.gather [hbm4b:s4+s22], $0x80, s6, s22, $0xb8;
	[tilespmem:$0x1E800] =	vst v63  }
0xb5: {  	s0 =	rddreg [dreg:$0x3]  }
.LBB2_9:
0xb6: {  	[tilespmem:s19], [sflag:$0x1] =	stream.indirect.gather [hbm4b:s5+s22], $0x80, s0, s22, $0xb8;
	[tilespmem:$0x1E800] =	vst v63  }
0xb7: {  	_ = 	snop  }
0xb8: {  	[tilespmem:s23], [sflag:$0x2] =	stream.indirect.gather [hbm4b:s5+s22], $0x80, s22, s22, $0xb8;
	[tilespmem:$0x1E800] =	vst v63  }
0xb9: {  	_ =	swait.ge [sflag:s24], $0x4000  }
0xba: {  	[sflag:s24] =	ssyncset.done $0x0  }
0xbb: {  	s8 =	simm.s32 $0x1400;
	[sflag:s24] =	ssyncadd.s32 $0xFFFFC000  }
0xbc: {  	[spmem:s1] =	stream.indirect.scatter.add.f32 [tilespmem:s19], [sflag:$0x3], $0x80, s8, s22, $0xb8;
	[tilespmem:$0x1E800] =	vst v63  }
0xbd: {  	_ =	swait.ge [sflag:s25], $0x4000  }
0xbe: {  	[sflag:s25] =	ssyncset.done $0x0  }
0xbf: {  	s6 =	simm.s32 $0x1480;
	[sflag:s25] =	ssyncadd.s32 $0xFFFFC000  }
0xc0: {  	[spmem:s1] =	stream.indirect.scatter.add.f32 [tilespmem:s23], [sflag:$0x4], $0x80, s6, s22, $0xb8;
	[tilespmem:$0x1E800] =	vst v63  }
0xc1: {  	_ =	swait.ge [sflag:s26], $0x4000  }
0xc2: {  	[sflag:s26] =	ssyncset.done $0x0  }
0xc3: {  	s8 =	simm.s32 $0x100;
	[sflag:s26] =	ssyncadd.s32 $0xFFFFC000  }
0xc4: {  	[tilespmem:s19], [sflag:$0x1] =	stream.indirect.gather [hbm4b:s5+s22], $0x80, s8, s22, $0xb8;
	[tilespmem:$0x1E800] =	vst v63  }
0xc5: {  	_ =	swait.ge [sflag:s28], $0x4000  }
0xc6: {  	[sflag:s28] =	ssyncset.done $0x0  }
0xc7: {  	s0 =	simm.s32 $0x400;
	s6 =	simm.s32 $0x180;
	[sflag:s28] =	ssyncadd.s32 $0xFFFFC000  }
.LBB2_10:
0xc8: {  	[tilespmem:s23], [sflag:$0x2] =	stream.indirect.gather [hbm4b:s5+s22], $0x80, s6, s22, $0xb8;
	[tilespmem:$0x1E800] =	vst v63  }
0xc9: {  	s6 =	smov.u32 s0  }
0xca: {  	p1 =	sne.s32 s0, $0x4800;
	s0 =	sadd.s32 $0x400, s0;
	_ =	swait.ge [sflag:s24], $0x4000  }
0xcb: {  	s6 =	sshra.s32 s6, $0x2;
	[sflag:s24] =	ssyncset.done $0x0  }
0xcc: {  	s8 =	sadd.s32 $0x1400, s6;
	[sflag:s24] =	ssyncadd.s32 $0xFFFFC000  }
0xcd: {  	[spmem:s1] =	stream.indirect.scatter.add.f32 [tilespmem:s19], [sflag:$0x3], $0x80, s8, s22, $0xb8;
	[tilespmem:$0x1E800] =	vst v63  }
0xce: {  	_ =	swait.ge [sflag:s25], $0x4000  }
0xcf: {  	[sflag:s25] =	ssyncset.done $0x0  }
0xd0: {  	s8 =	sadd.s32 $0x1480, s6;
	[sflag:s25] =	ssyncadd.s32 $0xFFFFC000  }
0xd1: {  	[spmem:s1] =	stream.indirect.scatter.add.f32 [tilespmem:s23], [sflag:$0x4], $0x80, s8, s22, $0xb8;
	[tilespmem:$0x1E800] =	vst v63  }
0xd2: {  	_ =	swait.ge [sflag:s26], $0x4000  }
0xd3: {  	[sflag:s26] =	ssyncset.done $0x0  }
.Ltmp7:
0xd4: {  	s8 =	sadd.s32 $0x100, s6;
	[sflag:s26] =	ssyncadd.s32 $0xFFFFC000;
	(pc) =	sbr.rel @p1 .LBB2_10-.Ltmp7, $4  }
0xd5: {  	[tilespmem:s19], [sflag:$0x1] =	stream.indirect.gather [hbm4b:s5+s22], $0x80, s8, s22, $0xb8;
	[tilespmem:$0x1E800] =	vst v63  }
0xd6: {  	_ =	swait.ge [sflag:s28], $0x4000  }
0xd7: {  	[sflag:s28] =	ssyncset.done $0x0  }
0xd8: {  	s6 =	sadd.s32 $0x180, s6;
	[sflag:s28] =	ssyncadd.s32 $0xFFFFC000  }
0xd9: {  	[tilespmem:s23], [sflag:$0x2] =	stream.indirect.gather [hbm4b:s5+s22], $0x80, s6, s22, $0xb8;
	[tilespmem:$0x1E800] =	vst v63  }
0xda: {  	_ =	swait.ge [sflag:s24], $0x4000  }
0xdb: {  	[sflag:s24] =	ssyncset.done $0x0  }
0xdc: {  	[sflag:s24] =	ssyncadd.s32 $0xFFFFC000  }
0xdd: {  	[spmem:s1] =	stream.indirect.scatter.add.f32 [tilespmem:s19], [sflag:$0x3], $0x80, s29, s22, $0xb8;
	[tilespmem:$0x1E800] =	vst v63  }
0xde: {  	_ =	swait.ge [sflag:s25], $0x4000  }
0xdf: {  	[sflag:s25] =	ssyncset.done $0x0  }
0xe0: {  	[sflag:s25] =	ssyncadd.s32 $0xFFFFC000  }
0xe1: {  	[spmem:s1] =	stream.indirect.scatter.add.f32 [tilespmem:s23], [sflag:$0x4], $0x80, s30, s22, $0xb8;
	[tilespmem:$0x1E800] =	vst v63  }
0xe2: {  	_ =	swait.ge [sflag:s26], $0x4000  }
0xe3: {  	[sflag:s26] =	ssyncset.done $0x0  }
0xe4: {  	[sflag:s26] =	ssyncadd.s32 $0xFFFFC000  }
0xe5: {  	_ =	swait.ge [sflag:s28], $0x4000  }
0xe6: {  	[sflag:s28] =	ssyncset.done $0x0  }
0xe7: {  	s0 =	simm.s32 $0x0;
	[sflag:s28] =	ssyncadd.s32 $0xFFFFC000  }
0xe8: {  	[tilespmem:s0], [sflag:$0x5] =	stream.linear.gather [hbm4b:s12+s0], $0x1400, $0x38;
	[tilespmem:$0x1E800] =	vst v63  }
0xe9: {  	_ =	swait.ge [sflag:s20], $0x1400  }
0xea: {  	[sflag:s20] =	ssyncset.done $0x0  }
0xeb: {  	[sflag:s20] =	ssyncadd.s32 $0xFFFFEC00  }
0xec: {  	[tilespmem:s21], [sflag:$0x5] =	stream.linear.gather [hbm4b:s13+s0], $0x1400, $0x38;
	[tilespmem:$0x1E800] =	vst v63  }
0xed: {  	_ =	swait.ge [sflag:s20], $0x1400  }
0xee: {  	[sflag:s20] =	ssyncset.done $0x0  }
0xef: {  	[sflag:s20] =	ssyncadd.s32 $0xFFFFEC00  }
0xf0: {  	[tilespmem:s19], [sflag:$0x1] =	stream.indirect.gather [hbm4b:s5+s22], $0x80, s0, s22, $0xb8;
	[tilespmem:$0x1E800] =	vst v63  }
0xf1: {  	_ = 	snop  }
0xf2: {  	[tilespmem:s23], [sflag:$0x2] =	stream.indirect.gather [hbm4b:s5+s22], $0x80, s22, s22, $0xb8;
	[tilespmem:$0x1E800] =	vst v63  }
0xf3: {  	_ =	swait.ge [sflag:s24], $0x4000  }
0xf4: {  	[sflag:s24] =	ssyncset.done $0x0  }
0xf5: {  	s8 =	simm.s32 $0x1400;
	[sflag:s24] =	ssyncadd.s32 $0xFFFFC000  }
0xf6: {  	[spmem:s1] =	stream.indirect.scatter.add.f32 [tilespmem:s19], [sflag:$0x3], $0x80, s8, s22, $0xb8;
	[tilespmem:$0x1E800] =	vst v63  }
0xf7: {  	_ =	swait.ge [sflag:s25], $0x4000  }
0xf8: {  	[sflag:s25] =	ssyncset.done $0x0  }
0xf9: {  	s6 =	simm.s32 $0x1480;
	[sflag:s25] =	ssyncadd.s32 $0xFFFFC000  }
0xfa: {  	[spmem:s1] =	stream.indirect.scatter.add.f32 [tilespmem:s23], [sflag:$0x4], $0x80, s6, s22, $0xb8;
	[tilespmem:$0x1E800] =	vst v63  }
0xfb: {  	_ =	swait.ge [sflag:s26], $0x4000  }
0xfc: {  	[sflag:s26] =	ssyncset.done $0x0  }
0xfd: {  	s8 =	simm.s32 $0x100;
	[sflag:s26] =	ssyncadd.s32 $0xFFFFC000  }
0xfe: {  	[tilespmem:s19], [sflag:$0x1] =	stream.indirect.gather [hbm4b:s5+s22], $0x80, s8, s22, $0xb8;
	[tilespmem:$0x1E800] =	vst v63  }
0xff: {  	_ =	swait.ge [sflag:s28], $0x4000  }
0x100: {  	[sflag:s28] =	ssyncset.done $0x0  }
0x101: {  	s0 =	simm.s32 $0x400;
	s6 =	simm.s32 $0x180;
	[sflag:s28] =	ssyncadd.s32 $0xFFFFC000  }
.LBB2_12:
0x102: {  	[tilespmem:s23], [sflag:$0x2] =	stream.indirect.gather [hbm4b:s5+s22], $0x80, s6, s22, $0xb8;
	[tilespmem:$0x1E800] =	vst v63  }
0x103: {  	s6 =	smov.u32 s0  }
0x104: {  	p1 =	sne.s32 s0, $0x4800;
	s0 =	sadd.s32 $0x400, s0;
	_ =	swait.ge [sflag:s24], $0x4000  }
0x105: {  	s6 =	sshra.s32 s6, $0x2;
	[sflag:s24] =	ssyncset.done $0x0  }
0x106: {  	s8 =	sadd.s32 $0x1400, s6;
	[sflag:s24] =	ssyncadd.s32 $0xFFFFC000  }
0x107: {  	[spmem:s1] =	stream.indirect.scatter.add.f32 [tilespmem:s19], [sflag:$0x3], $0x80, s8, s22, $0xb8;
	[tilespmem:$0x1E800] =	vst v63  }
0x108: {  	_ =	swait.ge [sflag:s25], $0x4000  }
0x109: {  	[sflag:s25] =	ssyncset.done $0x0  }
0x10a: {  	s8 =	sadd.s32 $0x1480, s6;
	[sflag:s25] =	ssyncadd.s32 $0xFFFFC000  }
0x10b: {  	[spmem:s1] =	stream.indirect.scatter.add.f32 [tilespmem:s23], [sflag:$0x4], $0x80, s8, s22, $0xb8;
	[tilespmem:$0x1E800] =	vst v63  }
0x10c: {  	_ =	swait.ge [sflag:s26], $0x4000  }
0x10d: {  	[sflag:s26] =	ssyncset.done $0x0  }
.Ltmp8:
0x10e: {  	s8 =	sadd.s32 $0x100, s6;
	[sflag:s26] =	ssyncadd.s32 $0xFFFFC000;
	(pc) =	sbr.rel @p1 .LBB2_12-.Ltmp8, $4  }
0x10f: {  	[tilespmem:s19], [sflag:$0x1] =	stream.indirect.gather [hbm4b:s5+s22], $0x80, s8, s22, $0xb8;
	[tilespmem:$0x1E800] =	vst v63  }
0x110: {  	_ =	swait.ge [sflag:s28], $0x4000  }
0x111: {  	[sflag:s28] =	ssyncset.done $0x0  }
0x112: {  	s6 =	sadd.s32 $0x180, s6;
	[sflag:s28] =	ssyncadd.s32 $0xFFFFC000  }
.Ltmp9:
0x113: {  	_ = 	snop;
	(pc) =	sbr.rel .LBB2_13-.Ltmp9, $1  }
0x114: {  	_ =	sdelay $0x3  }
.LBB2_15:
0x115: {  	_ =	sfence.sel $0x180000  }
0x116: {  	[bflag:$0x0] =	sbarrier.arrive $0xFFFF  }
0x117: {  	_ =	strace $0x90000047  }
0x118: {  	[bflag:$0x2] =	sbarrier.arrive $0xFFFF  }
0x119: {  	p0 =	sne.s32 s3, $0x0;
	s0 =	rddreg [dreg:$0x2]  }
0x11a: {  	s0 =	sadd.s32 @!p0 $0x100000, s0  }
0x11b: {  	[sflag:s0] =	ssyncadd.tile.s32 @!p0 $0x1;
	_ =	shalt  }
.Lfunc_end2:
_tile_overlayer_lowered:
.L_overlay_start_2:
0x11c: {  	(tag) =	ssettag $0x2  }
0x11d: {  	s0 =	rddreg [dreg:$0x0];
	s2 =	stileid.u32  }
0x11e: {  	s1 =	rddreg [dreg:$0x1];
	p0 =	sne.s32 s2, $0x0  }
0x11f: {  	s3 =	rddreg [dreg:$0x2];
	[bflag:$0x3] =	sbarrier.arrive $0xFFFF;
	s2 =	simm.s32 @!p0 $0x1C05  }
0x120: {  	[timem:s3], [sflag:s2] =	dma.local @!p0 [hbm:s0], s1  }
0x121: {  	s0 =	simm.s32 @!p0 $0x5  }
0x122: {  	_ =	swait.ge @!p0 [sflag:s0], s1  }
0x123: {  	s1 =	ssub.s32 @!p0 $0x0, s1;
	[sflag:s0] =	ssyncset.done @!p0 $0x0  }
0x124: {  	[sflag:s0] =	ssyncadd.s32 @!p0 s1  }
0x125: {  	[bflag:$0x3] =	sbarrier.arrive $0xFFFF  }
0x126: {  	_ =	shalt  }

</sc_bundles>
